<compile_context>
chip_gen: v7x
topology: tpu7x:2x2x1
jax: 0.10.2.dev20260603
libtpu: 0.0.44.dev20260713+nightly
codegen_flags: <defaults>
</compile_context>

<pallas_src>
import functools

import jax
import jax.numpy as jnp
from jax import lax
from jax.experimental import pallas as pl
from jax.experimental.pallas import tpu as pltpu
from jax.experimental.pallas import tpu_sc as plsc



def _round_to_bf16_bits(x):
    u = lax.bitcast_convert_type(x, jnp.uint32)
    return (u + 0x7FFF + ((u >> 16) & 1)) >> 16


def _proj_body(h_ref, p_ref, wqt_ref, wkt_ref, wvt_ref, q_ref, kv_ref):
    c = h_ref.shape[1]
    dp = p_ref.shape[1]
    hb = h_ref[...]
    q_ref[...] = jnp.dot(hb, wqt_ref[...], preferred_element_type=jnp.float32)
    kf = jnp.dot(hb, wkt_ref[...], preferred_element_type=jnp.float32)
    vf = jnp.dot(hb, wvt_ref[...], preferred_element_type=jnp.float32)
    word = _round_to_bf16_bits(kf) | (_round_to_bf16_bits(vf) << 16)
    kv_ref[:, :c] = lax.bitcast_convert_type(word, jnp.int32)
    kv_ref[:, c:c + dp] = lax.bitcast_convert_type(p_ref[...], jnp.int32)
    kv_ref[:, c + dp:] = jnp.zeros_like(kv_ref[:, c + dp:])


def _project(h2, p_pad, wqt, wkt, wvt, dtab, blk=512):
    bn, c = h2.shape
    dp = p_pad.shape[1]
    return pl.pallas_call(
        _proj_body,
        grid=(bn // blk,),
        in_specs=[
            pl.BlockSpec((blk, c), lambda i: (i, 0)),
            pl.BlockSpec((blk, dp), lambda i: (i, 0)),
            pl.BlockSpec((c, c), lambda i: (0, 0)),
            pl.BlockSpec((c, c), lambda i: (0, 0)),
            pl.BlockSpec((c, c), lambda i: (0, 0)),
        ],
        out_specs=[
            pl.BlockSpec((blk, c), lambda i: (i, 0)),
            pl.BlockSpec((blk, dtab), lambda i: (i, 0)),
        ],
        out_shape=[
            jax.ShapeDtypeStruct((bn, c), jnp.float32),
            jax.ShapeDtypeStruct((bn, dtab), jnp.int32),
        ],
    )(h2, p_pad, wqt, wkt, wvt)



def _make_sc_gather(rows_total, dtab):
    info = plsc.get_sparse_core_info()
    nw = info.num_cores * info.num_subcores
    per_w = rows_total // nw
    cs = 128
    n_chunks = per_w // cs
    mesh = plsc.VectorSubcoreMesh(core_axis_name="c", subcore_axis_name="s")

    @functools.partial(
        pl.kernel,
        mesh=mesh,
        out_type=jax.ShapeDtypeStruct((rows_total, dtab), jnp.int32),
        scratch_types=[
            pltpu.VMEM((per_w,), jnp.int32),
            pltpu.VMEM((cs, dtab), jnp.int32),
            pltpu.SemaphoreType.DMA,
        ],
    )
    def gather_kernel(kv_hbm, idx_hbm, gkv_hbm, idx_v, kv_v, sem_kv):
        num_cores = info.num_cores
        wid = lax.axis_index("s") * num_cores + lax.axis_index("c")
        base = wid * per_w
        pltpu.sync_copy(idx_hbm.at[pl.ds(base, per_w)], idx_v)

        def body(i, carry):
            off = base + i * cs
            pltpu.async_copy(kv_hbm.at[idx_v.at[pl.ds(i * cs, cs)]],
                             kv_v, sem_kv).wait()
            pltpu.sync_copy(kv_v, gkv_hbm.at[pl.ds(off, cs)])
            return carry

        lax.fori_loop(0, n_chunks, body, 0)

    return gather_kernel



def _attn_body(kk, cdim,
               gkv_ref, q_ref, cen_ref,
               w1x_ref, b1p_ref, w2p_ref, b2p_ref,
               bda_ref, b1t_ref, w2x_ref, ee_ref, wot_ref, bo_ref,
               out_ref):
    f32 = jnp.float32
    r = gkv_ref.shape[0]
    nb = q_ref.shape[0]

    rows = lax.broadcasted_iota(jnp.int32, (r, nb), 0)
    cols = lax.broadcasted_iota(jnp.int32, (r, nb), 1)
    s_mat = (rows // kk == cols).astype(f32)

    def segsum(x):
        return lax.dot_general(s_mat, x, (((0,), (0,)), ((), ())),
                               preferred_element_type=f32)

    def expand(x):
        return jnp.dot(s_mat, x, preferred_element_type=f32)

    dp = cen_ref.shape[1]
    gpos = lax.bitcast_convert_type(gkv_ref[:, cdim:cdim + dp], f32)
    rel = gpos - expand(cen_ref[...])
    d2 = jnp.sum(rel * rel, axis=1, keepdims=True)
    dist = jnp.sqrt(d2 + 1e-12)
    lane = lax.broadcasted_iota(jnp.int32, rel.shape, 1)
    geom = jnp.where(lane == 3, dist, rel)

    g1 = jnp.maximum(
        jnp.dot(geom, w1x_ref[...], preferred_element_type=f32) + b1p_ref[...],
        0.0)
    pe = jnp.dot(g1, w2p_ref[...], preferred_element_type=f32) + b2p_ref[...]

    word = gkv_ref[:, :cdim]
    kn = lax.bitcast_convert_type(word << 16, f32)
    vn = lax.bitcast_convert_type(word & jnp.int32(-65536), f32)
    relation = expand(q_ref[...]) - kn + pe
    inner = jnp.dot(relation, bda_ref[...], preferred_element_type=f32) + b1t_ref[...]
    logits = jnp.dot(jnp.maximum(inner, 0.0), w2x_ref[...],
                     preferred_element_type=f32)

    m = segsum(logits) * (1.0 / kk)
    pexp = jnp.exp(logits - expand(m))
    den = expand(segsum(pexp))
    w = pexp / den

    wexp = jnp.dot(w, ee_ref[...], preferred_element_type=f32)
    agg = segsum(wexp * (vn + pe))
    out_ref[...] = jnp.dot(agg, wot_ref[...], preferred_element_type=f32) + bo_ref[...]


def _attention(gkv, qp, cen, w1x, b1p, w2p, b2p, bda, b1t, w2x, ee,
               wot, bo_row, kk, nb=128):
    bn, c = qp.shape
    hh = w2x.shape[1]
    dp = cen.shape[1]
    dtab = gkv.shape[1]
    r = nb * kk
    grid = (bn // nb,)
    body = functools.partial(_attn_body, kk, c)
    return pl.pallas_call(
        body,
        grid=grid,
        in_specs=[
            pl.BlockSpec((r, dtab), lambda i: (i, 0)),
            pl.BlockSpec((nb, c), lambda i: (i, 0)),
            pl.BlockSpec((nb, dp), lambda i: (i, 0)),
            pl.BlockSpec((dp, c), lambda i: (0, 0)),
            pl.BlockSpec((1, c), lambda i: (0, 0)),
            pl.BlockSpec((c, c), lambda i: (0, 0)),
            pl.BlockSpec((1, c), lambda i: (0, 0)),
            pl.BlockSpec((c, c), lambda i: (0, 0)),
            pl.BlockSpec((1, c), lambda i: (0, 0)),
            pl.BlockSpec((c, hh), lambda i: (0, 0)),
            pl.BlockSpec((hh, c), lambda i: (0, 0)),
            pl.BlockSpec((c, c), lambda i: (0, 0)),
            pl.BlockSpec((1, c), lambda i: (0, 0)),
        ],
        out_specs=pl.BlockSpec((nb, c), lambda i: (i, 0)),
        out_shape=jax.ShapeDtypeStruct((bn, c), jnp.float32),
    )(gkv, qp, cen, w1x, b1p, w2p, b2p, bda, b1t, w2x, ee, wot, bo_row)



def kernel(h, P, idx, Wq, Wk, Wv, pm_w1, pm_b1, pm_w2, pm_b2,
           am_w1, am_b1, am_w2, am_b2, Wo, bo):
    f32 = jnp.float32
    bb, nn, c = h.shape
    kk = idx.shape[-1]
    hd = am_w1.shape[0]
    hh = c // hd
    dp = 16

    h2 = h.reshape(bb * nn, c)
    p_rows = jnp.transpose(P, (0, 2, 1)).reshape(bb * nn, 3)
    p_pad = jnp.pad(p_rows, ((0, 0), (0, dp - 3)))
    idx_g = (idx.astype(jnp.int32)
             + (jnp.arange(bb, dtype=jnp.int32) * nn)[:, None, None]
             ).reshape(bb * nn * kk)

    dtab = 384
    qp, kvt = _project(h2, p_pad, Wq.T, Wk.T, Wv.T, dtab)

    eye_h = jnp.eye(hh, dtype=f32)
    w1x = jnp.pad(pm_w1.T, ((0, dp - pm_w1.shape[1]), (0, 0)))
    bda = jnp.kron(eye_h, am_w1.T)
    b1t = jnp.tile(am_b1, hh)[None, :]
    w2x = jnp.kron(eye_h, am_w2.T)
    ee = jnp.kron(eye_h, jnp.ones((1, hd), dtype=f32))

    n_slices = 8
    rows_s = bb * nn * kk // n_slices
    bn_s = bb * nn // n_slices
    gather = _make_sc_gather(rows_s, dtab)
    outs = []
    for i in range(n_slices):
        gkv_i = gather(kvt, idx_g[i * rows_s:(i + 1) * rows_s])
        outs.append(_attention(
            gkv_i,
            qp[i * bn_s:(i + 1) * bn_s], p_pad[i * bn_s:(i + 1) * bn_s],
            w1x, pm_b1[None, :], pm_w2.T, pm_b2[None, :],
            bda, b1t, w2x, ee, Wo.T, bo[None, :], kk))
    return jnp.concatenate(outs, axis=0).reshape(bb, nn, c)

# --- scband reference (transcript-rebuilt; emitter-appended) ---
"""Pipeline reference for scband-geometry-guided-attention-58162447123324 (READ-ONLY COPY).

The authoritative reference and input builder live on the scoring server;
editing this copy changes nothing except your own understanding.
"""

import jax, jax.numpy as jnp
import numpy as np

B, N, K, DIM, H = 2, 4096, 16, 256, 8
HD = DIM // H

def _knn_gather(x, idx):
    # x: [B, M, C], idx: [B, N, K] -> [B, N, K, C]
    return jax.vmap(lambda xb, ib: xb[ib])(x, idx)

def setup_inputs(seed: int = 0):
    key = jax.random.key(seed)
    ks = jax.random.split(key, 16)
    h = jax.random.normal(ks[0], (B, N, DIM), dtype=jnp.float32)
    P = jax.random.normal(ks[1], (B, 3, N), dtype=jnp.float32)
    idx = jax.random.randint(ks[2], (B, N, K), 0, N)
    s = 1.0 / np.sqrt(DIM)
    sh = 1.0 / np.sqrt(HD)
    Wq = jax.random.normal(ks[3], (DIM, DIM), dtype=jnp.float32) * s
    Wk = jax.random.normal(ks[4], (DIM, DIM), dtype=jnp.float32) * s
    Wv = jax.random.normal(ks[5], (DIM, DIM), dtype=jnp.float32) * s
    pm_w1 = jax.random.normal(ks[6], (DIM, 4), dtype=jnp.float32) * 0.5
    pm_b1 = jnp.zeros((DIM,), dtype=jnp.float32)
    pm_w2 = jax.random.normal(ks[7], (DIM, DIM), dtype=jnp.float32) * s
    pm_b2 = jnp.zeros((DIM,), dtype=jnp.float32)
    am_w1 = jax.random.normal(ks[8], (HD, HD), dtype=jnp.float32) * sh
    am_b1 = jnp.zeros((HD,), dtype=jnp.float32)
    am_w2 = jax.random.normal(ks[9], (1, HD), dtype=jnp.float32) * sh
    am_b2 = jnp.zeros((1,), dtype=jnp.float32)
    Wo = jax.random.normal(ks[10], (DIM, DIM), dtype=jnp.float32) * s
    bo = jnp.zeros((DIM,), dtype=jnp.float32)
    return {"h": h, "P": P, "idx": idx, "Wq": Wq, "Wk": Wk, "Wv": Wv,
            "pm_w1": pm_w1, "pm_b1": pm_b1, "pm_w2": pm_w2, "pm_b2": pm_b2,
            "am_w1": am_w1, "am_b1": am_b1, "am_w2": am_w2, "am_b2": am_b2,
            "Wo": Wo, "bo": bo}

def reference(h, P, idx, Wq, Wk, Wv, pm_w1, pm_b1, pm_w2, pm_b2, am_w1, am_b1, am_w2, am_b2, Wo, bo):
    Bb, Nn, C = h.shape
    P_trans = jnp.transpose(P, (0, 2, 1))  # [B, N, 3]
    P_nbr = _knn_gather(P_trans, idx)      # [B, N, K, 3]
    rel_pos = P_nbr - P_trans[:, :, None, :]
    dist = jnp.sqrt(jnp.sum(rel_pos * rel_pos, axis=-1, keepdims=True) + 1e-12)
    geom_feat = jnp.concatenate([rel_pos, dist], axis=-1)  # [B, N, K, 4]
    pe = jax.nn.relu(geom_feat @ pm_w1.T + pm_b1) @ pm_w2.T + pm_b2
    pe = pe.reshape(Bb, Nn, K, H, HD)
    Q = (h @ Wq.T).reshape(Bb, Nn, 1, H, HD)
    K_nbr = _knn_gather(h @ Wk.T, idx).reshape(Bb, Nn, K, H, HD)
    V_nbr = _knn_gather(h @ Wv.T, idx).reshape(Bb, Nn, K, H, HD)
    relation = Q - K_nbr + pe
    attn_logits = jax.nn.relu(relation @ am_w1.T + am_b1) @ am_w2.T + am_b2  # [B, N, K, H, 1]
    attn_weights = jax.nn.softmax(attn_logits, axis=2)
    V_geom = V_nbr + pe
    agg = jnp.sum(attn_weights * V_geom, axis=2).reshape(Bb, Nn, C)
    return agg @ Wo.T + bo

if __name__ == "__main__":
    import jax
    _d = setup_inputs()
    print(jax.jit(kernel)(*tuple(_d.values())))

</pallas_src>

<mosaic_0001>
#map = affine_map<(d0, d1) -> (0, 0)>
#map1 = affine_map<(d0, d1) -> (0)>
module attributes {stable_mosaic.version = 14 : i64} {
  func.func @gather_kernel(%arg0: i32, %arg1: i32, %arg2: memref<8192x384xi32, #tpu.memory_space<hbm>>, %arg3: memref<16384xi32, #tpu.memory_space<hbm>>, %arg4: memref<16384x384xi32, #tpu.memory_space<hbm>>, %arg5: memref<512xi32, #tpu.memory_space<vmem>>, %arg6: memref<128x384xi32, #tpu.memory_space<vmem>>, %arg7: memref<!tpu.dma_semaphore, #tpu.memory_space<semaphore_mem>>) attributes {dimension_semantics = [#tpu.dimension_semantics<core_parallel>, #tpu.dimension_semantics<subcore_parallel>], iteration_bounds = array<i64: 2, 16>, scalar_prefetch = 0 : i64, scratch_operands = 3 : i64, tpu.core_type = #tpu.core_type<sc_vector_subcore>, window_params = [{transform_indices = #map}, {transform_indices = #map1}, {transform_indices = #map}]} {
    %mul3A = arith.constant 2 : i32
    %mul3A_0 = arith.muli %arg1, %mul3A : i32
    %add3A = arith.addi %mul3A_0, %arg0 : i32
    %mul3A_1 = arith.constant 512 : i32
    %mul3A_2 = arith.muli %add3A, %mul3A_1 : i32
    "tpu.region"() ({
      %run_scoped3A = tpu.sem_alloc : memref<!tpu.dma_semaphore, #tpu.memory_space<semaphore_mem>>
      %dma_start3A = tpu.memref_slice %arg3[%mul3A_2] : memref<16384xi32, #tpu.memory_space<hbm>> -> memref<512xi32, #tpu.memory_space<hbm>>
      %dma_start3A_8 = tpu.memref_slice %arg3[%mul3A_2] : memref<16384xi32, #tpu.memory_space<hbm>> -> memref<512xi32, #tpu.memory_space<hbm>>
      tpu.enqueue_dma source(%dma_start3A_8 : memref<512xi32, #tpu.memory_space<hbm>>) target(%arg5 : memref<512xi32, #tpu.memory_space<vmem>>) target_semaphore(%run_scoped3A : memref<!tpu.dma_semaphore, #tpu.memory_space<semaphore_mem>>)
      %dma_wait3A = tpu.memref_slice %arg3[%mul3A_2] : memref<16384xi32, #tpu.memory_space<hbm>> -> memref<512xi32, #tpu.memory_space<hbm>>
      %dma_wait3A_9 = tpu.memref_slice %arg3[%mul3A_2] : memref<16384xi32, #tpu.memory_space<hbm>> -> memref<512xi32, #tpu.memory_space<hbm>>
      tpu.wait_dma2 semaphore(%run_scoped3A : memref<!tpu.dma_semaphore, #tpu.memory_space<semaphore_mem>>) src(%dma_wait3A_9 : memref<512xi32, #tpu.memory_space<hbm>>) dst(%arg5 : memref<512xi32, #tpu.memory_space<vmem>>)
      tpu.yield
    }) : () -> ()
    %scan3A = arith.constant 0 : i32
    %scan3A_3 = arith.constant 0 : i32
    %scan3A_4 = arith.constant 4 : i32
    %scan3A_5 = arith.addi %scan3A_3, %scan3A_4 : i32
    %scan3A_6 = arith.constant 1 : i32
    scf.for %scan3A_8 = %scan3A_3 to %scan3A_5 step %scan3A_6  : i32 {
      %mul3A_9 = arith.constant 128 : i32
      %mul3A_10 = arith.muli %scan3A_8, %mul3A_9 : i32
      %add3A_11 = arith.addi %mul3A_2, %mul3A_10 : i32
      %mul3A_12 = arith.constant 128 : i32
      %mul3A_13 = arith.muli %scan3A_8, %mul3A_12 : i32
      %dma_start3A = tpu.memref_slice %arg5[%mul3A_13] : memref<512xi32, #tpu.memory_space<vmem>> -> memref<128xi32, #tpu.memory_space<vmem>>
      %dma_start3A_14 = arith.constant 0 : i32
      %dma_start3A_15 = arith.constant 0 : i32
      %dma_start3A_16 = tpu.memref_slice %arg2[%dma_start3A_14, %dma_start3A_15] : memref<8192x384xi32, #tpu.memory_space<hbm>> -> memref<8192x384xi32, #tpu.memory_space<hbm>>
      tpu.enqueue_indirect_dma source(%dma_start3A_16 : memref<8192x384xi32, #tpu.memory_space<hbm>>) target(%arg6 : memref<128x384xi32, #tpu.memory_space<vmem>>) offsets(%dma_start3A : memref<128xi32, #tpu.memory_space<vmem>>) semaphore(%arg7 : memref<!tpu.dma_semaphore, #tpu.memory_space<semaphore_mem>>)
      %dma_wait3A = tpu.memref_slice %arg5[%mul3A_13] : memref<512xi32, #tpu.memory_space<vmem>> -> memref<128xi32, #tpu.memory_space<vmem>>
      %dma_wait3A_17 = arith.constant 0 : i32
      %dma_wait3A_18 = arith.constant 0 : i32
      %dma_wait3A_19 = tpu.memref_slice %arg2[%dma_wait3A_17, %dma_wait3A_18] : memref<8192x384xi32, #tpu.memory_space<hbm>> -> memref<8192x384xi32, #tpu.memory_space<hbm>>
      tpu.wait_indirect_dma semaphore(%arg7 : memref<!tpu.dma_semaphore, #tpu.memory_space<semaphore_mem>>) src(%dma_wait3A_19 : memref<8192x384xi32, #tpu.memory_space<hbm>>) dst(%arg6 : memref<128x384xi32, #tpu.memory_space<vmem>>)
      "tpu.region"() ({
        %run_scoped3A = tpu.sem_alloc : memref<!tpu.dma_semaphore, #tpu.memory_space<semaphore_mem>>
        %dma_start3A_20 = arith.constant 0 : i32
        %dma_start3A_21 = tpu.memref_slice %arg4[%add3A_11, %dma_start3A_20] : memref<16384x384xi32, #tpu.memory_space<hbm>> -> memref<128x384xi32, #tpu.memory_space<hbm>>
        %dma_start3A_22 = arith.constant 0 : i32
        %dma_start3A_23 = tpu.memref_slice %arg4[%add3A_11, %dma_start3A_22] : memref<16384x384xi32, #tpu.memory_space<hbm>> -> memref<128x384xi32, #tpu.memory_space<hbm>>
        tpu.enqueue_dma source(%arg6 : memref<128x384xi32, #tpu.memory_space<vmem>>) target(%dma_start3A_23 : memref<128x384xi32, #tpu.memory_space<hbm>>) target_semaphore(%run_scoped3A : memref<!tpu.dma_semaphore, #tpu.memory_space<semaphore_mem>>)
        %dma_wait3A_24 = arith.constant 0 : i32
        %dma_wait3A_25 = tpu.memref_slice %arg4[%add3A_11, %dma_wait3A_24] : memref<16384x384xi32, #tpu.memory_space<hbm>> -> memref<128x384xi32, #tpu.memory_space<hbm>>
        %dma_wait3A_26 = arith.constant 0 : i32
        %dma_wait3A_27 = tpu.memref_slice %arg4[%add3A_11, %dma_wait3A_26] : memref<16384x384xi32, #tpu.memory_space<hbm>> -> memref<128x384xi32, #tpu.memory_space<hbm>>
        tpu.wait_dma2 semaphore(%run_scoped3A : memref<!tpu.dma_semaphore, #tpu.memory_space<semaphore_mem>>) src(%arg6 : memref<128x384xi32, #tpu.memory_space<vmem>>) dst(%dma_wait3A_27 : memref<128x384xi32, #tpu.memory_space<hbm>>)
        tpu.yield
      }) : () -> ()
    }
    %scan3A_7 = arith.constant 4 : i32
    return
  }
}

#map = affine_map<(d0, d1) -> (0, 0)>
#map1 = affine_map<(d0, d1) -> (0)>
module attributes {stable_mosaic.version = 14 : i64} {
  func.func @gather_kernel(%arg0: i32, %arg1: i32, %arg2: memref<8192x384xi32, #tpu.memory_space<hbm>>, %arg3: memref<16384xi32, #tpu.memory_space<hbm>>, %arg4: memref<16384x384xi32, #tpu.memory_space<hbm>>, %arg5: memref<512xi32, #tpu.memory_space<vmem>>, %arg6: memref<128x384xi32, #tpu.memory_space<vmem>>, %arg7: memref<!tpu.dma_semaphore, #tpu.memory_space<semaphore_mem>>) attributes {dimension_semantics = [#tpu.dimension_semantics<core_parallel>, #tpu.dimension_semantics<subcore_parallel>], iteration_bounds = array<i64: 2, 16>, scalar_prefetch = 0 : i64, scratch_operands = 3 : i64, tpu.core_type = #tpu.core_type<sc_vector_subcore>, window_params = [{transform_indices = #map}, {transform_indices = #map1}, {transform_indices = #map}]} {
    %mul3A = arith.constant 2 : i32
    %mul3A_0 = arith.muli %arg1, %mul3A : i32
    %add3A = arith.addi %mul3A_0, %arg0 : i32
    %mul3A_1 = arith.constant 512 : i32
    %mul3A_2 = arith.muli %add3A, %mul3A_1 : i32
    "tpu.region"() ({
      %run_scoped3A = tpu.sem_alloc : memref<!tpu.dma_semaphore, #tpu.memory_space<semaphore_mem>>
      %dma_start3A = tpu.memref_slice %arg3[%mul3A_2] : memref<16384xi32, #tpu.memory_space<hbm>> -> memref<512xi32, #tpu.memory_space<hbm>>
      %dma_start3A_8 = tpu.memref_slice %arg3[%mul3A_2] : memref<16384xi32, #tpu.memory_space<hbm>> -> memref<512xi32, #tpu.memory_space<hbm>>
      tpu.enqueue_dma source(%dma_start3A_8 : memref<512xi32, #tpu.memory_space<hbm>>) target(%arg5 : memref<512xi32, #tpu.memory_space<vmem>>) target_semaphore(%run_scoped3A : memref<!tpu.dma_semaphore, #tpu.memory_space<semaphore_mem>>)
      %dma_wait3A = tpu.memref_slice %arg3[%mul3A_2] : memref<16384xi32, #tpu.memory_space<hbm>> -> memref<512xi32, #tpu.memory_space<hbm>>
      %dma_wait3A_9 = tpu.memref_slice %arg3[%mul3A_2] : memref<16384xi32, #tpu.memory_space<hbm>> -> memref<512xi32, #tpu.memory_space<hbm>>
      tpu.wait_dma2 semaphore(%run_scoped3A : memref<!tpu.dma_semaphore, #tpu.memory_space<semaphore_mem>>) src(%dma_wait3A_9 : memref<512xi32, #tpu.memory_space<hbm>>) dst(%arg5 : memref<512xi32, #tpu.memory_space<vmem>>)
      tpu.yield
    }) : () -> ()
    %scan3A = arith.constant 0 : i32
    %scan3A_3 = arith.constant 0 : i32
    %scan3A_4 = arith.constant 4 : i32
    %scan3A_5 = arith.addi %scan3A_3, %scan3A_4 : i32
    %scan3A_6 = arith.constant 1 : i32
    scf.for %scan3A_8 = %scan3A_3 to %scan3A_5 step %scan3A_6  : i32 {
      %mul3A_9 = arith.constant 128 : i32
      %mul3A_10 = arith.muli %scan3A_8, %mul3A_9 : i32
      %add3A_11 = arith.addi %mul3A_2, %mul3A_10 : i32
      %mul3A_12 = arith.constant 128 : i32
      %mul3A_13 = arith.muli %scan3A_8, %mul3A_12 : i32
      %dma_start3A = tpu.memref_slice %arg5[%mul3A_13] : memref<512xi32, #tpu.memory_space<vmem>> -> memref<128xi32, #tpu.memory_space<vmem>>
      %dma_start3A_14 = arith.constant 0 : i32
      %dma_start3A_15 = arith.constant 0 : i32
      %dma_start3A_16 = tpu.memref_slice %arg2[%dma_start3A_14, %dma_start3A_15] : memref<8192x384xi32, #tpu.memory_space<hbm>> -> memref<8192x384xi32, #tpu.memory_space<hbm>>
      tpu.enqueue_indirect_dma source(%dma_start3A_16 : memref<8192x384xi32, #tpu.memory_space<hbm>>) target(%arg6 : memref<128x384xi32, #tpu.memory_space<vmem>>) offsets(%dma_start3A : memref<128xi32, #tpu.memory_space<vmem>>) semaphore(%arg7 : memref<!tpu.dma_semaphore, #tpu.memory_space<semaphore_mem>>)
      %dma_wait3A = tpu.memref_slice %arg5[%mul3A_13] : memref<512xi32, #tpu.memory_space<vmem>> -> memref<128xi32, #tpu.memory_space<vmem>>
      %dma_wait3A_17 = arith.constant 0 : i32
      %dma_wait3A_18 = arith.constant 0 : i32
      %dma_wait3A_19 = tpu.memref_slice %arg2[%dma_wait3A_17, %dma_wait3A_18] : memref<8192x384xi32, #tpu.memory_space<hbm>> -> memref<8192x384xi32, #tpu.memory_space<hbm>>
      tpu.wait_indirect_dma semaphore(%arg7 : memref<!tpu.dma_semaphore, #tpu.memory_space<semaphore_mem>>) src(%dma_wait3A_19 : memref<8192x384xi32, #tpu.memory_space<hbm>>) dst(%arg6 : memref<128x384xi32, #tpu.memory_space<vmem>>)
      "tpu.region"() ({
        %run_scoped3A = tpu.sem_alloc : memref<!tpu.dma_semaphore, #tpu.memory_space<semaphore_mem>>
        %dma_start3A_20 = arith.constant 0 : i32
        %dma_start3A_21 = tpu.memref_slice %arg4[%add3A_11, %dma_start3A_20] : memref<16384x384xi32, #tpu.memory_space<hbm>> -> memref<128x384xi32, #tpu.memory_space<hbm>>
        %dma_start3A_22 = arith.constant 0 : i32
        %dma_start3A_23 = tpu.memref_slice %arg4[%add3A_11, %dma_start3A_22] : memref<16384x384xi32, #tpu.memory_space<hbm>> -> memref<128x384xi32, #tpu.memory_space<hbm>>
        tpu.enqueue_dma source(%arg6 : memref<128x384xi32, #tpu.memory_space<vmem>>) target(%dma_start3A_23 : memref<128x384xi32, #tpu.memory_space<hbm>>) target_semaphore(%run_scoped3A : memref<!tpu.dma_semaphore, #tpu.memory_space<semaphore_mem>>)
        %dma_wait3A_24 = arith.constant 0 : i32
        %dma_wait3A_25 = tpu.memref_slice %arg4[%add3A_11, %dma_wait3A_24] : memref<16384x384xi32, #tpu.memory_space<hbm>> -> memref<128x384xi32, #tpu.memory_space<hbm>>
        %dma_wait3A_26 = arith.constant 0 : i32
        %dma_wait3A_27 = tpu.memref_slice %arg4[%add3A_11, %dma_wait3A_26] : memref<16384x384xi32, #tpu.memory_space<hbm>> -> memref<128x384xi32, #tpu.memory_space<hbm>>
        tpu.wait_dma2 semaphore(%run_scoped3A : memref<!tpu.dma_semaphore, #tpu.memory_space<semaphore_mem>>) src(%arg6 : memref<128x384xi32, #tpu.memory_space<vmem>>) dst(%dma_wait3A_27 : memref<128x384xi32, #tpu.memory_space<hbm>>)
        tpu.yield
      }) : () -> ()
    }
    %scan3A_7 = arith.constant 4 : i32
    return
  }
}

#map = affine_map<(d0, d1) -> (0, 0)>
#map1 = affine_map<(d0, d1) -> (0)>
module attributes {stable_mosaic.version = 14 : i64} {
  func.func @gather_kernel(%arg0: i32, %arg1: i32, %arg2: memref<8192x384xi32, #tpu.memory_space<hbm>>, %arg3: memref<16384xi32, #tpu.memory_space<hbm>>, %arg4: memref<16384x384xi32, #tpu.memory_space<hbm>>, %arg5: memref<512xi32, #tpu.memory_space<vmem>>, %arg6: memref<128x384xi32, #tpu.memory_space<vmem>>, %arg7: memref<!tpu.dma_semaphore, #tpu.memory_space<semaphore_mem>>) attributes {dimension_semantics = [#tpu.dimension_semantics<core_parallel>, #tpu.dimension_semantics<subcore_parallel>], iteration_bounds = array<i64: 2, 16>, scalar_prefetch = 0 : i64, scratch_operands = 3 : i64, tpu.core_type = #tpu.core_type<sc_vector_subcore>, window_params = [{transform_indices = #map}, {transform_indices = #map1}, {transform_indices = #map}]} {
    %mul3A = arith.constant 2 : i32
    %mul3A_0 = arith.muli %arg1, %mul3A : i32
    %add3A = arith.addi %mul3A_0, %arg0 : i32
    %mul3A_1 = arith.constant 512 : i32
    %mul3A_2 = arith.muli %add3A, %mul3A_1 : i32
    "tpu.region"() ({
      %run_scoped3A = tpu.sem_alloc : memref<!tpu.dma_semaphore, #tpu.memory_space<semaphore_mem>>
      %dma_start3A = tpu.memref_slice %arg3[%mul3A_2] : memref<16384xi32, #tpu.memory_space<hbm>> -> memref<512xi32, #tpu.memory_space<hbm>>
      %dma_start3A_8 = tpu.memref_slice %arg3[%mul3A_2] : memref<16384xi32, #tpu.memory_space<hbm>> -> memref<512xi32, #tpu.memory_space<hbm>>
      tpu.enqueue_dma source(%dma_start3A_8 : memref<512xi32, #tpu.memory_space<hbm>>) target(%arg5 : memref<512xi32, #tpu.memory_space<vmem>>) target_semaphore(%run_scoped3A : memref<!tpu.dma_semaphore, #tpu.memory_space<semaphore_mem>>)
      %dma_wait3A = tpu.memref_slice %arg3[%mul3A_2] : memref<16384xi32, #tpu.memory_space<hbm>> -> memref<512xi32, #tpu.memory_space<hbm>>
      %dma_wait3A_9 = tpu.memref_slice %arg3[%mul3A_2] : memref<16384xi32, #tpu.memory_space<hbm>> -> memref<512xi32, #tpu.memory_space<hbm>>
      tpu.wait_dma2 semaphore(%run_scoped3A : memref<!tpu.dma_semaphore, #tpu.memory_space<semaphore_mem>>) src(%dma_wait3A_9 : memref<512xi32, #tpu.memory_space<hbm>>) dst(%arg5 : memref<512xi32, #tpu.memory_space<vmem>>)
      tpu.yield
    }) : () -> ()
    %scan3A = arith.constant 0 : i32
    %scan3A_3 = arith.constant 0 : i32
    %scan3A_4 = arith.constant 4 : i32
    %scan3A_5 = arith.addi %scan3A_3, %scan3A_4 : i32
    %scan3A_6 = arith.constant 1 : i32
    scf.for %scan3A_8 = %scan3A_3 to %scan3A_5 step %scan3A_6  : i32 {
      %mul3A_9 = arith.constant 128 : i32
      %mul3A_10 = arith.muli %scan3A_8, %mul3A_9 : i32
      %add3A_11 = arith.addi %mul3A_2, %mul3A_10 : i32
      %mul3A_12 = arith.constant 128 : i32
      %mul3A_13 = arith.muli %scan3A_8, %mul3A_12 : i32
      %dma_start3A = tpu.memref_slice %arg5[%mul3A_13] : memref<512xi32, #tpu.memory_space<vmem>> -> memref<128xi32, #tpu.memory_space<vmem>>
      %dma_start3A_14 = arith.constant 0 : i32
      %dma_start3A_15 = arith.constant 0 : i32
      %dma_start3A_16 = tpu.memref_slice %arg2[%dma_start3A_14, %dma_start3A_15] : memref<8192x384xi32, #tpu.memory_space<hbm>> -> memref<8192x384xi32, #tpu.memory_space<hbm>>
      tpu.enqueue_indirect_dma source(%dma_start3A_16 : memref<8192x384xi32, #tpu.memory_space<hbm>>) target(%arg6 : memref<128x384xi32, #tpu.memory_space<vmem>>) offsets(%dma_start3A : memref<128xi32, #tpu.memory_space<vmem>>) semaphore(%arg7 : memref<!tpu.dma_semaphore, #tpu.memory_space<semaphore_mem>>)
      %dma_wait3A = tpu.memref_slice %arg5[%mul3A_13] : memref<512xi32, #tpu.memory_space<vmem>> -> memref<128xi32, #tpu.memory_space<vmem>>
      %dma_wait3A_17 = arith.constant 0 : i32
      %dma_wait3A_18 = arith.constant 0 : i32
      %dma_wait3A_19 = tpu.memref_slice %arg2[%dma_wait3A_17, %dma_wait3A_18] : memref<8192x384xi32, #tpu.memory_space<hbm>> -> memref<8192x384xi32, #tpu.memory_space<hbm>>
      tpu.wait_indirect_dma semaphore(%arg7 : memref<!tpu.dma_semaphore, #tpu.memory_space<semaphore_mem>>) src(%dma_wait3A_19 : memref<8192x384xi32, #tpu.memory_space<hbm>>) dst(%arg6 : memref<128x384xi32, #tpu.memory_space<vmem>>)
      "tpu.region"() ({
        %run_scoped3A = tpu.sem_alloc : memref<!tpu.dma_semaphore, #tpu.memory_space<semaphore_mem>>
        %dma_start3A_20 = arith.constant 0 : i32
        %dma_start3A_21 = tpu.memref_slice %arg4[%add3A_11, %dma_start3A_20] : memref<16384x384xi32, #tpu.memory_space<hbm>> -> memref<128x384xi32, #tpu.memory_space<hbm>>
        %dma_start3A_22 = arith.constant 0 : i32
        %dma_start3A_23 = tpu.memref_slice %arg4[%add3A_11, %dma_start3A_22] : memref<16384x384xi32, #tpu.memory_space<hbm>> -> memref<128x384xi32, #tpu.memory_space<hbm>>
        tpu.enqueue_dma source(%arg6 : memref<128x384xi32, #tpu.memory_space<vmem>>) target(%dma_start3A_23 : memref<128x384xi32, #tpu.memory_space<hbm>>) target_semaphore(%run_scoped3A : memref<!tpu.dma_semaphore, #tpu.memory_space<semaphore_mem>>)
        %dma_wait3A_24 = arith.constant 0 : i32
        %dma_wait3A_25 = tpu.memref_slice %arg4[%add3A_11, %dma_wait3A_24] : memref<16384x384xi32, #tpu.memory_space<hbm>> -> memref<128x384xi32, #tpu.memory_space<hbm>>
        %dma_wait3A_26 = arith.constant 0 : i32
        %dma_wait3A_27 = tpu.memref_slice %arg4[%add3A_11, %dma_wait3A_26] : memref<16384x384xi32, #tpu.memory_space<hbm>> -> memref<128x384xi32, #tpu.memory_space<hbm>>
        tpu.wait_dma2 semaphore(%run_scoped3A : memref<!tpu.dma_semaphore, #tpu.memory_space<semaphore_mem>>) src(%arg6 : memref<128x384xi32, #tpu.memory_space<vmem>>) dst(%dma_wait3A_27 : memref<128x384xi32, #tpu.memory_space<hbm>>)
        tpu.yield
      }) : () -> ()
    }
    %scan3A_7 = arith.constant 4 : i32
    return
  }
}

#map = affine_map<(d0, d1) -> (0, 0)>
#map1 = affine_map<(d0, d1) -> (0)>
module attributes {stable_mosaic.version = 14 : i64} {
  func.func @gather_kernel(%arg0: i32, %arg1: i32, %arg2: memref<8192x384xi32, #tpu.memory_space<hbm>>, %arg3: memref<16384xi32, #tpu.memory_space<hbm>>, %arg4: memref<16384x384xi32, #tpu.memory_space<hbm>>, %arg5: memref<512xi32, #tpu.memory_space<vmem>>, %arg6: memref<128x384xi32, #tpu.memory_space<vmem>>, %arg7: memref<!tpu.dma_semaphore, #tpu.memory_space<semaphore_mem>>) attributes {dimension_semantics = [#tpu.dimension_semantics<core_parallel>, #tpu.dimension_semantics<subcore_parallel>], iteration_bounds = array<i64: 2, 16>, scalar_prefetch = 0 : i64, scratch_operands = 3 : i64, tpu.core_type = #tpu.core_type<sc_vector_subcore>, window_params = [{transform_indices = #map}, {transform_indices = #map1}, {transform_indices = #map}]} {
    %mul3A = arith.constant 2 : i32
    %mul3A_0 = arith.muli %arg1, %mul3A : i32
    %add3A = arith.addi %mul3A_0, %arg0 : i32
    %mul3A_1 = arith.constant 512 : i32
    %mul3A_2 = arith.muli %add3A, %mul3A_1 : i32
    "tpu.region"() ({
      %run_scoped3A = tpu.sem_alloc : memref<!tpu.dma_semaphore, #tpu.memory_space<semaphore_mem>>
      %dma_start3A = tpu.memref_slice %arg3[%mul3A_2] : memref<16384xi32, #tpu.memory_space<hbm>> -> memref<512xi32, #tpu.memory_space<hbm>>
      %dma_start3A_8 = tpu.memref_slice %arg3[%mul3A_2] : memref<16384xi32, #tpu.memory_space<hbm>> -> memref<512xi32, #tpu.memory_space<hbm>>
      tpu.enqueue_dma source(%dma_start3A_8 : memref<512xi32, #tpu.memory_space<hbm>>) target(%arg5 : memref<512xi32, #tpu.memory_space<vmem>>) target_semaphore(%run_scoped3A : memref<!tpu.dma_semaphore, #tpu.memory_space<semaphore_mem>>)
      %dma_wait3A = tpu.memref_slice %arg3[%mul3A_2] : memref<16384xi32, #tpu.memory_space<hbm>> -> memref<512xi32, #tpu.memory_space<hbm>>
      %dma_wait3A_9 = tpu.memref_slice %arg3[%mul3A_2] : memref<16384xi32, #tpu.memory_space<hbm>> -> memref<512xi32, #tpu.memory_space<hbm>>
      tpu.wait_dma2 semaphore(%run_scoped3A : memref<!tpu.dma_semaphore, #tpu.memory_space<semaphore_mem>>) src(%dma_wait3A_9 : memref<512xi32, #tpu.memory_space<hbm>>) dst(%arg5 : memref<512xi32, #tpu.memory_space<vmem>>)
      tpu.yield
    }) : () -> ()
    %scan3A = arith.constant 0 : i32
    %scan3A_3 = arith.constant 0 : i32
    %scan3A_4 = arith.constant 4 : i32
    %scan3A_5 = arith.addi %scan3A_3, %scan3A_4 : i32
    %scan3A_6 = arith.constant 1 : i32
    scf.for %scan3A_8 = %scan3A_3 to %scan3A_5 step %scan3A_6  : i32 {
      %mul3A_9 = arith.constant 128 : i32
      %mul3A_10 = arith.muli %scan3A_8, %mul3A_9 : i32
      %add3A_11 = arith.addi %mul3A_2, %mul3A_10 : i32
      %mul3A_12 = arith.constant 128 : i32
      %mul3A_13 = arith.muli %scan3A_8, %mul3A_12 : i32
      %dma_start3A = tpu.memref_slice %arg5[%mul3A_13] : memref<512xi32, #tpu.memory_space<vmem>> -> memref<128xi32, #tpu.memory_space<vmem>>
      %dma_start3A_14 = arith.constant 0 : i32
      %dma_start3A_15 = arith.constant 0 : i32
      %dma_start3A_16 = tpu.memref_slice %arg2[%dma_start3A_14, %dma_start3A_15] : memref<8192x384xi32, #tpu.memory_space<hbm>> -> memref<8192x384xi32, #tpu.memory_space<hbm>>
      tpu.enqueue_indirect_dma source(%dma_start3A_16 : memref<8192x384xi32, #tpu.memory_space<hbm>>) target(%arg6 : memref<128x384xi32, #tpu.memory_space<vmem>>) offsets(%dma_start3A : memref<128xi32, #tpu.memory_space<vmem>>) semaphore(%arg7 : memref<!tpu.dma_semaphore, #tpu.memory_space<semaphore_mem>>)
      %dma_wait3A = tpu.memref_slice %arg5[%mul3A_13] : memref<512xi32, #tpu.memory_space<vmem>> -> memref<128xi32, #tpu.memory_space<vmem>>
      %dma_wait3A_17 = arith.constant 0 : i32
      %dma_wait3A_18 = arith.constant 0 : i32
      %dma_wait3A_19 = tpu.memref_slice %arg2[%dma_wait3A_17, %dma_wait3A_18] : memref<8192x384xi32, #tpu.memory_space<hbm>> -> memref<8192x384xi32, #tpu.memory_space<hbm>>
      tpu.wait_indirect_dma semaphore(%arg7 : memref<!tpu.dma_semaphore, #tpu.memory_space<semaphore_mem>>) src(%dma_wait3A_19 : memref<8192x384xi32, #tpu.memory_space<hbm>>) dst(%arg6 : memref<128x384xi32, #tpu.memory_space<vmem>>)
      "tpu.region"() ({
        %run_scoped3A = tpu.sem_alloc : memref<!tpu.dma_semaphore, #tpu.memory_space<semaphore_mem>>
        %dma_start3A_20 = arith.constant 0 : i32
        %dma_start3A_21 = tpu.memref_slice %arg4[%add3A_11, %dma_start3A_20] : memref<16384x384xi32, #tpu.memory_space<hbm>> -> memref<128x384xi32, #tpu.memory_space<hbm>>
        %dma_start3A_22 = arith.constant 0 : i32
        %dma_start3A_23 = tpu.memref_slice %arg4[%add3A_11, %dma_start3A_22] : memref<16384x384xi32, #tpu.memory_space<hbm>> -> memref<128x384xi32, #tpu.memory_space<hbm>>
        tpu.enqueue_dma source(%arg6 : memref<128x384xi32, #tpu.memory_space<vmem>>) target(%dma_start3A_23 : memref<128x384xi32, #tpu.memory_space<hbm>>) target_semaphore(%run_scoped3A : memref<!tpu.dma_semaphore, #tpu.memory_space<semaphore_mem>>)
        %dma_wait3A_24 = arith.constant 0 : i32
        %dma_wait3A_25 = tpu.memref_slice %arg4[%add3A_11, %dma_wait3A_24] : memref<16384x384xi32, #tpu.memory_space<hbm>> -> memref<128x384xi32, #tpu.memory_space<hbm>>
        %dma_wait3A_26 = arith.constant 0 : i32
        %dma_wait3A_27 = tpu.memref_slice %arg4[%add3A_11, %dma_wait3A_26] : memref<16384x384xi32, #tpu.memory_space<hbm>> -> memref<128x384xi32, #tpu.memory_space<hbm>>
        tpu.wait_dma2 semaphore(%run_scoped3A : memref<!tpu.dma_semaphore, #tpu.memory_space<semaphore_mem>>) src(%arg6 : memref<128x384xi32, #tpu.memory_space<vmem>>) dst(%dma_wait3A_27 : memref<128x384xi32, #tpu.memory_space<hbm>>)
        tpu.yield
      }) : () -> ()
    }
    %scan3A_7 = arith.constant 4 : i32
    return
  }
}

#map = affine_map<(d0, d1) -> (0, 0)>
#map1 = affine_map<(d0, d1) -> (0)>
module attributes {stable_mosaic.version = 14 : i64} {
  func.func @gather_kernel(%arg0: i32, %arg1: i32, %arg2: memref<8192x384xi32, #tpu.memory_space<hbm>>, %arg3: memref<16384xi32, #tpu.memory_space<hbm>>, %arg4: memref<16384x384xi32, #tpu.memory_space<hbm>>, %arg5: memref<512xi32, #tpu.memory_space<vmem>>, %arg6: memref<128x384xi32, #tpu.memory_space<vmem>>, %arg7: memref<!tpu.dma_semaphore, #tpu.memory_space<semaphore_mem>>) attributes {dimension_semantics = [#tpu.dimension_semantics<core_parallel>, #tpu.dimension_semantics<subcore_parallel>], iteration_bounds = array<i64: 2, 16>, scalar_prefetch = 0 : i64, scratch_operands = 3 : i64, tpu.core_type = #tpu.core_type<sc_vector_subcore>, window_params = [{transform_indices = #map}, {transform_indices = #map1}, {transform_indices = #map}]} {
    %mul3A = arith.constant 2 : i32
    %mul3A_0 = arith.muli %arg1, %mul3A : i32
    %add3A = arith.addi %mul3A_0, %arg0 : i32
    %mul3A_1 = arith.constant 512 : i32
    %mul3A_2 = arith.muli %add3A, %mul3A_1 : i32
    "tpu.region"() ({
      %run_scoped3A = tpu.sem_alloc : memref<!tpu.dma_semaphore, #tpu.memory_space<semaphore_mem>>
      %dma_start3A = tpu.memref_slice %arg3[%mul3A_2] : memref<16384xi32, #tpu.memory_space<hbm>> -> memref<512xi32, #tpu.memory_space<hbm>>
      %dma_start3A_8 = tpu.memref_slice %arg3[%mul3A_2] : memref<16384xi32, #tpu.memory_space<hbm>> -> memref<512xi32, #tpu.memory_space<hbm>>
      tpu.enqueue_dma source(%dma_start3A_8 : memref<512xi32, #tpu.memory_space<hbm>>) target(%arg5 : memref<512xi32, #tpu.memory_space<vmem>>) target_semaphore(%run_scoped3A : memref<!tpu.dma_semaphore, #tpu.memory_space<semaphore_mem>>)
      %dma_wait3A = tpu.memref_slice %arg3[%mul3A_2] : memref<16384xi32, #tpu.memory_space<hbm>> -> memref<512xi32, #tpu.memory_space<hbm>>
      %dma_wait3A_9 = tpu.memref_slice %arg3[%mul3A_2] : memref<16384xi32, #tpu.memory_space<hbm>> -> memref<512xi32, #tpu.memory_space<hbm>>
      tpu.wait_dma2 semaphore(%run_scoped3A : memref<!tpu.dma_semaphore, #tpu.memory_space<semaphore_mem>>) src(%dma_wait3A_9 : memref<512xi32, #tpu.memory_space<hbm>>) dst(%arg5 : memref<512xi32, #tpu.memory_space<vmem>>)
      tpu.yield
    }) : () -> ()
    %scan3A = arith.constant 0 : i32
    %scan3A_3 = arith.constant 0 : i32
    %scan3A_4 = arith.constant 4 : i32
    %scan3A_5 = arith.addi %scan3A_3, %scan3A_4 : i32
    %scan3A_6 = arith.constant 1 : i32
    scf.for %scan3A_8 = %scan3A_3 to %scan3A_5 step %scan3A_6  : i32 {
      %mul3A_9 = arith.constant 128 : i32
      %mul3A_10 = arith.muli %scan3A_8, %mul3A_9 : i32
      %add3A_11 = arith.addi %mul3A_2, %mul3A_10 : i32
      %mul3A_12 = arith.constant 128 : i32
      %mul3A_13 = arith.muli %scan3A_8, %mul3A_12 : i32
      %dma_start3A = tpu.memref_slice %arg5[%mul3A_13] : memref<512xi32, #tpu.memory_space<vmem>> -> memref<128xi32, #tpu.memory_space<vmem>>
      %dma_start3A_14 = arith.constant 0 : i32
      %dma_start3A_15 = arith.constant 0 : i32
      %dma_start3A_16 = tpu.memref_slice %arg2[%dma_start3A_14, %dma_start3A_15] : memref<8192x384xi32, #tpu.memory_space<hbm>> -> memref<8192x384xi32, #tpu.memory_space<hbm>>
      tpu.enqueue_indirect_dma source(%dma_start3A_16 : memref<8192x384xi32, #tpu.memory_space<hbm>>) target(%arg6 : memref<128x384xi32, #tpu.memory_space<vmem>>) offsets(%dma_start3A : memref<128xi32, #tpu.memory_space<vmem>>) semaphore(%arg7 : memref<!tpu.dma_semaphore, #tpu.memory_space<semaphore_mem>>)
      %dma_wait3A = tpu.memref_slice %arg5[%mul3A_13] : memref<512xi32, #tpu.memory_space<vmem>> -> memref<128xi32, #tpu.memory_space<vmem>>
      %dma_wait3A_17 = arith.constant 0 : i32
      %dma_wait3A_18 = arith.constant 0 : i32
      %dma_wait3A_19 = tpu.memref_slice %arg2[%dma_wait3A_17, %dma_wait3A_18] : memref<8192x384xi32, #tpu.memory_space<hbm>> -> memref<8192x384xi32, #tpu.memory_space<hbm>>
      tpu.wait_indirect_dma semaphore(%arg7 : memref<!tpu.dma_semaphore, #tpu.memory_space<semaphore_mem>>) src(%dma_wait3A_19 : memref<8192x384xi32, #tpu.memory_space<hbm>>) dst(%arg6 : memref<128x384xi32, #tpu.memory_space<vmem>>)
      "tpu.region"() ({
        %run_scoped3A = tpu.sem_alloc : memref<!tpu.dma_semaphore, #tpu.memory_space<semaphore_mem>>
        %dma_start3A_20 = arith.constant 0 : i32
        %dma_start3A_21 = tpu.memref_slice %arg4[%add3A_11, %dma_start3A_20] : memref<16384x384xi32, #tpu.memory_space<hbm>> -> memref<128x384xi32, #tpu.memory_space<hbm>>
        %dma_start3A_22 = arith.constant 0 : i32
        %dma_start3A_23 = tpu.memref_slice %arg4[%add3A_11, %dma_start3A_22] : memref<16384x384xi32, #tpu.memory_space<hbm>> -> memref<128x384xi32, #tpu.memory_space<hbm>>
        tpu.enqueue_dma source(%arg6 : memref<128x384xi32, #tpu.memory_space<vmem>>) target(%dma_start3A_23 : memref<128x384xi32, #tpu.memory_space<hbm>>) target_semaphore(%run_scoped3A : memref<!tpu.dma_semaphore, #tpu.memory_space<semaphore_mem>>)
        %dma_wait3A_24 = arith.constant 0 : i32
        %dma_wait3A_25 = tpu.memref_slice %arg4[%add3A_11, %dma_wait3A_24] : memref<16384x384xi32, #tpu.memory_space<hbm>> -> memref<128x384xi32, #tpu.memory_space<hbm>>
        %dma_wait3A_26 = arith.constant 0 : i32
        %dma_wait3A_27 = tpu.memref_slice %arg4[%add3A_11, %dma_wait3A_26] : memref<16384x384xi32, #tpu.memory_space<hbm>> -> memref<128x384xi32, #tpu.memory_space<hbm>>
        tpu.wait_dma2 semaphore(%run_scoped3A : memref<!tpu.dma_semaphore, #tpu.memory_space<semaphore_mem>>) src(%arg6 : memref<128x384xi32, #tpu.memory_space<vmem>>) dst(%dma_wait3A_27 : memref<128x384xi32, #tpu.memory_space<hbm>>)
        tpu.yield
      }) : () -> ()
    }
    %scan3A_7 = arith.constant 4 : i32
    return
  }
}

#map = affine_map<(d0, d1) -> (0, 0)>
#map1 = affine_map<(d0, d1) -> (0)>
module attributes {stable_mosaic.version = 14 : i64} {
  func.func @gather_kernel(%arg0: i32, %arg1: i32, %arg2: memref<8192x384xi32, #tpu.memory_space<hbm>>, %arg3: memref<16384xi32, #tpu.memory_space<hbm>>, %arg4: memref<16384x384xi32, #tpu.memory_space<hbm>>, %arg5: memref<512xi32, #tpu.memory_space<vmem>>, %arg6: memref<128x384xi32, #tpu.memory_space<vmem>>, %arg7: memref<!tpu.dma_semaphore, #tpu.memory_space<semaphore_mem>>) attributes {dimension_semantics = [#tpu.dimension_semantics<core_parallel>, #tpu.dimension_semantics<subcore_parallel>], iteration_bounds = array<i64: 2, 16>, scalar_prefetch = 0 : i64, scratch_operands = 3 : i64, tpu.core_type = #tpu.core_type<sc_vector_subcore>, window_params = [{transform_indices = #map}, {transform_indices = #map1}, {transform_indices = #map}]} {
    %mul3A = arith.constant 2 : i32
    %mul3A_0 = arith.muli %arg1, %mul3A : i32
    %add3A = arith.addi %mul3A_0, %arg0 : i32
    %mul3A_1 = arith.constant 512 : i32
    %mul3A_2 = arith.muli %add3A, %mul3A_1 : i32
    "tpu.region"() ({
      %run_scoped3A = tpu.sem_alloc : memref<!tpu.dma_semaphore, #tpu.memory_space<semaphore_mem>>
      %dma_start3A = tpu.memref_slice %arg3[%mul3A_2] : memref<16384xi32, #tpu.memory_space<hbm>> -> memref<512xi32, #tpu.memory_space<hbm>>
      %dma_start3A_8 = tpu.memref_slice %arg3[%mul3A_2] : memref<16384xi32, #tpu.memory_space<hbm>> -> memref<512xi32, #tpu.memory_space<hbm>>
      tpu.enqueue_dma source(%dma_start3A_8 : memref<512xi32, #tpu.memory_space<hbm>>) target(%arg5 : memref<512xi32, #tpu.memory_space<vmem>>) target_semaphore(%run_scoped3A : memref<!tpu.dma_semaphore, #tpu.memory_space<semaphore_mem>>)
      %dma_wait3A = tpu.memref_slice %arg3[%mul3A_2] : memref<16384xi32, #tpu.memory_space<hbm>> -> memref<512xi32, #tpu.memory_space<hbm>>
      %dma_wait3A_9 = tpu.memref_slice %arg3[%mul3A_2] : memref<16384xi32, #tpu.memory_space<hbm>> -> memref<512xi32, #tpu.memory_space<hbm>>
      tpu.wait_dma2 semaphore(%run_scoped3A : memref<!tpu.dma_semaphore, #tpu.memory_space<semaphore_mem>>) src(%dma_wait3A_9 : memref<512xi32, #tpu.memory_space<hbm>>) dst(%arg5 : memref<512xi32, #tpu.memory_space<vmem>>)
      tpu.yield
    }) : () -> ()
    %scan3A = arith.constant 0 : i32
    %scan3A_3 = arith.constant 0 : i32
    %scan3A_4 = arith.constant 4 : i32
    %scan3A_5 = arith.addi %scan3A_3, %scan3A_4 : i32
    %scan3A_6 = arith.constant 1 : i32
    scf.for %scan3A_8 = %scan3A_3 to %scan3A_5 step %scan3A_6  : i32 {
      %mul3A_9 = arith.constant 128 : i32
      %mul3A_10 = arith.muli %scan3A_8, %mul3A_9 : i32
      %add3A_11 = arith.addi %mul3A_2, %mul3A_10 : i32
      %mul3A_12 = arith.constant 128 : i32
      %mul3A_13 = arith.muli %scan3A_8, %mul3A_12 : i32
      %dma_start3A = tpu.memref_slice %arg5[%mul3A_13] : memref<512xi32, #tpu.memory_space<vmem>> -> memref<128xi32, #tpu.memory_space<vmem>>
      %dma_start3A_14 = arith.constant 0 : i32
      %dma_start3A_15 = arith.constant 0 : i32
      %dma_start3A_16 = tpu.memref_slice %arg2[%dma_start3A_14, %dma_start3A_15] : memref<8192x384xi32, #tpu.memory_space<hbm>> -> memref<8192x384xi32, #tpu.memory_space<hbm>>
      tpu.enqueue_indirect_dma source(%dma_start3A_16 : memref<8192x384xi32, #tpu.memory_space<hbm>>) target(%arg6 : memref<128x384xi32, #tpu.memory_space<vmem>>) offsets(%dma_start3A : memref<128xi32, #tpu.memory_space<vmem>>) semaphore(%arg7 : memref<!tpu.dma_semaphore, #tpu.memory_space<semaphore_mem>>)
      %dma_wait3A = tpu.memref_slice %arg5[%mul3A_13] : memref<512xi32, #tpu.memory_space<vmem>> -> memref<128xi32, #tpu.memory_space<vmem>>
      %dma_wait3A_17 = arith.constant 0 : i32
      %dma_wait3A_18 = arith.constant 0 : i32
      %dma_wait3A_19 = tpu.memref_slice %arg2[%dma_wait3A_17, %dma_wait3A_18] : memref<8192x384xi32, #tpu.memory_space<hbm>> -> memref<8192x384xi32, #tpu.memory_space<hbm>>
      tpu.wait_indirect_dma semaphore(%arg7 : memref<!tpu.dma_semaphore, #tpu.memory_space<semaphore_mem>>) src(%dma_wait3A_19 : memref<8192x384xi32, #tpu.memory_space<hbm>>) dst(%arg6 : memref<128x384xi32, #tpu.memory_space<vmem>>)
      "tpu.region"() ({
        %run_scoped3A = tpu.sem_alloc : memref<!tpu.dma_semaphore, #tpu.memory_space<semaphore_mem>>
        %dma_start3A_20 = arith.constant 0 : i32
        %dma_start3A_21 = tpu.memref_slice %arg4[%add3A_11, %dma_start3A_20] : memref<16384x384xi32, #tpu.memory_space<hbm>> -> memref<128x384xi32, #tpu.memory_space<hbm>>
        %dma_start3A_22 = arith.constant 0 : i32
        %dma_start3A_23 = tpu.memref_slice %arg4[%add3A_11, %dma_start3A_22] : memref<16384x384xi32, #tpu.memory_space<hbm>> -> memref<128x384xi32, #tpu.memory_space<hbm>>
        tpu.enqueue_dma source(%arg6 : memref<128x384xi32, #tpu.memory_space<vmem>>) target(%dma_start3A_23 : memref<128x384xi32, #tpu.memory_space<hbm>>) target_semaphore(%run_scoped3A : memref<!tpu.dma_semaphore, #tpu.memory_space<semaphore_mem>>)
        %dma_wait3A_24 = arith.constant 0 : i32
        %dma_wait3A_25 = tpu.memref_slice %arg4[%add3A_11, %dma_wait3A_24] : memref<16384x384xi32, #tpu.memory_space<hbm>> -> memref<128x384xi32, #tpu.memory_space<hbm>>
        %dma_wait3A_26 = arith.constant 0 : i32
        %dma_wait3A_27 = tpu.memref_slice %arg4[%add3A_11, %dma_wait3A_26] : memref<16384x384xi32, #tpu.memory_space<hbm>> -> memref<128x384xi32, #tpu.memory_space<hbm>>
        tpu.wait_dma2 semaphore(%run_scoped3A : memref<!tpu.dma_semaphore, #tpu.memory_space<semaphore_mem>>) src(%arg6 : memref<128x384xi32, #tpu.memory_space<vmem>>) dst(%dma_wait3A_27 : memref<128x384xi32, #tpu.memory_space<hbm>>)
        tpu.yield
      }) : () -> ()
    }
    %scan3A_7 = arith.constant 4 : i32
    return
  }
}

#map = affine_map<(d0, d1) -> (0, 0)>
#map1 = affine_map<(d0, d1) -> (0)>
module attributes {stable_mosaic.version = 14 : i64} {
  func.func @gather_kernel(%arg0: i32, %arg1: i32, %arg2: memref<8192x384xi32, #tpu.memory_space<hbm>>, %arg3: memref<16384xi32, #tpu.memory_space<hbm>>, %arg4: memref<16384x384xi32, #tpu.memory_space<hbm>>, %arg5: memref<512xi32, #tpu.memory_space<vmem>>, %arg6: memref<128x384xi32, #tpu.memory_space<vmem>>, %arg7: memref<!tpu.dma_semaphore, #tpu.memory_space<semaphore_mem>>) attributes {dimension_semantics = [#tpu.dimension_semantics<core_parallel>, #tpu.dimension_semantics<subcore_parallel>], iteration_bounds = array<i64: 2, 16>, scalar_prefetch = 0 : i64, scratch_operands = 3 : i64, tpu.core_type = #tpu.core_type<sc_vector_subcore>, window_params = [{transform_indices = #map}, {transform_indices = #map1}, {transform_indices = #map}]} {
    %mul3A = arith.constant 2 : i32
    %mul3A_0 = arith.muli %arg1, %mul3A : i32
    %add3A = arith.addi %mul3A_0, %arg0 : i32
    %mul3A_1 = arith.constant 512 : i32
    %mul3A_2 = arith.muli %add3A, %mul3A_1 : i32
    "tpu.region"() ({
      %run_scoped3A = tpu.sem_alloc : memref<!tpu.dma_semaphore, #tpu.memory_space<semaphore_mem>>
      %dma_start3A = tpu.memref_slice %arg3[%mul3A_2] : memref<16384xi32, #tpu.memory_space<hbm>> -> memref<512xi32, #tpu.memory_space<hbm>>
      %dma_start3A_8 = tpu.memref_slice %arg3[%mul3A_2] : memref<16384xi32, #tpu.memory_space<hbm>> -> memref<512xi32, #tpu.memory_space<hbm>>
      tpu.enqueue_dma source(%dma_start3A_8 : memref<512xi32, #tpu.memory_space<hbm>>) target(%arg5 : memref<512xi32, #tpu.memory_space<vmem>>) target_semaphore(%run_scoped3A : memref<!tpu.dma_semaphore, #tpu.memory_space<semaphore_mem>>)
      %dma_wait3A = tpu.memref_slice %arg3[%mul3A_2] : memref<16384xi32, #tpu.memory_space<hbm>> -> memref<512xi32, #tpu.memory_space<hbm>>
      %dma_wait3A_9 = tpu.memref_slice %arg3[%mul3A_2] : memref<16384xi32, #tpu.memory_space<hbm>> -> memref<512xi32, #tpu.memory_space<hbm>>
      tpu.wait_dma2 semaphore(%run_scoped3A : memref<!tpu.dma_semaphore, #tpu.memory_space<semaphore_mem>>) src(%dma_wait3A_9 : memref<512xi32, #tpu.memory_space<hbm>>) dst(%arg5 : memref<512xi32, #tpu.memory_space<vmem>>)
      tpu.yield
    }) : () -> ()
    %scan3A = arith.constant 0 : i32
    %scan3A_3 = arith.constant 0 : i32
    %scan3A_4 = arith.constant 4 : i32
    %scan3A_5 = arith.addi %scan3A_3, %scan3A_4 : i32
    %scan3A_6 = arith.constant 1 : i32
    scf.for %scan3A_8 = %scan3A_3 to %scan3A_5 step %scan3A_6  : i32 {
      %mul3A_9 = arith.constant 128 : i32
      %mul3A_10 = arith.muli %scan3A_8, %mul3A_9 : i32
      %add3A_11 = arith.addi %mul3A_2, %mul3A_10 : i32
      %mul3A_12 = arith.constant 128 : i32
      %mul3A_13 = arith.muli %scan3A_8, %mul3A_12 : i32
      %dma_start3A = tpu.memref_slice %arg5[%mul3A_13] : memref<512xi32, #tpu.memory_space<vmem>> -> memref<128xi32, #tpu.memory_space<vmem>>
      %dma_start3A_14 = arith.constant 0 : i32
      %dma_start3A_15 = arith.constant 0 : i32
      %dma_start3A_16 = tpu.memref_slice %arg2[%dma_start3A_14, %dma_start3A_15] : memref<8192x384xi32, #tpu.memory_space<hbm>> -> memref<8192x384xi32, #tpu.memory_space<hbm>>
      tpu.enqueue_indirect_dma source(%dma_start3A_16 : memref<8192x384xi32, #tpu.memory_space<hbm>>) target(%arg6 : memref<128x384xi32, #tpu.memory_space<vmem>>) offsets(%dma_start3A : memref<128xi32, #tpu.memory_space<vmem>>) semaphore(%arg7 : memref<!tpu.dma_semaphore, #tpu.memory_space<semaphore_mem>>)
      %dma_wait3A = tpu.memref_slice %arg5[%mul3A_13] : memref<512xi32, #tpu.memory_space<vmem>> -> memref<128xi32, #tpu.memory_space<vmem>>
      %dma_wait3A_17 = arith.constant 0 : i32
      %dma_wait3A_18 = arith.constant 0 : i32
      %dma_wait3A_19 = tpu.memref_slice %arg2[%dma_wait3A_17, %dma_wait3A_18] : memref<8192x384xi32, #tpu.memory_space<hbm>> -> memref<8192x384xi32, #tpu.memory_space<hbm>>
      tpu.wait_indirect_dma semaphore(%arg7 : memref<!tpu.dma_semaphore, #tpu.memory_space<semaphore_mem>>) src(%dma_wait3A_19 : memref<8192x384xi32, #tpu.memory_space<hbm>>) dst(%arg6 : memref<128x384xi32, #tpu.memory_space<vmem>>)
      "tpu.region"() ({
        %run_scoped3A = tpu.sem_alloc : memref<!tpu.dma_semaphore, #tpu.memory_space<semaphore_mem>>
        %dma_start3A_20 = arith.constant 0 : i32
        %dma_start3A_21 = tpu.memref_slice %arg4[%add3A_11, %dma_start3A_20] : memref<16384x384xi32, #tpu.memory_space<hbm>> -> memref<128x384xi32, #tpu.memory_space<hbm>>
        %dma_start3A_22 = arith.constant 0 : i32
        %dma_start3A_23 = tpu.memref_slice %arg4[%add3A_11, %dma_start3A_22] : memref<16384x384xi32, #tpu.memory_space<hbm>> -> memref<128x384xi32, #tpu.memory_space<hbm>>
        tpu.enqueue_dma source(%arg6 : memref<128x384xi32, #tpu.memory_space<vmem>>) target(%dma_start3A_23 : memref<128x384xi32, #tpu.memory_space<hbm>>) target_semaphore(%run_scoped3A : memref<!tpu.dma_semaphore, #tpu.memory_space<semaphore_mem>>)
        %dma_wait3A_24 = arith.constant 0 : i32
        %dma_wait3A_25 = tpu.memref_slice %arg4[%add3A_11, %dma_wait3A_24] : memref<16384x384xi32, #tpu.memory_space<hbm>> -> memref<128x384xi32, #tpu.memory_space<hbm>>
        %dma_wait3A_26 = arith.constant 0 : i32
        %dma_wait3A_27 = tpu.memref_slice %arg4[%add3A_11, %dma_wait3A_26] : memref<16384x384xi32, #tpu.memory_space<hbm>> -> memref<128x384xi32, #tpu.memory_space<hbm>>
        tpu.wait_dma2 semaphore(%run_scoped3A : memref<!tpu.dma_semaphore, #tpu.memory_space<semaphore_mem>>) src(%arg6 : memref<128x384xi32, #tpu.memory_space<vmem>>) dst(%dma_wait3A_27 : memref<128x384xi32, #tpu.memory_space<hbm>>)
        tpu.yield
      }) : () -> ()
    }
    %scan3A_7 = arith.constant 4 : i32
    return
  }
}

#map = affine_map<(d0, d1) -> (0, 0)>
#map1 = affine_map<(d0, d1) -> (0)>
module attributes {stable_mosaic.version = 14 : i64} {
  func.func @gather_kernel(%arg0: i32, %arg1: i32, %arg2: memref<8192x384xi32, #tpu.memory_space<hbm>>, %arg3: memref<16384xi32, #tpu.memory_space<hbm>>, %arg4: memref<16384x384xi32, #tpu.memory_space<hbm>>, %arg5: memref<512xi32, #tpu.memory_space<vmem>>, %arg6: memref<128x384xi32, #tpu.memory_space<vmem>>, %arg7: memref<!tpu.dma_semaphore, #tpu.memory_space<semaphore_mem>>) attributes {dimension_semantics = [#tpu.dimension_semantics<core_parallel>, #tpu.dimension_semantics<subcore_parallel>], iteration_bounds = array<i64: 2, 16>, scalar_prefetch = 0 : i64, scratch_operands = 3 : i64, tpu.core_type = #tpu.core_type<sc_vector_subcore>, window_params = [{transform_indices = #map}, {transform_indices = #map1}, {transform_indices = #map}]} {
    %mul3A = arith.constant 2 : i32
    %mul3A_0 = arith.muli %arg1, %mul3A : i32
    %add3A = arith.addi %mul3A_0, %arg0 : i32
    %mul3A_1 = arith.constant 512 : i32
    %mul3A_2 = arith.muli %add3A, %mul3A_1 : i32
    "tpu.region"() ({
      %run_scoped3A = tpu.sem_alloc : memref<!tpu.dma_semaphore, #tpu.memory_space<semaphore_mem>>
      %dma_start3A = tpu.memref_slice %arg3[%mul3A_2] : memref<16384xi32, #tpu.memory_space<hbm>> -> memref<512xi32, #tpu.memory_space<hbm>>
      %dma_start3A_8 = tpu.memref_slice %arg3[%mul3A_2] : memref<16384xi32, #tpu.memory_space<hbm>> -> memref<512xi32, #tpu.memory_space<hbm>>
      tpu.enqueue_dma source(%dma_start3A_8 : memref<512xi32, #tpu.memory_space<hbm>>) target(%arg5 : memref<512xi32, #tpu.memory_space<vmem>>) target_semaphore(%run_scoped3A : memref<!tpu.dma_semaphore, #tpu.memory_space<semaphore_mem>>)
      %dma_wait3A = tpu.memref_slice %arg3[%mul3A_2] : memref<16384xi32, #tpu.memory_space<hbm>> -> memref<512xi32, #tpu.memory_space<hbm>>
      %dma_wait3A_9 = tpu.memref_slice %arg3[%mul3A_2] : memref<16384xi32, #tpu.memory_space<hbm>> -> memref<512xi32, #tpu.memory_space<hbm>>
      tpu.wait_dma2 semaphore(%run_scoped3A : memref<!tpu.dma_semaphore, #tpu.memory_space<semaphore_mem>>) src(%dma_wait3A_9 : memref<512xi32, #tpu.memory_space<hbm>>) dst(%arg5 : memref<512xi32, #tpu.memory_space<vmem>>)
      tpu.yield
    }) : () -> ()
    %scan3A = arith.constant 0 : i32
    %scan3A_3 = arith.constant 0 : i32
    %scan3A_4 = arith.constant 4 : i32
    %scan3A_5 = arith.addi %scan3A_3, %scan3A_4 : i32
    %scan3A_6 = arith.constant 1 : i32
    scf.for %scan3A_8 = %scan3A_3 to %scan3A_5 step %scan3A_6  : i32 {
      %mul3A_9 = arith.constant 128 : i32
      %mul3A_10 = arith.muli %scan3A_8, %mul3A_9 : i32
      %add3A_11 = arith.addi %mul3A_2, %mul3A_10 : i32
      %mul3A_12 = arith.constant 128 : i32
      %mul3A_13 = arith.muli %scan3A_8, %mul3A_12 : i32
      %dma_start3A = tpu.memref_slice %arg5[%mul3A_13] : memref<512xi32, #tpu.memory_space<vmem>> -> memref<128xi32, #tpu.memory_space<vmem>>
      %dma_start3A_14 = arith.constant 0 : i32
      %dma_start3A_15 = arith.constant 0 : i32
      %dma_start3A_16 = tpu.memref_slice %arg2[%dma_start3A_14, %dma_start3A_15] : memref<8192x384xi32, #tpu.memory_space<hbm>> -> memref<8192x384xi32, #tpu.memory_space<hbm>>
      tpu.enqueue_indirect_dma source(%dma_start3A_16 : memref<8192x384xi32, #tpu.memory_space<hbm>>) target(%arg6 : memref<128x384xi32, #tpu.memory_space<vmem>>) offsets(%dma_start3A : memref<128xi32, #tpu.memory_space<vmem>>) semaphore(%arg7 : memref<!tpu.dma_semaphore, #tpu.memory_space<semaphore_mem>>)
      %dma_wait3A = tpu.memref_slice %arg5[%mul3A_13] : memref<512xi32, #tpu.memory_space<vmem>> -> memref<128xi32, #tpu.memory_space<vmem>>
      %dma_wait3A_17 = arith.constant 0 : i32
      %dma_wait3A_18 = arith.constant 0 : i32
      %dma_wait3A_19 = tpu.memref_slice %arg2[%dma_wait3A_17, %dma_wait3A_18] : memref<8192x384xi32, #tpu.memory_space<hbm>> -> memref<8192x384xi32, #tpu.memory_space<hbm>>
      tpu.wait_indirect_dma semaphore(%arg7 : memref<!tpu.dma_semaphore, #tpu.memory_space<semaphore_mem>>) src(%dma_wait3A_19 : memref<8192x384xi32, #tpu.memory_space<hbm>>) dst(%arg6 : memref<128x384xi32, #tpu.memory_space<vmem>>)
      "tpu.region"() ({
        %run_scoped3A = tpu.sem_alloc : memref<!tpu.dma_semaphore, #tpu.memory_space<semaphore_mem>>
        %dma_start3A_20 = arith.constant 0 : i32
        %dma_start3A_21 = tpu.memref_slice %arg4[%add3A_11, %dma_start3A_20] : memref<16384x384xi32, #tpu.memory_space<hbm>> -> memref<128x384xi32, #tpu.memory_space<hbm>>
        %dma_start3A_22 = arith.constant 0 : i32
        %dma_start3A_23 = tpu.memref_slice %arg4[%add3A_11, %dma_start3A_22] : memref<16384x384xi32, #tpu.memory_space<hbm>> -> memref<128x384xi32, #tpu.memory_space<hbm>>
        tpu.enqueue_dma source(%arg6 : memref<128x384xi32, #tpu.memory_space<vmem>>) target(%dma_start3A_23 : memref<128x384xi32, #tpu.memory_space<hbm>>) target_semaphore(%run_scoped3A : memref<!tpu.dma_semaphore, #tpu.memory_space<semaphore_mem>>)
        %dma_wait3A_24 = arith.constant 0 : i32
        %dma_wait3A_25 = tpu.memref_slice %arg4[%add3A_11, %dma_wait3A_24] : memref<16384x384xi32, #tpu.memory_space<hbm>> -> memref<128x384xi32, #tpu.memory_space<hbm>>
        %dma_wait3A_26 = arith.constant 0 : i32
        %dma_wait3A_27 = tpu.memref_slice %arg4[%add3A_11, %dma_wait3A_26] : memref<16384x384xi32, #tpu.memory_space<hbm>> -> memref<128x384xi32, #tpu.memory_space<hbm>>
        tpu.wait_dma2 semaphore(%run_scoped3A : memref<!tpu.dma_semaphore, #tpu.memory_space<semaphore_mem>>) src(%arg6 : memref<128x384xi32, #tpu.memory_space<vmem>>) dst(%dma_wait3A_27 : memref<128x384xi32, #tpu.memory_space<hbm>>)
        tpu.yield
      }) : () -> ()
    }
    %scan3A_7 = arith.constant 4 : i32
    return
  }
}

module attributes {stable_mosaic.version = 14 : i64} {
  func.func @_proj_body(%arg0: i32, %arg1: memref<512x256xf32, #tpu.memory_space<vmem>>, %arg2: memref<512x16xf32, #tpu.memory_space<vmem>>, %arg3: memref<256x256xf32, #tpu.memory_space<vmem>>, %arg4: memref<256x256xf32, #tpu.memory_space<vmem>>, %arg5: memref<256x256xf32, #tpu.memory_space<vmem>>, %arg6: memref<512x256xf32, #tpu.memory_space<vmem>>, %arg7: memref<512x384xi32, #tpu.memory_space<vmem>>) attributes {dimension_semantics = [#tpu.dimension_semantics<arbitrary>], iteration_bounds = array<i64: 16>, scalar_prefetch = 0 : i64, scratch_operands = 0 : i64, tpu.core_type = #tpu.core_type<tc>, window_params = [{transform_indices = @transform_0, window_bounds = array<i64: 512, 256>}, {transform_indices = @transform_1, window_bounds = array<i64: 512, 16>}, {pipeline_mode = #tpu.pipeline_mode<synchronous>, transform_indices = @transform_2, window_bounds = array<i64: 256, 256>}, {pipeline_mode = #tpu.pipeline_mode<synchronous>, transform_indices = @transform_3, window_bounds = array<i64: 256, 256>}, {pipeline_mode = #tpu.pipeline_mode<synchronous>, transform_indices = @transform_4, window_bounds = array<i64: 256, 256>}, {transform_indices = @transform_5, window_bounds = array<i64: 512, 256>}, {transform_indices = @transform_6, window_bounds = array<i64: 512, 384>}]} {
    %get3A = arith.constant 0 : index
    %get3A_0 = arith.constant 0 : index
    %get3A_1 = vector.load %arg1[%get3A, %get3A_0] : memref<512x256xf32, #tpu.memory_space<vmem>>, vector<512x256xf32>
    %get3A_2 = arith.constant 0 : index
    %get3A_3 = arith.constant 0 : index
    %get3A_4 = vector.load %arg3[%get3A_2, %get3A_3] : memref<256x256xf32, #tpu.memory_space<vmem>>, vector<256x256xf32>
    %dot_general3A = arith.constant dense<0.000000e+00> : vector<512x256xf32>
    %dot_general3A_5 = tpu.matmul %get3A_1, %get3A_4, %dot_general3A {dimension_numbers = #tpu.dot_dimension_numbers<[1], [0], [0], [1], [0, 0, 1, 1], [], []>, transpose_lhs_hint = false} : vector<512x256xf32>, vector<256x256xf32>, vector<512x256xf32> -> vector<512x256xf32>
    %swap3A = arith.constant 0 : index
    %swap3A_6 = arith.constant 0 : index
    %swap3A_7 = vector.load %arg6[%swap3A, %swap3A_6] : memref<512x256xf32, #tpu.memory_space<vmem>>, vector<512x256xf32>
    tpu.vector_store %arg6[%swap3A, %swap3A_6], %dot_general3A_5 {strides = array<i32>} : memref<512x256xf32, #tpu.memory_space<vmem>>, vector<512x256xf32>,
    %get3A_8 = arith.constant 0 : index
    %get3A_9 = arith.constant 0 : index
    %get3A_10 = vector.load %arg4[%get3A_8, %get3A_9] : memref<256x256xf32, #tpu.memory_space<vmem>>, vector<256x256xf32>
    %dot_general3A_11 = arith.constant dense<0.000000e+00> : vector<512x256xf32>
    %dot_general3A_12 = tpu.matmul %get3A_1, %get3A_10, %dot_general3A_11 {dimension_numbers = #tpu.dot_dimension_numbers<[1], [0], [0], [1], [0, 0, 1, 1], [], []>, transpose_lhs_hint = false} : vector<512x256xf32>, vector<256x256xf32>, vector<512x256xf32> -> vector<512x256xf32>
    %get3A_13 = arith.constant 0 : index
    %get3A_14 = arith.constant 0 : index
    %get3A_15 = vector.load %arg5[%get3A_13, %get3A_14] : memref<256x256xf32, #tpu.memory_space<vmem>>, vector<256x256xf32>
    %dot_general3A_16 = arith.constant dense<0.000000e+00> : vector<512x256xf32>
    %dot_general3A_17 = tpu.matmul %get3A_1, %get3A_15, %dot_general3A_16 {dimension_numbers = #tpu.dot_dimension_numbers<[1], [0], [0], [1], [0, 0, 1, 1], [], []>, transpose_lhs_hint = false} : vector<512x256xf32>, vector<256x256xf32>, vector<512x256xf32> -> vector<512x256xf32>
    %bitcast_convert_type3A = tpu.bitcast %dot_general3A_12 : vector<512x256xf32> -> vector<512x256xi32>
    %add3A = arith.constant 32767 : i32
    %add3A_18 = vector.broadcast %add3A : i32 to vector<512x256xi32>
    %add3A_19 = arith.addi %bitcast_convert_type3A, %add3A_18 : vector<512x256xi32>
    %shift_right_logical3A = arith.constant 16 : i32
    %shift_right_logical3A_20 = vector.broadcast %shift_right_logical3A : i32 to vector<512x256xi32>
    %shift_right_logical3A_21 = arith.shrui %bitcast_convert_type3A, %shift_right_logical3A_20 : vector<512x256xi32>
    %and3A = arith.constant 1 : i32
    %and3A_22 = vector.broadcast %and3A : i32 to vector<512x256xi32>
    %and3A_23 = arith.andi %shift_right_logical3A_21, %and3A_22 : vector<512x256xi32>
    %add3A_24 = arith.addi %add3A_19, %and3A_23 : vector<512x256xi32>
    %shift_right_logical3A_25 = arith.constant 16 : i32
    %shift_right_logical3A_26 = vector.broadcast %shift_right_logical3A_25 : i32 to vector<512x256xi32>
    %shift_right_logical3A_27 = arith.shrui %add3A_24, %shift_right_logical3A_26 : vector<512x256xi32>
    %bitcast_convert_type3A_28 = tpu.bitcast %dot_general3A_17 : vector<512x256xf32> -> vector<512x256xi32>
    %add3A_29 = arith.constant 32767 : i32
    %add3A_30 = vector.broadcast %add3A_29 : i32 to vector<512x256xi32>
    %add3A_31 = arith.addi %bitcast_convert_type3A_28, %add3A_30 : vector<512x256xi32>
    %shift_right_logical3A_32 = arith.constant 16 : i32
    %shift_right_logical3A_33 = vector.broadcast %shift_right_logical3A_32 : i32 to vector<512x256xi32>
    %shift_right_logical3A_34 = arith.shrui %bitcast_convert_type3A_28, %shift_right_logical3A_33 : vector<512x256xi32>
    %and3A_35 = arith.constant 1 : i32
    %and3A_36 = vector.broadcast %and3A_35 : i32 to vector<512x256xi32>
    %and3A_37 = arith.andi %shift_right_logical3A_34, %and3A_36 : vector<512x256xi32>
    %add3A_38 = arith.addi %add3A_31, %and3A_37 : vector<512x256xi32>
    %shift_right_logical3A_39 = arith.constant 16 : i32
    %shift_right_logical3A_40 = vector.broadcast %shift_right_logical3A_39 : i32 to vector<512x256xi32>
    %shift_right_logical3A_41 = arith.shrui %add3A_38, %shift_right_logical3A_40 : vector<512x256xi32>
    %shift_left3A = arith.constant 16 : i32
    %shift_left3A_42 = vector.broadcast %shift_left3A : i32 to vector<512x256xi32>
    %shift_left3A_43 = arith.shli %shift_right_logical3A_41, %shift_left3A_42 : vector<512x256xi32>
    %or3A = arith.ori %shift_right_logical3A_27, %shift_left3A_43 : vector<512x256xi32>
    %bitcast_convert_type3A_44 = tpu.bitcast %or3A : vector<512x256xi32> -> vector<512x256xi32>
    %swap3A_45 = arith.constant 0 : index
    %swap3A_46 = arith.constant 0 : index
    %swap3A_47 = vector.load %arg7[%swap3A_45, %swap3A_46] : memref<512x384xi32, #tpu.memory_space<vmem>>, vector<512x256xi32>
    tpu.vector_store %arg7[%swap3A_45, %swap3A_46], %bitcast_convert_type3A_44 {strides = array<i32>} : memref<512x384xi32, #tpu.memory_space<vmem>>, vector<512x256xi32>,
    %get3A_48 = arith.constant 0 : index
    %get3A_49 = arith.constant 0 : index
    %get3A_50 = vector.load %arg2[%get3A_48, %get3A_49] : memref<512x16xf32, #tpu.memory_space<vmem>>, vector<512x16xf32>
    %bitcast_convert_type3A_51 = tpu.bitcast %get3A_50 : vector<512x16xf32> -> vector<512x16xi32>
    %swap3A_52 = arith.constant 0 : index
    %swap3A_53 = arith.constant 256 : index
    %swap3A_54 = vector.load %arg7[%swap3A_52, %swap3A_53] : memref<512x384xi32, #tpu.memory_space<vmem>>, vector<512x16xi32>
    tpu.vector_store %arg7[%swap3A_52, %swap3A_53], %bitcast_convert_type3A_51 {strides = array<i32>} : memref<512x384xi32, #tpu.memory_space<vmem>>, vector<512x16xi32>,
    %broadcast_in_dim3A = arith.constant 0 : i32
    %broadcast_in_dim3A_55 = vector.broadcast %broadcast_in_dim3A : i32 to vector<512x112xi32>
    %swap3A_56 = arith.constant 0 : index
    %swap3A_57 = arith.constant 272 : index
    %swap3A_58 = vector.load %arg7[%swap3A_56, %swap3A_57] : memref<512x384xi32, #tpu.memory_space<vmem>>, vector<512x112xi32>
    tpu.vector_store %arg7[%swap3A_56, %swap3A_57], %broadcast_in_dim3A_55 {strides = array<i32>} : memref<512x384xi32, #tpu.memory_space<vmem>>, vector<512x112xi32>,
    return
  }
  func.func @transform_0(%arg0: i32) -> (i32, i32) {
    %c0_i32 = arith.constant 0 : i32
    %c0_i32_0 = arith.constant 0 : i32
    return %arg0, %c0_i32 : i32, i32
  }
  func.func @transform_1(%arg0: i32) -> (i32, i32) {
    %c0_i32 = arith.constant 0 : i32
    %c0_i32_0 = arith.constant 0 : i32
    return %arg0, %c0_i32 : i32, i32
  }
  func.func @transform_2(%arg0: i32) -> (i32, i32) {
    %c0_i32 = arith.constant 0 : i32
    %c0_i32_0 = arith.constant 0 : i32
    %c0_i32_1 = arith.constant 0 : i32
    return %c0_i32, %c0_i32_0 : i32, i32
  }
  func.func @transform_3(%arg0: i32) -> (i32, i32) {
    %c0_i32 = arith.constant 0 : i32
    %c0_i32_0 = arith.constant 0 : i32
    %c0_i32_1 = arith.constant 0 : i32
    return %c0_i32, %c0_i32_0 : i32, i32
  }
  func.func @transform_4(%arg0: i32) -> (i32, i32) {
    %c0_i32 = arith.constant 0 : i32
    %c0_i32_0 = arith.constant 0 : i32
    %c0_i32_1 = arith.constant 0 : i32
    return %c0_i32, %c0_i32_0 : i32, i32
  }
  func.func @transform_5(%arg0: i32) -> (i32, i32) {
    %c0_i32 = arith.constant 0 : i32
    %c0_i32_0 = arith.constant 0 : i32
    return %arg0, %c0_i32 : i32, i32
  }
  func.func @transform_6(%arg0: i32) -> (i32, i32) {
    %c0_i32 = arith.constant 0 : i32
    %c0_i32_0 = arith.constant 0 : i32
    return %arg0, %c0_i32 : i32, i32
  }
}

module attributes {stable_mosaic.version = 14 : i64} {
  func.func @_attn_body(%arg0: i32, %arg1: memref<2048x384xi32, #tpu.memory_space<vmem>>, %arg2: memref<128x256xf32, #tpu.memory_space<vmem>>, %arg3: memref<128x16xf32, #tpu.memory_space<vmem>>, %arg4: memref<16x256xf32, #tpu.memory_space<vmem>>, %arg5: memref<1x256xf32, #tpu.memory_space<vmem>>, %arg6: memref<256x256xf32, #tpu.memory_space<vmem>>, %arg7: memref<1x256xf32, #tpu.memory_space<vmem>>, %arg8: memref<256x256xf32, #tpu.memory_space<vmem>>, %arg9: memref<1x256xf32, #tpu.memory_space<vmem>>, %arg10: memref<256x8xf32, #tpu.memory_space<vmem>>, %arg11: memref<8x256xf32, #tpu.memory_space<vmem>>, %arg12: memref<256x256xf32, #tpu.memory_space<vmem>>, %arg13: memref<1x256xf32, #tpu.memory_space<vmem>>, %arg14: memref<128x256xf32, #tpu.memory_space<vmem>>) attributes {dimension_semantics = [#tpu.dimension_semantics<arbitrary>], iteration_bounds = array<i64: 8>, scalar_prefetch = 0 : i64, scratch_operands = 0 : i64, tpu.core_type = #tpu.core_type<tc>, window_params = [{transform_indices = @transform_0, window_bounds = array<i64: 2048, 384>}, {transform_indices = @transform_1, window_bounds = array<i64: 128, 256>}, {transform_indices = @transform_2, window_bounds = array<i64: 128, 16>}, {pipeline_mode = #tpu.pipeline_mode<synchronous>, transform_indices = @transform_3, window_bounds = array<i64: 16, 256>}, {pipeline_mode = #tpu.pipeline_mode<synchronous>, transform_indices = @transform_4, window_bounds = array<i64: 1, 256>}, {pipeline_mode = #tpu.pipeline_mode<synchronous>, transform_indices = @transform_5, window_bounds = array<i64: 256, 256>}, {pipeline_mode = #tpu.pipeline_mode<synchronous>, transform_indices = @transform_6, window_bounds = array<i64: 1, 256>}, {pipeline_mode = #tpu.pipeline_mode<synchronous>, transform_indices = @transform_7, window_bounds = array<i64: 256, 256>}, {pipeline_mode = #tpu.pipeline_mode<synchronous>, transform_indices = @transform_8, window_bounds = array<i64: 1, 256>}, {pipeline_mode = #tpu.pipeline_mode<synchronous>, transform_indices = @transform_9, window_bounds = array<i64: 256, 8>}, {pipeline_mode = #tpu.pipeline_mode<synchronous>, transform_indices = @transform_10, window_bounds = array<i64: 8, 256>}, {pipeline_mode = #tpu.pipeline_mode<synchronous>, transform_indices = @transform_11, window_bounds = array<i64: 256, 256>}, {pipeline_mode = #tpu.pipeline_mode<synchronous>, transform_indices = @transform_12, window_bounds = array<i64: 1, 256>}, {transform_indices = @transform_13, window_bounds = array<i64: 128, 256>}]} {
    %iota3A = tpu.iota {dimensions = array<i32: 0>} : vector<2048x128xi32>
    %iota3A_0 = tpu.iota {dimensions = array<i32: 1>} : vector<2048x128xi32>
    %jit3A = arith.constant 16 : i32
    %div3A = vector.broadcast %jit3A : i32 to vector<2048x128xi32>
    %div3A_1 = arith.divsi %iota3A, %div3A : vector<2048x128xi32>
    %sign3A = arith.constant 0 : i32
    %sign3A_2 = vector.broadcast %sign3A : i32 to vector<2048x128xi32>
    %sign3A_3 = arith.cmpi sgt, %iota3A, %sign3A_2 : vector<2048x128xi32>
    %sign3A_4 = arith.extui %sign3A_3 : vector<2048x128xi1> to vector<2048x128xi32>
    %sign3A_5 = arith.constant 0 : i32
    %sign3A_6 = vector.broadcast %sign3A_5 : i32 to vector<2048x128xi32>
    %sign3A_7 = arith.cmpi slt, %iota3A, %sign3A_6 : vector<2048x128xi32>
    %sign3A_8 = arith.extui %sign3A_7 : vector<2048x128xi1> to vector<2048x128xi32>
    %sign3A_9 = arith.subi %sign3A_4, %sign3A_8 : vector<2048x128xi32>
    %sign3A_10 = arith.constant 0 : i32
    %sign3A_11 = arith.cmpi sgt, %jit3A, %sign3A_10 : i32
    %sign3A_12 = arith.extui %sign3A_11 : i1 to i32
    %sign3A_13 = arith.constant 0 : i32
    %sign3A_14 = arith.cmpi slt, %jit3A, %sign3A_13 : i32
    %sign3A_15 = arith.extui %sign3A_14 : i1 to i32
    %sign3A_16 = arith.subi %sign3A_12, %sign3A_15 : i32
    %ne3A = vector.broadcast %sign3A_16 : i32 to vector<2048x128xi32>
    %ne3A_17 = arith.cmpi ne, %sign3A_9, %ne3A : vector<2048x128xi32>
    %rem3A = vector.broadcast %jit3A : i32 to vector<2048x128xi32>
    %rem3A_18 = arith.remsi %iota3A, %rem3A : vector<2048x128xi32>
    %ne3A_19 = arith.constant 0 : i32
    %ne3A_20 = vector.broadcast %ne3A_19 : i32 to vector<2048x128xi32>
    %ne3A_21 = arith.cmpi ne, %rem3A_18, %ne3A_20 : vector<2048x128xi32>
    %and3A = arith.andi %ne3A_17, %ne3A_21 : vector<2048x128xi1>
    %sub3A = arith.constant 1 : i32
    %sub3A_22 = vector.broadcast %sub3A : i32 to vector<2048x128xi32>
    %sub3A_23 = arith.subi %div3A_1, %sub3A_22 : vector<2048x128xi32>
    %select_n3A = arith.select %and3A, %sub3A_23, %div3A_1 : vector<2048x128xi1>, vector<2048x128xi32>
    %eq3A = arith.cmpi eq, %select_n3A, %iota3A_0 : vector<2048x128xi32>
    %convert_element_type3A = arith.extui %eq3A : vector<2048x128xi1> to vector<2048x128xi32>
    %convert_element_type3A_24 = arith.sitofp %convert_element_type3A : vector<2048x128xi32> to vector<2048x128xf32>
    %get3A = arith.constant 0 : index
    %get3A_25 = arith.constant 256 : index
    %get3A_26 = vector.load %arg1[%get3A, %get3A_25] : memref<2048x384xi32, #tpu.memory_space<vmem>>, vector<2048x16xi32>
    %bitcast_convert_type3A = tpu.bitcast %get3A_26 : vector<2048x16xi32> -> vector<2048x16xf32>
    %get3A_27 = arith.constant 0 : index
    %get3A_28 = arith.constant 0 : index
    %get3A_29 = vector.load %arg3[%get3A_27, %get3A_28] : memref<128x16xf32, #tpu.memory_space<vmem>>, vector<128x16xf32>
    %dot_general3A = arith.constant dense<0.000000e+00> : vector<2048x16xf32>
    %dot_general3A_30 = tpu.matmul %convert_element_type3A_24, %get3A_29, %dot_general3A {dimension_numbers = #tpu.dot_dimension_numbers<[1], [0], [0], [1], [0, 0, 1, 1], [], []>, transpose_lhs_hint = false} : vector<2048x128xf32>, vector<128x16xf32>, vector<2048x16xf32> -> vector<2048x16xf32>
    %sub3A_31 = arith.subf %bitcast_convert_type3A, %dot_general3A_30 : vector<2048x16xf32>
    %mul3A = arith.mulf %sub3A_31, %sub3A_31 : vector<2048x16xf32>
    %reduce_sum3A = arith.constant dense<0.000000e+00> : vector<2048xf32>
    %reduce_sum3A_32 = vector.multi_reduction <add>, %mul3A, %reduce_sum3A [1] : vector<2048x16xf32> to vector<2048xf32>
    %broadcast_in_dim3A = vector.shape_cast %reduce_sum3A_32 : vector<2048xf32> to vector<2048x1xf32>
    %add3A = arith.constant 9.99999996E-13 : f32
    %add3A_33 = vector.broadcast %add3A : f32 to vector<2048x1xf32>
    %add3A_34 = arith.addf %broadcast_in_dim3A, %add3A_33 : vector<2048x1xf32>
    %sqrt3A = math.sqrt %add3A_34 : vector<2048x1xf32>
    %iota3A_35 = tpu.iota {dimensions = array<i32: 1>} : vector<2048x16xi32>
    %eq3A_36 = arith.constant 3 : i32
    %eq3A_37 = vector.broadcast %eq3A_36 : i32 to vector<2048x16xi32>
    %eq3A_38 = arith.cmpi eq, %iota3A_35, %eq3A_37 : vector<2048x16xi32>
    %broadcast_in_dim3A_39 = vector.shape_cast %sqrt3A : vector<2048x1xf32> to vector<2048x1xf32>
    %broadcast_in_dim3A_40 = vector.broadcast %broadcast_in_dim3A_39 : vector<2048x1xf32> to vector<2048x16xf32>
    %select_n3A_41 = arith.select %eq3A_38, %broadcast_in_dim3A_40, %sub3A_31 : vector<2048x16xi1>, vector<2048x16xf32>
    %get3A_42 = arith.constant 0 : index
    %get3A_43 = arith.constant 0 : index
    %get3A_44 = vector.load %arg4[%get3A_42, %get3A_43] : memref<16x256xf32, #tpu.memory_space<vmem>>, vector<16x256xf32>
    %dot_general3A_45 = arith.constant dense<0.000000e+00> : vector<2048x256xf32>
    %dot_general3A_46 = tpu.matmul %select_n3A_41, %get3A_44, %dot_general3A_45 {dimension_numbers = #tpu.dot_dimension_numbers<[1], [0], [0], [1], [0, 0, 1, 1], [], []>, transpose_lhs_hint = false} : vector<2048x16xf32>, vector<16x256xf32>, vector<2048x256xf32> -> vector<2048x256xf32>
    %get3A_47 = arith.constant 0 : index
    %get3A_48 = arith.constant 0 : index
    %get3A_49 = vector.load %arg5[%get3A_47, %get3A_48] : memref<1x256xf32, #tpu.memory_space<vmem>>, vector<1x256xf32>
    %add3A_50 = vector.broadcast %get3A_49 : vector<1x256xf32> to vector<2048x256xf32>
    %add3A_51 = arith.addf %dot_general3A_46, %add3A_50 : vector<2048x256xf32>
    %max3A = arith.constant 0.000000e+00 : f32
    %max3A_52 = vector.broadcast %max3A : f32 to vector<2048x256xf32>
    %max3A_53 = arith.maximumf %add3A_51, %max3A_52 : vector<2048x256xf32>
    %get3A_54 = arith.constant 0 : index
    %get3A_55 = arith.constant 0 : index
    %get3A_56 = vector.load %arg6[%get3A_54, %get3A_55] : memref<256x256xf32, #tpu.memory_space<vmem>>, vector<256x256xf32>
    %dot_general3A_57 = arith.constant dense<0.000000e+00> : vector<2048x256xf32>
    %dot_general3A_58 = tpu.matmul %max3A_53, %get3A_56, %dot_general3A_57 {dimension_numbers = #tpu.dot_dimension_numbers<[1], [0], [0], [1], [0, 0, 1, 1], [], []>, transpose_lhs_hint = false} : vector<2048x256xf32>, vector<256x256xf32>, vector<2048x256xf32> -> vector<2048x256xf32>
    %get3A_59 = arith.constant 0 : index
    %get3A_60 = arith.constant 0 : index
    %get3A_61 = vector.load %arg7[%get3A_59, %get3A_60] : memref<1x256xf32, #tpu.memory_space<vmem>>, vector<1x256xf32>
    %add3A_62 = vector.broadcast %get3A_61 : vector<1x256xf32> to vector<2048x256xf32>
    %add3A_63 = arith.addf %dot_general3A_58, %add3A_62 : vector<2048x256xf32>
    %get3A_64 = arith.constant 0 : index
    %get3A_65 = arith.constant 0 : index
    %get3A_66 = vector.load %arg1[%get3A_64, %get3A_65] : memref<2048x384xi32, #tpu.memory_space<vmem>>, vector<2048x256xi32>
    %shift_left3A = arith.constant 16 : i32
    %shift_left3A_67 = vector.broadcast %shift_left3A : i32 to vector<2048x256xi32>
    %shift_left3A_68 = arith.shli %get3A_66, %shift_left3A_67 : vector<2048x256xi32>
    %bitcast_convert_type3A_69 = tpu.bitcast %shift_left3A_68 : vector<2048x256xi32> -> vector<2048x256xf32>
    %and3A_70 = arith.constant -65536 : i32
    %and3A_71 = vector.broadcast %and3A_70 : i32 to vector<2048x256xi32>
    %and3A_72 = arith.andi %get3A_66, %and3A_71 : vector<2048x256xi32>
    %bitcast_convert_type3A_73 = tpu.bitcast %and3A_72 : vector<2048x256xi32> -> vector<2048x256xf32>
    %get3A_74 = arith.constant 0 : index
    %get3A_75 = arith.constant 0 : index
    %get3A_76 = vector.load %arg2[%get3A_74, %get3A_75] : memref<128x256xf32, #tpu.memory_space<vmem>>, vector<128x256xf32>
    %dot_general3A_77 = arith.constant dense<0.000000e+00> : vector<2048x256xf32>
    %dot_general3A_78 = tpu.matmul %convert_element_type3A_24, %get3A_76, %dot_general3A_77 {dimension_numbers = #tpu.dot_dimension_numbers<[1], [0], [0], [1], [0, 0, 1, 1], [], []>, transpose_lhs_hint = false} : vector<2048x128xf32>, vector<128x256xf32>, vector<2048x256xf32> -> vector<2048x256xf32>
    %sub3A_79 = arith.subf %dot_general3A_78, %bitcast_convert_type3A_69 : vector<2048x256xf32>
    %add3A_80 = arith.addf %sub3A_79, %add3A_63 : vector<2048x256xf32>
    %get3A_81 = arith.constant 0 : index
    %get3A_82 = arith.constant 0 : index
    %get3A_83 = vector.load %arg8[%get3A_81, %get3A_82] : memref<256x256xf32, #tpu.memory_space<vmem>>, vector<256x256xf32>
    %dot_general3A_84 = arith.constant dense<0.000000e+00> : vector<2048x256xf32>
    %dot_general3A_85 = tpu.matmul %add3A_80, %get3A_83, %dot_general3A_84 {dimension_numbers = #tpu.dot_dimension_numbers<[1], [0], [0], [1], [0, 0, 1, 1], [], []>, transpose_lhs_hint = false} : vector<2048x256xf32>, vector<256x256xf32>, vector<2048x256xf32> -> vector<2048x256xf32>
    %get3A_86 = arith.constant 0 : index
    %get3A_87 = arith.constant 0 : index
    %get3A_88 = vector.load %arg9[%get3A_86, %get3A_87] : memref<1x256xf32, #tpu.memory_space<vmem>>, vector<1x256xf32>
    %add3A_89 = vector.broadcast %get3A_88 : vector<1x256xf32> to vector<2048x256xf32>
    %add3A_90 = arith.addf %dot_general3A_85, %add3A_89 : vector<2048x256xf32>
    %max3A_91 = arith.constant 0.000000e+00 : f32
    %max3A_92 = vector.broadcast %max3A_91 : f32 to vector<2048x256xf32>
    %max3A_93 = arith.maximumf %add3A_90, %max3A_92 : vector<2048x256xf32>
    %get3A_94 = arith.constant 0 : index
    %get3A_95 = arith.constant 0 : index
    %get3A_96 = vector.load %arg10[%get3A_94, %get3A_95] : memref<256x8xf32, #tpu.memory_space<vmem>>, vector<256x8xf32>
    %dot_general3A_97 = arith.constant dense<0.000000e+00> : vector<2048x8xf32>
    %dot_general3A_98 = tpu.matmul %max3A_93, %get3A_96, %dot_general3A_97 {dimension_numbers = #tpu.dot_dimension_numbers<[1], [0], [0], [1], [0, 0, 1, 1], [], []>, transpose_lhs_hint = false} : vector<2048x256xf32>, vector<256x8xf32>, vector<2048x8xf32> -> vector<2048x8xf32>
    %dot_general3A_99 = arith.constant dense<0.000000e+00> : vector<128x8xf32>
    %dot_general3A_100 = tpu.matmul %convert_element_type3A_24, %dot_general3A_98, %dot_general3A_99 {dimension_numbers = #tpu.dot_dimension_numbers<[0], [0], [1], [1], [0, 1, 1, 1], [], []>, transpose_lhs_hint = false} : vector<2048x128xf32>, vector<2048x8xf32>, vector<128x8xf32> -> vector<128x8xf32>
    %mul3A_101 = arith.constant 6.250000e-02 : f32
    %mul3A_102 = vector.broadcast %mul3A_101 : f32 to vector<128x8xf32>
    %mul3A_103 = arith.mulf %dot_general3A_100, %mul3A_102 : vector<128x8xf32>
    %dot_general3A_104 = arith.constant dense<0.000000e+00> : vector<2048x8xf32>
    %dot_general3A_105 = tpu.matmul %convert_element_type3A_24, %mul3A_103, %dot_general3A_104 {dimension_numbers = #tpu.dot_dimension_numbers<[1], [0], [0], [1], [0, 0, 1, 1], [], []>, transpose_lhs_hint = false} : vector<2048x128xf32>, vector<128x8xf32>, vector<2048x8xf32> -> vector<2048x8xf32>
    %sub3A_106 = arith.subf %dot_general3A_98, %dot_general3A_105 : vector<2048x8xf32>
    %exp3A = math.exp %sub3A_106 : vector<2048x8xf32>
    %dot_general3A_107 = arith.constant dense<0.000000e+00> : vector<128x8xf32>
    %dot_general3A_108 = tpu.matmul %convert_element_type3A_24, %exp3A, %dot_general3A_107 {dimension_numbers = #tpu.dot_dimension_numbers<[0], [0], [1], [1], [0, 1, 1, 1], [], []>, transpose_lhs_hint = false} : vector<2048x128xf32>, vector<2048x8xf32>, vector<128x8xf32> -> vector<128x8xf32>
    %dot_general3A_109 = arith.constant dense<0.000000e+00> : vector<2048x8xf32>
    %dot_general3A_110 = tpu.matmul %convert_element_type3A_24, %dot_general3A_108, %dot_general3A_109 {dimension_numbers = #tpu.dot_dimension_numbers<[1], [0], [0], [1], [0, 0, 1, 1], [], []>, transpose_lhs_hint = false} : vector<2048x128xf32>, vector<128x8xf32>, vector<2048x8xf32> -> vector<2048x8xf32>
    %div3A_111 = arith.divf %exp3A, %dot_general3A_110 : vector<2048x8xf32>
    %get3A_112 = arith.constant 0 : index
    %get3A_113 = arith.constant 0 : index
    %get3A_114 = vector.load %arg11[%get3A_112, %get3A_113] : memref<8x256xf32, #tpu.memory_space<vmem>>, vector<8x256xf32>
    %dot_general3A_115 = arith.constant dense<0.000000e+00> : vector<2048x256xf32>
    %dot_general3A_116 = tpu.matmul %div3A_111, %get3A_114, %dot_general3A_115 {dimension_numbers = #tpu.dot_dimension_numbers<[1], [0], [0], [1], [0, 0, 1, 1], [], []>, transpose_lhs_hint = false} : vector<2048x8xf32>, vector<8x256xf32>, vector<2048x256xf32> -> vector<2048x256xf32>
    %add3A_117 = arith.addf %bitcast_convert_type3A_73, %add3A_63 : vector<2048x256xf32>
    %mul3A_118 = arith.mulf %dot_general3A_116, %add3A_117 : vector<2048x256xf32>
    %dot_general3A_119 = arith.constant dense<0.000000e+00> : vector<128x256xf32>
    %dot_general3A_120 = tpu.matmul %convert_element_type3A_24, %mul3A_118, %dot_general3A_119 {dimension_numbers = #tpu.dot_dimension_numbers<[0], [0], [1], [1], [0, 1, 1, 1], [], []>, transpose_lhs_hint = false} : vector<2048x128xf32>, vector<2048x256xf32>, vector<128x256xf32> -> vector<128x256xf32>
    %get3A_121 = arith.constant 0 : index
    %get3A_122 = arith.constant 0 : index
    %get3A_123 = vector.load %arg12[%get3A_121, %get3A_122] : memref<256x256xf32, #tpu.memory_space<vmem>>, vector<256x256xf32>
    %dot_general3A_124 = arith.constant dense<0.000000e+00> : vector<128x256xf32>
    %dot_general3A_125 = tpu.matmul %dot_general3A_120, %get3A_123, %dot_general3A_124 {dimension_numbers = #tpu.dot_dimension_numbers<[1], [0], [0], [1], [0, 0, 1, 1], [], []>, transpose_lhs_hint = false} : vector<128x256xf32>, vector<256x256xf32>, vector<128x256xf32> -> vector<128x256xf32>
    %get3A_126 = arith.constant 0 : index
    %get3A_127 = arith.constant 0 : index
    %get3A_128 = vector.load %arg13[%get3A_126, %get3A_127] : memref<1x256xf32, #tpu.memory_space<vmem>>, vector<1x256xf32>
    %add3A_129 = vector.broadcast %get3A_128 : vector<1x256xf32> to vector<128x256xf32>
    %add3A_130 = arith.addf %dot_general3A_125, %add3A_129 : vector<128x256xf32>
    %swap3A = arith.constant 0 : index
    %swap3A_131 = arith.constant 0 : index
    %swap3A_132 = vector.load %arg14[%swap3A, %swap3A_131] : memref<128x256xf32, #tpu.memory_space<vmem>>, vector<128x256xf32>
    tpu.vector_store %arg14[%swap3A, %swap3A_131], %add3A_130 {strides = array<i32>} : memref<128x256xf32, #tpu.memory_space<vmem>>, vector<128x256xf32>,
    return
  }
  func.func @transform_0(%arg0: i32) -> (i32, i32) {
    %c0_i32 = arith.constant 0 : i32
    %c0_i32_0 = arith.constant 0 : i32
    return %arg0, %c0_i32 : i32, i32
  }
  func.func @transform_1(%arg0: i32) -> (i32, i32) {
    %c0_i32 = arith.constant 0 : i32
    %c0_i32_0 = arith.constant 0 : i32
    return %arg0, %c0_i32 : i32, i32
  }
  func.func @transform_2(%arg0: i32) -> (i32, i32) {
    %c0_i32 = arith.constant 0 : i32
    %c0_i32_0 = arith.constant 0 : i32
    return %arg0, %c0_i32 : i32, i32
  }
  func.func @transform_3(%arg0: i32) -> (i32, i32) {
    %c0_i32 = arith.constant 0 : i32
    %c0_i32_0 = arith.constant 0 : i32
    %c0_i32_1 = arith.constant 0 : i32
    return %c0_i32, %c0_i32_0 : i32, i32
  }
  func.func @transform_4(%arg0: i32) -> (i32, i32) {
    %c0_i32 = arith.constant 0 : i32
    %c0_i32_0 = arith.constant 0 : i32
    %c0_i32_1 = arith.constant 0 : i32
    return %c0_i32, %c0_i32_0 : i32, i32
  }
  func.func @transform_5(%arg0: i32) -> (i32, i32) {
    %c0_i32 = arith.constant 0 : i32
    %c0_i32_0 = arith.constant 0 : i32
    %c0_i32_1 = arith.constant 0 : i32
    return %c0_i32, %c0_i32_0 : i32, i32
  }
  func.func @transform_6(%arg0: i32) -> (i32, i32) {
    %c0_i32 = arith.constant 0 : i32
    %c0_i32_0 = arith.constant 0 : i32
    %c0_i32_1 = arith.constant 0 : i32
    return %c0_i32, %c0_i32_0 : i32, i32
  }
  func.func @transform_7(%arg0: i32) -> (i32, i32) {
    %c0_i32 = arith.constant 0 : i32
    %c0_i32_0 = arith.constant 0 : i32
    %c0_i32_1 = arith.constant 0 : i32
    return %c0_i32, %c0_i32_0 : i32, i32
  }
  func.func @transform_8(%arg0: i32) -> (i32, i32) {
    %c0_i32 = arith.constant 0 : i32
    %c0_i32_0 = arith.constant 0 : i32
    %c0_i32_1 = arith.constant 0 : i32
    return %c0_i32, %c0_i32_0 : i32, i32
  }
  func.func @transform_9(%arg0: i32) -> (i32, i32) {
    %c0_i32 = arith.constant 0 : i32
    %c0_i32_0 = arith.constant 0 : i32
    %c0_i32_1 = arith.constant 0 : i32
    return %c0_i32, %c0_i32_0 : i32, i32
  }
  func.func @transform_10(%arg0: i32) -> (i32, i32) {
    %c0_i32 = arith.constant 0 : i32
    %c0_i32_0 = arith.constant 0 : i32
    %c0_i32_1 = arith.constant 0 : i32
    return %c0_i32, %c0_i32_0 : i32, i32
  }
  func.func @transform_11(%arg0: i32) -> (i32, i32) {
    %c0_i32 = arith.constant 0 : i32
    %c0_i32_0 = arith.constant 0 : i32
    %c0_i32_1 = arith.constant 0 : i32
    return %c0_i32, %c0_i32_0 : i32, i32
  }
  func.func @transform_12(%arg0: i32) -> (i32, i32) {
    %c0_i32 = arith.constant 0 : i32
    %c0_i32_0 = arith.constant 0 : i32
    %c0_i32_1 = arith.constant 0 : i32
    return %c0_i32, %c0_i32_0 : i32, i32
  }
  func.func @transform_13(%arg0: i32) -> (i32, i32) {
    %c0_i32 = arith.constant 0 : i32
    %c0_i32_0 = arith.constant 0 : i32
    return %arg0, %c0_i32 : i32, i32
  }
}

</mosaic_0001>

<sc_bundles>
// kernel: kernel.19.cloned.1.call-start
scs
__scs_entry_jumppad:
0x0: {  	(pc) =	sbr.rel $0x88, $3  }
0x1: {  	(tag) =	ssettag $0x0;
	lr =	simm.s32 $0x1  }
0x2: {  	[smem:$0x3F92] =	sst lr;
	_ =	strace $0xD0000000  }
0x3: {  	_ = 	snop  }
0x4: {  	_ = 	snop  }
0x5: {  	_ = 	snop  }
0x6: {  	_ = 	snop  }
0x7: {  	_ = 	snop  }
__scs_overlays_trampoline_lowered:
0x8: {  	[smem:$0x3FA1] =	sst s0  }
0x9: {  	[smem:$0x3FA2] =	sst s1  }
0xa: {  	[smem:$0x3FA3] =	sst s2  }
0xb: {  	[smem:$0x3FA4] =	sst s3  }
0xc: {  	[smem:$0x3FA5] =	sst s4  }
0xd: {  	[smem:$0x3FA6] =	sst s5  }
0xe: {  	[smem:$0x3FA7] =	sst s6  }
0xf: {  	[smem:$0x3FA8] =	sst s7  }
0x10: {  	[smem:$0x3FA9] =	sst s8  }
0x11: {  	[smem:$0x3FAA] =	sst s9;
	s0 =	simm.s32 @!p0 $0x0  }
0x12: {  	s1 =	sld [smem:$0x3F90];
	s0 =	simm.s32 @p0 $0x1  }
0x13: {  	[smem:$0x3FAB] =	sst s0;
	s0 =	simm.s32 @!p1 $0x0  }
0x14: {  	s2 =	sld [smem:$0x3F8F];
	s0 =	simm.s32 @p1 $0x1  }
0x15: {  	[smem:$0x3FAC] =	sst s0;
	s0 =	simm.s32 @!p2 $0x0  }
0x16: {  	s3 =	sld [smem:$0x3FDB];
	s0 =	simm.s32 @p2 $0x1  }
0x17: {  	s4 =	simm.s32 $0x1BF5;
	[smem:$0x3FAE] =	sst s0  }
0x18: {  	s0 =	sld [smem:$0x3F91];
	_ =	swait.ge [sflag:s4], $0x0  }
0x19: {  	s7 =	sld [smem:$0x3F92]  }
0x1a: {  	s8 =	sadd.s32 $0xFFFFE003, lr  }
0x1b: {  	s9 =	sadd.s32 $0xFFFFFEF7, lr;
	s5 =	simm.s32 $0xFFFFFFFF;
	p2 =	slt.u32 s8, $0xFFFFF086  }
0x1c: {  	p1 =	slt.u32 s9, $0xF7A;
	s5 =	simm.s32 @!p2 $0x0  }
0x1d: {  	s5 =	simm.s32 @p1 $0x1;
	p0 =	seq.s32 s7, s2  }
0x1e: {  	s7 =	smul.u32 @!p0 $0xF7A, s2;
	p2 =	seq.s32 @!p0 s5, $0x0  }
0x1f: {  	s9 =	smul.u32 $0xF7A, s1;
	s8 =	simm.s32 @!p0 $0x1BF5;
	p2 =	por !p2, p0  }
0x20: {  	[sflag:s8] =	ssyncset.s32 @!p0 $0xFFFFF086;
	s6 =	sadd.s32 @!p0 s3, s7;
	s7 =	simm.s32 @!p0 $0x108  }
0x21: {  	s3 =	sadd.s32 s3, s9;
	s6 =	sadd.s32 @!p0 $0x88, s6;
	s7 =	simm.s32 @p2 $0x1082  }
0x22: {  	[simem:s7], [sflag:s8] =	dma.local @!p0 [hbm:s6], $0xF7A  }
0x23: {  	s9 =	sor.u32 $0xD0000000, s2;
	s6 =	simm.s32 $0x108;
	_ =	swait.ge @!p0 [sflag:s8], $0x0  }
0x24: {  	s3 =	sadd.s32 $0x88, s3;
	s6 =	simm.s32 @!p1 $0x1082;
	[sflag:s4] =	ssyncset.s32 $0xFFFFF086  }
0x25: {  	[simem:s6], [sflag:s4] =	dma.local [hbm:s3], $0xF7A  }
0x26: {  	[smem:$0x3F92] =	sst s1;
	(tag) =	ssettag s2;
	_ =	strace s9  }
0x27: {  	s1 =	sld [smem:$0x3FA2]  }
0x28: {  	s2 =	sld [smem:$0x3FA3]  }
0x29: {  	s4 =	sld [smem:$0x3FA5]  }
0x2a: {  	p0 =	seq.s32 s5, $0x0;
	s5 =	sld [smem:$0x3FA6]  }
0x2b: {  	s6 =	sld [smem:$0x3FA7]  }
0x2c: {  	s7 =	sld [smem:$0x3FA8]  }
0x2d: {  	s3 =	simm.s32 $0x108;
	s8 =	sld [smem:$0x3FA9]  }
0x2e: {  	s3 =	simm.s32 @!p0 $0x1082;
	s9 =	sld [smem:$0x3FAA]  }
0x2f: {  	lr =	sadd.s32 s0, s3;
	s0 =	sld [smem:$0x3FA1]  }
0x30: {  	s3 =	sld [smem:$0x3FA4]  }
0x31: {  	[smem:$0x3FAD] =	sst s10  }
0x32: {  	s10 =	sld [smem:$0x3FAB];
	_ =	sdelay $0x3  }
0x33: {  	p0 =	seq.s32 s10, $0x1;
	s10 =	sld [smem:$0x3FAD];
	_ =	sdelay $0x3  }
0x34: {  	[smem:$0x3FAD] =	sst s10  }
0x35: {  	s10 =	sld [smem:$0x3FAC];
	_ =	sdelay $0x3  }
0x36: {  	p1 =	seq.s32 s10, $0x1;
	s10 =	sld [smem:$0x3FAD];
	_ =	sdelay $0x3  }
0x37: {  	[smem:$0x3FAD] =	sst s10  }
0x38: {  	s10 =	sld [smem:$0x3FAE]  }
0x39: {  	_ = 	snop;
	(pc) =	sbr.ind lr, $3  }
0x3a: {  	_ = 	snop  }
0x3b: {  	_ = 	snop  }
0x3c: {  	p2 =	seq.s32 s10, $0x1;
	s10 =	sld [smem:$0x3FAD]  }
0x3d: {  	_ =	shalt  }
0x3e: {  	_ =	shalt  }
0x3f: {  	_ =	shalt  }
0x40: {  	_ =	shalt  }
0x41: {  	_ =	shalt  }
0x42: {  	_ =	shalt  }
0x43: {  	_ =	shalt  }
0x44: {  	_ =	shalt  }
0x45: {  	_ =	shalt  }
0x46: {  	_ =	shalt  }
0x47: {  	_ =	shalt  }
0x48: {  	_ =	shalt  }
0x49: {  	_ =	shalt  }
0x4a: {  	_ =	shalt  }
0x4b: {  	_ =	shalt  }
0x4c: {  	_ =	shalt  }
0x4d: {  	_ =	shalt  }
0x4e: {  	_ =	shalt  }
0x4f: {  	_ =	shalt  }
0x50: {  	_ =	shalt  }
0x51: {  	_ =	shalt  }
0x52: {  	_ =	shalt  }
0x53: {  	_ =	shalt  }
0x54: {  	_ =	shalt  }
0x55: {  	_ =	shalt  }
0x56: {  	_ =	shalt  }
0x57: {  	_ =	shalt  }
0x58: {  	_ =	shalt  }
0x59: {  	_ =	shalt  }
0x5a: {  	_ =	shalt  }
0x5b: {  	_ =	shalt  }
0x5c: {  	_ =	shalt  }
0x5d: {  	_ =	shalt  }
0x5e: {  	_ =	shalt  }
0x5f: {  	_ =	shalt  }
0x60: {  	_ =	shalt  }
0x61: {  	_ =	shalt  }
0x62: {  	_ =	shalt  }
0x63: {  	_ =	shalt  }
0x64: {  	_ =	shalt  }
0x65: {  	_ =	shalt  }
0x66: {  	_ =	shalt  }
0x67: {  	_ =	shalt  }
0x68: {  	_ =	shalt  }
0x69: {  	_ =	shalt  }
0x6a: {  	_ =	shalt  }
0x6b: {  	_ =	shalt  }
0x6c: {  	_ =	shalt  }
0x6d: {  	_ =	shalt  }
0x6e: {  	_ =	shalt  }
0x6f: {  	_ =	shalt  }
0x70: {  	_ =	shalt  }
0x71: {  	_ =	shalt  }
0x72: {  	_ =	shalt  }
0x73: {  	_ =	shalt  }
0x74: {  	_ =	shalt  }
0x75: {  	_ =	shalt  }
0x76: {  	_ =	shalt  }
0x77: {  	_ =	shalt  }
0x78: {  	_ =	shalt  }
0x79: {  	_ =	shalt  }
0x7a: {  	_ =	shalt  }
0x7b: {  	_ =	shalt  }
0x7c: {  	_ =	shalt  }
0x7d: {  	_ =	shalt  }
0x7e: {  	_ =	shalt  }
0x7f: {  	_ =	shalt  }
0x80: {  	_ =	shalt  }
0x81: {  	_ =	shalt  }
0x82: {  	_ =	shalt  }
0x83: {  	_ =	shalt  }
0x84: {  	_ =	shalt  }
0x85: {  	_ =	shalt  }
0x86: {  	_ =	shalt  }
0x87: {  	_ =	shalt  }
.Lfunc_end0:
.L_simem_size_0:
called_computation_lowered:
.L_overlay_start_0:
0x88: {  	s2 =	sld [smem:$0x3FD9]  }
0x89: {  	s3 =	sld [smem:$0x3FFE];
	_ =	sdelay $0x1  }
0x8a: {  	s1 =	srdreg.scid  }
0x8b: {  	s0 =	sand.u32 $0x1, s1  }
0x8c: {  	s17 =	sshll.u32 s0, $0xA;
	s2 =	sadd.s32 s3, s2  }
0x8d: {  	s2 =	sadd.s32 s2, s17  }
0x8e: {  	[smem:$0x3FB9] =	sst s2  }
0x8f: {  	_ = 	snop  }
0x90: {  	(tm) =	ssettm $0x1  }
0x91: {  	s18 =	sld [smem:$0x3FFB];
	_ =	sdelay $0x3  }
0x92: {  	_ =	strace s18  }
0x93: {  	s2 =	sld [smem:$0x3FFC];
	_ =	sdelay $0x3  }
0x94: {  	_ =	strace s2  }
0x95: {  	s2 =	sld [smem:$0x3FFD];
	_ =	sdelay $0x3  }
0x96: {  	_ =	strace s2  }
0x97: {  	_ =	strace $0x8FFFFFFF  }
0x98: {  	s19 =	sld [smem:$0x3FDB];
	_ =	sdelay $0x1  }
0x99: {  	s20 =	simm.s32 $_scs_section_size  }
0x9a: {  	s4 =	simm.s32 $_size__tile_overlayer_lowered;
	s5 =	simm.s32 $_tile_overlayer_lowered  }
0x9b: {  	s6 =	simm.s32 $0x1BFF;
	s21 =	sshll.u32 s5, $0x1;
	s3 =	sadd.s32 s20, s19  }
0x9c: {  	s22 =	simm.s32 $0x0;
	s4 =	sshll.u32 s4, $0x1;
	s5 =	sadd.s32 s21, s3  }
0x9d: {  	[timem:s22], [sflag:s6] =	dma.local [hbm:s5], s4  }
0x9e: {  	_ =	swait.ge [sflag:s6], s4  }
0x9f: {  	s4 =	ssub.s32 $0x0, s4;
	[sflag:s6] =	ssyncset.done $0x0  }
0xa0: {  	[sflag:s6] =	ssyncadd.s32 s4;
	_ =	sdelay $0x1  }
0xa1: {  	s23 =	simm.s32 $0x1B8B  }
0xa2: {  	_ =	swait.ge [sflag:s23], $0x1  }
0xa3: {  	[sflag:s23] =	ssyncset.done $0x0  }
0xa4: {  	[sflag:s23] =	ssyncadd.s32 $0xFFFFFFFF  }
0xa5: {  	s4 =	sld [smem:$0x0]  }
0xa6: {  	s5 =	sand.u32 $0xFFFFFFFE, s1  }
0xa7: {  	p0 =	sne.s32 s1, s5  }
0xa8: {  	s5 =	sshll.u32 @p0 s5, $0xE  }
0xa9: {  	s5 =	sadd.s32 @p0 $0x11B8D, s5;
	s6 =	sshll.u32 @p0 s4, $0x11  }
0xaa: {  	s5 =	sor.u32 @p0 s6, s5  }
0xab: {  	[sflag:s5] =	ssyncadd.remote.s32 @p0 $0x1;
	_ =	sdelay $0x1  }
0xac: {  	s5 =	simm.s32 @p0 $0x1B8D  }
0xad: {  	_ =	swait.eq @p0 [sflag:s5], $0x1  }
0xae: {  	[sflag:s5] =	ssyncadd.s32 @p0 $0xFFFFFFFF  }
0xaf: {  	s6 =	sshll.u32 @!p0 s1, $0xE  }
0xb0: {  	s6 =	sor.u32 @!p0 $0x4000, s6;
	s5 =	simm.s32 @!p0 $0x1B8D  }
0xb1: {  	s4 =	sshll.u32 @!p0 s4, $0x11;
	s6 =	sadd.s32 @!p0 $0x11B8D, s6;
	_ =	swait.eq @!p0 [sflag:s5], $0x1  }
0xb2: {  	s4 =	sor.u32 @!p0 s4, s6;
	[sflag:s5] =	ssyncadd.s32 @!p0 $0xFFFFFFFF  }
0xb3: {  	s25 =	simm.s32 $0x1B8E;
	s24 =	sld [smem:$0x3FFE];
	[sflag:s4] =	ssyncadd.remote.s32 @!p0 $0x1  }
0xb4: {  	s26 =	simm.s32 $execute0_lowered;
	[smem:$0x3FD2] =	sst s25  }
0xb5: {  	s5 =	sshll.u32 s26, $0x1;
	_ =	strace $0x80000058;
	[dreg:$0x1] =	wrdreg $0xFFFFFFFF  }
0xb6: {  	s28 =	simm.s32 $_size_execute0_lowered;
	s3 =	sadd.s32 s3, s5;
	[dreg:$0x0] =	wrdreg $0x0  }
0xb7: {  	s5 =	sshll.u32 s28, $0x1;
	[dreg:$0x2] =	wrdreg s3  }
0xb8: {  	[dreg:$0x3] =	wrdreg s5  }
0xb9: {  	[dreg:$0x4] =	wrdreg $0xC0  }
0xba: {  	_ =	task [dreg:s22], $0x5FFFF  }
0xbb: {  	[dreg:$0x1] =	wrdreg $0xFFFFFFFF  }
0xbc: {  	[dreg:$0x0] =	wrdreg $0x60  }
0xbd: {  	[dreg:$0x2] =	wrdreg s24  }
0xbe: {  	[dreg:$0x3] =	wrdreg $0x9  }
0xbf: {  	_ =	task.clear_ibuf [dreg:s22], $0x4FFFF;
	_ =	strace $0x90000058  }
0xc0: {  	s29 =	simm.s32 $0x9;
	_ =	strace $0x8000005A  }
0xc1: {  	_ =	swait.ge [sflag:s29], $0x1  }
0xc2: {  	[sflag:s29] =	ssyncadd.s32 $0xFFFFFFFF  }
0xc3: {  	_ =	strace $0x9000005A  }
0xc4: {  	_ =	sfence  }
0xc5: {  	s30 =	sld [smem:$0x0];
	_ =	sdelay $0x2  }
0xc6: {  	s31 =	sshll.u32 s1, $0xD;
	s1 =	sshrl.u32 s1, $0x2  }
0xc7: {  	s4 =	sand.u32 $0x4000, s31;
	s1 =	sadd.s32 s1, s30  }
0xc8: {  	s0 =	sor.u32 s4, s0;
	s1 =	sshll.u32 s1, $0x11  }
0xc9: {  	s0 =	sor.u32 s1, s0  }
0xca: {  	s0 =	sadd.s32 $0x8F2B, s0  }
0xcb: {  	[sflag:s0] =	ssyncadd.remote.s32 $0x1  }
0xcc: {  	_ =	sfence.sel $0xFFFF  }
0xcd: {  	[dreg:$0x0] =	wrdreg $0xFFFFFFFF;
	(pc) =	sbr.abs _section_cstart, $3  }
0xce: {  	[dreg:$0x1] =	wrdreg $0xFFFFFFFF  }
0xcf: {  	_ =	task.clear_ibuf [dreg:s22], $0x2FFFF;
	_ =	strace $0x9FFFFFFF  }
0xd0: {  	(tm) =	ssettm $0x7FFFFFFF  }
0xd1: {  	_ =	shalt  }
tec
execute0_lowered:
.L_overlay_start_1:
0x0: {  	(tag) =	ssettag $0x1  }
0x1: {  	s0 =	srdreg.scid;
	s1 =	stileid.u32  }
0x2: {  	s5 =	rddreg [dreg:$0x0];
	s17 =	simm.s32 $0xA00;
	s4 =	simm.s32 $0xE00  }
0x3: {  	s18 =	simm.s32 $0x1600;
	s19 =	simm.s32 $0x1A00;
	s20 =	simm.s32 $0x2200  }
0x4: {  	s21 =	simm.s32 $0x2600;
	s22 =	simm.s32 $0x2E00;
	s0 =	sand.u32 $0x1, s0  }
0x5: {  	s23 =	simm.s32 $0x3200;
	s1 =	sshll.u32 s1, $0xA;
	s2 =	sshll.u32 s0, $0x9  }
0x6: {  	s24 =	simm.s32 $0x3A00;
	s1 =	sor.u32 s2, s1;
	s2 =	simm.s32 $0x0  }
0x7: {  	s25 =	simm.s32 $0x3E00;
	s7 =	simm.s32 $0x2;
	[smem:$0x7FF] =	sst s2  }
0x8: {  	s26 =	simm.s32 $0x4600;
	_ =	strace $0x80000059;
	[dreg:$0x3] =	wrdreg s17  }
0x9: {  	s8 =	simm.s32 $0x200;
	s9 =	simm.s32 $0x4A00;
	[dreg:$0x4] =	wrdreg s4  }
0xa: {  	s10 =	simm.s32 $0x5200;
	s11 =	simm.s32 $0x5600;
	[dreg:$0x5] =	wrdreg s18  }
0xb: {  	s12 =	simm.s32 $0x5E00;
	s13 =	simm.s32 $0x6200;
	[dreg:$0x6] =	wrdreg s19  }
0xc: {  	s14 =	simm.s32 $0x6A00;
	s15 =	simm.s32 $0x6E00;
	[dreg:$0x7] =	wrdreg s20  }
0xd: {  	s16 =	simm.s32 $0x7600;
	s28 =	simm.s32 $0xB600;
	[dreg:$0x8] =	wrdreg s21  }
0xe: {  	s29 =	simm.s32 $0xBE00;
	s30 =	simm.s32 $0x1;
	[dreg:$0x9] =	wrdreg s22  }
0xf: {  	s31 =	simm.s32 $0x0;
	s0 =	ssub.s32 $0x2, s0;
	[dreg:$0xa] =	wrdreg s23  }
0x10: {  	s6 =	sshrl.u32 s0, $0x1;
	s1 =	sshrl.u32 s1, $0x3;
	[dreg:$0xb] =	wrdreg s24  }
0x11: {  	s0 =	ssub.s32 s0, s6;
	s3 =	smul.u32 $0x180, s1;
	[dreg:$0xc] =	wrdreg s25  }
0x12: {  	s1 =	sadd.s32 s1, s5;
	s0 =	smax.u32 s0, $0x1;
	[dreg:$0xd] =	wrdreg s26  }
0x13: {  	s17 =	simm.s32 $0x7A00;
	s18 =	simm.s32 $0x8200;
	s19 =	simm.s32 $0x8600  }
0x14: {  	s20 =	simm.s32 $0x8E00;
	s21 =	simm.s32 $0x9200;
	s22 =	simm.s32 $0x9A00  }
0x15: {  	s23 =	simm.s32 $0x9E00;
	s24 =	simm.s32 $0xA600;
	s25 =	simm.s32 $0xAA00  }
0x16: {  	v2 =	vlaneseq.u32;
	s1 =	sadd.s32 $0x5600, s1;
	[dreg:$0xf] =	wrdreg s0;
	s3 =	sadd.s32 s3, s5  }
0x17: {  	vm0 =	vmmov $0xffff;
	vm1 =	vmmov $0xff;
	v1 =	vshrl.u32 v2, $0x3;
	s26 =	simm.s32 $0xB200;
	[dreg:$0xe] =	wrdreg s1;
	s3 =	sadd.s32 $0x50CE00, s3  }
0x18: {  	v0 =	vand.u32 $0x7, v2;
	v2 =	vor.u32 $0x8, v2;
	v1 =	vmul.u32 $0x8, v1;
	[dreg:$0x2] =	wrdreg s3;
	s3 =	sadd.s32 $0x2CE00, s5;
	s5 =	sadd.s32 $0x2CF00, s5  }
.LBB2_1:
0x19: {  	s0 =	rddreg [dreg:$0xe]  }
0x1a: {  	[tilespmem:s2], [sflag:$0x2] =	stream.linear.gather [hbm4b:s0+s2], $0x200, $0x38;
	[tilespmem:$0xC200] =	vst v63  }
0x1b: {  	_ =	swait.ge [sflag:s7], $0x200  }
0x1c: {  	[sflag:s7] =	ssyncset.done $0x0  }
0x1d: {  	s1 =	simm.s32 $0x40;
	s0 =	simm.s32 $0x0;
	[sflag:s7] =	ssyncadd.s32 $0xFFFFFE00  }
.LBB2_2:
0x1e: {  	v3 =	vld [tilespmem:s1+$0xFFFFFFC0];
	_ =	sdelay $0x4  }
0x1f: {  	v4 =	vshrl.u32 v3, $0x3  }
0x20: {  	v4 =	vmul.u32 $0x18, v4  }
0x21: {  	v3 =	vand.u32 $0x7, v3  }
0x22: {  	v3 =	vor.u32 v3, v4  }
0x23: {  	v4 =	vperm.xlane v3, v0;
	_ =	sdelay $0x1  }
0x24: {  	v4 =	vadd.s32 v1, v4;
	_ =	sdelay $0x1  }
0x25: {  	v3 =	vperm.xlane v3, v2;
	_ =	sdelay $0x1  }
0x26: {  	v3 =	vadd.s32 v1, v3  }
0x27: {  	[tilespmem:s8], [sflag:$0x1] =	stream.indirect_vreg.gather [hbm4b:s3+s2], $0x80, v4, vm0, $0xb8;
	[tilespmem:$0xC200] =	vst v63  }
0x28: {  	s4 =	rddreg [dreg:$0x3]  }
0x29: {  	[tilespmem:s4], [sflag:$0x1] =	stream.indirect_vreg.gather [hbm4b:s5+s2], $0x80, v4, vm1, $0xb8;
	[tilespmem:$0xC200] =	vst v63  }
0x2a: {  	s6 =	rddreg [dreg:$0x4]  }
0x2b: {  	[tilespmem:s6], [sflag:$0x1] =	stream.indirect_vreg.gather [hbm4b:s3+s2], $0x80, v3, vm0, $0xb8;
	[tilespmem:$0xC200] =	vst v63  }
0x2c: {  	s4 =	rddreg [dreg:$0x5]  }
0x2d: {  	[tilespmem:s4], [sflag:$0x1] =	stream.indirect_vreg.gather [hbm4b:s5+s2], $0x80, v3, vm1, $0xb8;
	[tilespmem:$0xC200] =	vst v63  }
0x2e: {  	v3 =	vld [tilespmem:s1+$0xFFFFFFD0];
	_ =	sdelay $0x4  }
0x2f: {  	v57 =	vshrl.u32 v3, $0x3  }
0x30: {  	v4 =	vmul.u32 $0x18, v57  }
0x31: {  	v3 =	vand.u32 $0x7, v3  }
0x32: {  	v3 =	vor.u32 v3, v4  }
0x33: {  	v4 =	vperm.xlane v3, v0;
	_ =	sdelay $0x1  }
0x34: {  	v4 =	vadd.s32 v1, v4;
	_ =	sdelay $0x1  }
0x35: {  	v3 =	vperm.xlane v3, v2;
	_ =	sdelay $0x1  }
0x36: {  	s4 =	rddreg [dreg:$0x6];
	v3 =	vadd.s32 v1, v3  }
0x37: {  	[tilespmem:s4], [sflag:$0x1] =	stream.indirect_vreg.gather [hbm4b:s3+s2], $0x80, v4, vm0, $0xb8;
	[tilespmem:$0xC200] =	vst v63  }
0x38: {  	s6 =	rddreg [dreg:$0x7]  }
0x39: {  	[tilespmem:s6], [sflag:$0x1] =	stream.indirect_vreg.gather [hbm4b:s5+s2], $0x80, v4, vm1, $0xb8;
	[tilespmem:$0xC200] =	vst v63  }
0x3a: {  	s4 =	rddreg [dreg:$0x8]  }
0x3b: {  	[tilespmem:s4], [sflag:$0x1] =	stream.indirect_vreg.gather [hbm4b:s3+s2], $0x80, v3, vm0, $0xb8;
	[tilespmem:$0xC200] =	vst v63  }
0x3c: {  	s6 =	rddreg [dreg:$0x9]  }
0x3d: {  	[tilespmem:s6], [sflag:$0x1] =	stream.indirect_vreg.gather [hbm4b:s5+s2], $0x80, v3, vm1, $0xb8;
	[tilespmem:$0xC200] =	vst v63  }
0x3e: {  	v3 =	vld [tilespmem:s1+$0xFFFFFFE0];
	_ =	sdelay $0x4  }
0x3f: {  	v58 =	vshrl.u32 v3, $0x3  }
0x40: {  	v4 =	vmul.u32 $0x18, v58  }
0x41: {  	v3 =	vand.u32 $0x7, v3  }
0x42: {  	v3 =	vor.u32 v3, v4  }
0x43: {  	v4 =	vperm.xlane v3, v0;
	_ =	sdelay $0x1  }
0x44: {  	v4 =	vadd.s32 v1, v4;
	_ =	sdelay $0x1  }
0x45: {  	v3 =	vperm.xlane v3, v2;
	_ =	sdelay $0x1  }
0x46: {  	s4 =	rddreg [dreg:$0xa];
	v3 =	vadd.s32 v1, v3  }
0x47: {  	[tilespmem:s4], [sflag:$0x1] =	stream.indirect_vreg.gather [hbm4b:s3+s2], $0x80, v4, vm0, $0xb8;
	[tilespmem:$0xC200] =	vst v63  }
0x48: {  	s6 =	rddreg [dreg:$0xb]  }
0x49: {  	[tilespmem:s6], [sflag:$0x1] =	stream.indirect_vreg.gather [hbm4b:s5+s2], $0x80, v4, vm1, $0xb8;
	[tilespmem:$0xC200] =	vst v63  }
0x4a: {  	s4 =	rddreg [dreg:$0xc]  }
0x4b: {  	[tilespmem:s4], [sflag:$0x1] =	stream.indirect_vreg.gather [hbm4b:s3+s2], $0x80, v3, vm0, $0xb8;
	[tilespmem:$0xC200] =	vst v63  }
0x4c: {  	s6 =	rddreg [dreg:$0xd]  }
0x4d: {  	[tilespmem:s6], [sflag:$0x1] =	stream.indirect_vreg.gather [hbm4b:s5+s2], $0x80, v3, vm1, $0xb8;
	[tilespmem:$0xC200] =	vst v63  }
0x4e: {  	v3 =	vld [tilespmem:s1+$0xFFFFFFF0];
	_ =	sdelay $0x4  }
0x4f: {  	v59 =	vshrl.u32 v3, $0x3  }
0x50: {  	v4 =	vmul.u32 $0x18, v59  }
0x51: {  	v3 =	vand.u32 $0x7, v3  }
0x52: {  	v3 =	vor.u32 v3, v4  }
0x53: {  	v4 =	vperm.xlane v3, v0;
	_ =	sdelay $0x1  }
0x54: {  	v4 =	vadd.s32 v1, v4;
	_ =	sdelay $0x1  }
0x55: {  	v3 =	vperm.xlane v3, v2;
	_ =	sdelay $0x1  }
0x56: {  	v3 =	vadd.s32 v1, v3  }
0x57: {  	[tilespmem:s9], [sflag:$0x1] =	stream.indirect_vreg.gather [hbm4b:s3+s2], $0x80, v4, vm0, $0xb8;
	[tilespmem:$0xC200] =	vst v63  }
0x58: {  	_ = 	snop  }
0x59: {  	[tilespmem:s10], [sflag:$0x1] =	stream.indirect_vreg.gather [hbm4b:s5+s2], $0x80, v4, vm1, $0xb8;
	[tilespmem:$0xC200] =	vst v63  }
0x5a: {  	_ = 	snop  }
0x5b: {  	[tilespmem:s11], [sflag:$0x1] =	stream.indirect_vreg.gather [hbm4b:s3+s2], $0x80, v3, vm0, $0xb8;
	[tilespmem:$0xC200] =	vst v63  }
0x5c: {  	_ = 	snop  }
0x5d: {  	[tilespmem:s12], [sflag:$0x1] =	stream.indirect_vreg.gather [hbm4b:s5+s2], $0x80, v3, vm1, $0xb8;
	[tilespmem:$0xC200] =	vst v63  }
0x5e: {  	v3 =	vld [tilespmem:s1+$0x0];
	_ =	sdelay $0x4  }
0x5f: {  	v60 =	vshrl.u32 v3, $0x3  }
0x60: {  	v4 =	vmul.u32 $0x18, v60  }
0x61: {  	v3 =	vand.u32 $0x7, v3  }
0x62: {  	v3 =	vor.u32 v3, v4  }
0x63: {  	v4 =	vperm.xlane v3, v0;
	_ =	sdelay $0x1  }
0x64: {  	v4 =	vadd.s32 v1, v4;
	_ =	sdelay $0x1  }
0x65: {  	v3 =	vperm.xlane v3, v2;
	_ =	sdelay $0x1  }
0x66: {  	v3 =	vadd.s32 v1, v3  }
0x67: {  	[tilespmem:s13], [sflag:$0x1] =	stream.indirect_vreg.gather [hbm4b:s3+s2], $0x80, v4, vm0, $0xb8;
	[tilespmem:$0xC200] =	vst v63  }
0x68: {  	_ = 	snop  }
0x69: {  	[tilespmem:s14], [sflag:$0x1] =	stream.indirect_vreg.gather [hbm4b:s5+s2], $0x80, v4, vm1, $0xb8;
	[tilespmem:$0xC200] =	vst v63  }
0x6a: {  	_ = 	snop  }
0x6b: {  	[tilespmem:s15], [sflag:$0x1] =	stream.indirect_vreg.gather [hbm4b:s3+s2], $0x80, v3, vm0, $0xb8;
	[tilespmem:$0xC200] =	vst v63  }
0x6c: {  	_ = 	snop  }
0x6d: {  	[tilespmem:s16], [sflag:$0x1] =	stream.indirect_vreg.gather [hbm4b:s5+s2], $0x80, v3, vm1, $0xb8;
	[tilespmem:$0xC200] =	vst v63  }
0x6e: {  	v3 =	vld [tilespmem:s1+$0x10];
	_ =	sdelay $0x4  }
0x6f: {  	v61 =	vshrl.u32 v3, $0x3  }
0x70: {  	v4 =	vmul.u32 $0x18, v61  }
0x71: {  	v3 =	vand.u32 $0x7, v3  }
0x72: {  	v3 =	vor.u32 v3, v4  }
0x73: {  	v4 =	vperm.xlane v3, v0;
	_ =	sdelay $0x1  }
0x74: {  	v4 =	vadd.s32 v1, v4;
	_ =	sdelay $0x1  }
0x75: {  	v3 =	vperm.xlane v3, v2;
	_ =	sdelay $0x1  }
0x76: {  	v3 =	vadd.s32 v1, v3  }
0x77: {  	[tilespmem:s17], [sflag:$0x1] =	stream.indirect_vreg.gather [hbm4b:s3+s2], $0x80, v4, vm0, $0xb8;
	[tilespmem:$0xC200] =	vst v63  }
0x78: {  	_ = 	snop  }
0x79: {  	[tilespmem:s18], [sflag:$0x1] =	stream.indirect_vreg.gather [hbm4b:s5+s2], $0x80, v4, vm1, $0xb8;
	[tilespmem:$0xC200] =	vst v63  }
0x7a: {  	_ = 	snop  }
0x7b: {  	[tilespmem:s19], [sflag:$0x1] =	stream.indirect_vreg.gather [hbm4b:s3+s2], $0x80, v3, vm0, $0xb8;
	[tilespmem:$0xC200] =	vst v63  }
0x7c: {  	_ = 	snop  }
0x7d: {  	[tilespmem:s20], [sflag:$0x1] =	stream.indirect_vreg.gather [hbm4b:s5+s2], $0x80, v3, vm1, $0xb8;
	[tilespmem:$0xC200] =	vst v63  }
0x7e: {  	v3 =	vld [tilespmem:s1+$0x20];
	_ =	sdelay $0x4  }
0x7f: {  	v62 =	vshrl.u32 v3, $0x3  }
0x80: {  	v4 =	vmul.u32 $0x18, v62  }
0x81: {  	v3 =	vand.u32 $0x7, v3  }
0x82: {  	v3 =	vor.u32 v3, v4  }
0x83: {  	v4 =	vperm.xlane v3, v0;
	_ =	sdelay $0x1  }
0x84: {  	v4 =	vadd.s32 v1, v4;
	_ =	sdelay $0x1  }
0x85: {  	v3 =	vperm.xlane v3, v2;
	_ =	sdelay $0x1  }
0x86: {  	v3 =	vadd.s32 v1, v3  }
0x87: {  	[tilespmem:s21], [sflag:$0x1] =	stream.indirect_vreg.gather [hbm4b:s3+s2], $0x80, v4, vm0, $0xb8;
	[tilespmem:$0xC200] =	vst v63  }
0x88: {  	_ = 	snop  }
0x89: {  	[tilespmem:s22], [sflag:$0x1] =	stream.indirect_vreg.gather [hbm4b:s5+s2], $0x80, v4, vm1, $0xb8;
	[tilespmem:$0xC200] =	vst v63  }
0x8a: {  	_ = 	snop  }
0x8b: {  	[tilespmem:s23], [sflag:$0x1] =	stream.indirect_vreg.gather [hbm4b:s3+s2], $0x80, v3, vm0, $0xb8;
	[tilespmem:$0xC200] =	vst v63  }
0x8c: {  	_ = 	snop  }
0x8d: {  	[tilespmem:s24], [sflag:$0x1] =	stream.indirect_vreg.gather [hbm4b:s5+s2], $0x80, v3, vm1, $0xb8;
	[tilespmem:$0xC200] =	vst v63  }
0x8e: {  	v3 =	vld [tilespmem:s1+$0x30];
	_ =	sdelay $0x4  }
0x8f: {  	v63 =	vshrl.u32 v3, $0x3  }
0x90: {  	v4 =	vmul.u32 $0x18, v63  }
0x91: {  	v3 =	vand.u32 $0x7, v3  }
0x92: {  	v3 =	vor.u32 v3, v4  }
0x93: {  	v4 =	vperm.xlane v3, v0;
	_ =	sdelay $0x1  }
0x94: {  	v4 =	vadd.s32 v1, v4;
	_ =	sdelay $0x1  }
0x95: {  	v3 =	vperm.xlane v3, v2;
	_ =	sdelay $0x1  }
0x96: {  	v3 =	vadd.s32 v1, v3  }
0x97: {  	[tilespmem:s25], [sflag:$0x1] =	stream.indirect_vreg.gather [hbm4b:s3+s2], $0x80, v4, vm0, $0xb8;
	[tilespmem:$0xC200] =	vst v63  }
0x98: {  	_ = 	snop  }
0x99: {  	[tilespmem:s26], [sflag:$0x1] =	stream.indirect_vreg.gather [hbm4b:s5+s2], $0x80, v4, vm1, $0xb8;
	[tilespmem:$0xC200] =	vst v63  }
0x9a: {  	_ = 	snop  }
0x9b: {  	[tilespmem:s28], [sflag:$0x1] =	stream.indirect_vreg.gather [hbm4b:s3+s2], $0x80, v3, vm0, $0xb8;
	[tilespmem:$0xC200] =	vst v63  }
0x9c: {  	_ = 	snop  }
0x9d: {  	[tilespmem:s29], [sflag:$0x1] =	stream.indirect_vreg.gather [hbm4b:s5+s2], $0x80, v3, vm1, $0xb8;
	[tilespmem:$0xC200] =	vst v63  }
0x9e: {  	_ =	swait.ge [sflag:s30], $0xC000  }
0x9f: {  	p0 =	sne.s32 s0, $0x4800;
	s6 =	rddreg [dreg:$0x2];
	[sflag:s30] =	ssyncset.done $0x0  }
.Ltmp0:
0xa0: {  	[sflag:s30] =	ssyncadd.s32 $0xFFFF4000;
	s4 =	sadd.s32 s0, s6;
	(pc) =	sbr.rel @p0 .LBB2_2-.Ltmp0, $4  }
0xa1: {  	[hbm4b:s4+s2] =	stream.linear.scatter [tilespmem:s8], [sflag:$0x2], $0xC000, $0x38;
	[tilespmem:$0xC200] =	vst v63  }
0xa2: {  	_ =	swait.ge [sflag:s7], $0xC000  }
0xa3: {  	[sflag:s7] =	ssyncset.done $0x0  }
0xa4: {  	s1 =	sadd.s32 $0x80, s1;
	s0 =	sadd.s32 $0x1800, s0;
	[sflag:s7] =	ssyncadd.s32 $0xFFFF4000  }
0xa5: {  	s31 =	sadd.s32 $0x1, s31;
	s0 =	rddreg [dreg:$0xf]  }
0xa6: {  	p0 =	sne.s32 s31, s0  }
.Ltmp1:
0xa7: {  	_ = 	snop;
	(pc) =	sbr.rel @p0 .LBB2_1-.Ltmp1, $1  }
0xa8: {  	_ =	sdelay $0x3  }
0xa9: {  	_ =	sfence.sel $0x180000  }
0xaa: {  	[bflag:$0x0] =	sbarrier.arrive $0xFFFF  }
0xab: {  	_ =	strace $0x90000059  }
0xac: {  	s0 =	stileid.u32;
	[bflag:$0x2] =	sbarrier.arrive $0xFFFF  }
0xad: {  	p0 =	sne.s32 s0, $0x0;
	s0 =	rddreg [dreg:$0x1]  }
0xae: {  	s0 =	sadd.s32 @!p0 $0x100000, s0  }
0xaf: {  	[sflag:s0] =	ssyncadd.tile.s32 @!p0 $0x1;
	_ =	shalt  }
.Lfunc_end2:
_tile_overlayer_lowered:
.L_overlay_start_2:
0xb0: {  	(tag) =	ssettag $0x2  }
0xb1: {  	s0 =	rddreg [dreg:$0x0];
	s2 =	stileid.u32  }
0xb2: {  	s1 =	rddreg [dreg:$0x1];
	p0 =	sne.s32 s2, $0x0  }
0xb3: {  	s3 =	rddreg [dreg:$0x2];
	[bflag:$0x3] =	sbarrier.arrive $0xFFFF;
	s2 =	simm.s32 @!p0 $0x1C02  }
0xb4: {  	[timem:s3], [sflag:s2] =	dma.local @!p0 [hbm:s0], s1  }
0xb5: {  	s0 =	simm.s32 @!p0 $0x2  }
0xb6: {  	_ =	swait.ge @!p0 [sflag:s0], s1  }
0xb7: {  	s1 =	ssub.s32 @!p0 $0x0, s1;
	[sflag:s0] =	ssyncset.done @!p0 $0x0  }
0xb8: {  	[sflag:s0] =	ssyncadd.s32 @!p0 s1  }
0xb9: {  	[bflag:$0x3] =	sbarrier.arrive $0xFFFF  }
0xba: {  	_ =	shalt  }

// kernel: kernel.22.cloned.1.call-start
scs
__scs_entry_jumppad:
0x0: {  	(pc) =	sbr.rel $0x88, $3  }
0x1: {  	(tag) =	ssettag $0x0;
	lr =	simm.s32 $0x1  }
0x2: {  	[smem:$0x3F92] =	sst lr;
	_ =	strace $0xD0000000  }
0x3: {  	_ = 	snop  }
0x4: {  	_ = 	snop  }
0x5: {  	_ = 	snop  }
0x6: {  	_ = 	snop  }
0x7: {  	_ = 	snop  }
__scs_overlays_trampoline_lowered:
0x8: {  	[smem:$0x3FA1] =	sst s0  }
0x9: {  	[smem:$0x3FA2] =	sst s1  }
0xa: {  	[smem:$0x3FA3] =	sst s2  }
0xb: {  	[smem:$0x3FA4] =	sst s3  }
0xc: {  	[smem:$0x3FA5] =	sst s4  }
0xd: {  	[smem:$0x3FA6] =	sst s5  }
0xe: {  	[smem:$0x3FA7] =	sst s6  }
0xf: {  	[smem:$0x3FA8] =	sst s7  }
0x10: {  	[smem:$0x3FA9] =	sst s8  }
0x11: {  	[smem:$0x3FAA] =	sst s9;
	s0 =	simm.s32 @!p0 $0x0  }
0x12: {  	s1 =	sld [smem:$0x3F90];
	s0 =	simm.s32 @p0 $0x1  }
0x13: {  	[smem:$0x3FAB] =	sst s0;
	s0 =	simm.s32 @!p1 $0x0  }
0x14: {  	s2 =	sld [smem:$0x3F8F];
	s0 =	simm.s32 @p1 $0x1  }
0x15: {  	[smem:$0x3FAC] =	sst s0;
	s0 =	simm.s32 @!p2 $0x0  }
0x16: {  	s3 =	sld [smem:$0x3FDB];
	s0 =	simm.s32 @p2 $0x1  }
0x17: {  	s4 =	simm.s32 $0x1BF5;
	[smem:$0x3FAE] =	sst s0  }
0x18: {  	s0 =	sld [smem:$0x3F91];
	_ =	swait.ge [sflag:s4], $0x0  }
0x19: {  	s7 =	sld [smem:$0x3F92]  }
0x1a: {  	s8 =	sadd.s32 $0xFFFFE003, lr  }
0x1b: {  	s9 =	sadd.s32 $0xFFFFFEF7, lr;
	s5 =	simm.s32 $0xFFFFFFFF;
	p2 =	slt.u32 s8, $0xFFFFF086  }
0x1c: {  	p1 =	slt.u32 s9, $0xF7A;
	s5 =	simm.s32 @!p2 $0x0  }
0x1d: {  	s5 =	simm.s32 @p1 $0x1;
	p0 =	seq.s32 s7, s2  }
0x1e: {  	s7 =	smul.u32 @!p0 $0xF7A, s2;
	p2 =	seq.s32 @!p0 s5, $0x0  }
0x1f: {  	s9 =	smul.u32 $0xF7A, s1;
	s8 =	simm.s32 @!p0 $0x1BF5;
	p2 =	por !p2, p0  }
0x20: {  	[sflag:s8] =	ssyncset.s32 @!p0 $0xFFFFF086;
	s6 =	sadd.s32 @!p0 s3, s7;
	s7 =	simm.s32 @!p0 $0x108  }
0x21: {  	s3 =	sadd.s32 s3, s9;
	s6 =	sadd.s32 @!p0 $0x88, s6;
	s7 =	simm.s32 @p2 $0x1082  }
0x22: {  	[simem:s7], [sflag:s8] =	dma.local @!p0 [hbm:s6], $0xF7A  }
0x23: {  	s9 =	sor.u32 $0xD0000000, s2;
	s6 =	simm.s32 $0x108;
	_ =	swait.ge @!p0 [sflag:s8], $0x0  }
0x24: {  	s3 =	sadd.s32 $0x88, s3;
	s6 =	simm.s32 @!p1 $0x1082;
	[sflag:s4] =	ssyncset.s32 $0xFFFFF086  }
0x25: {  	[simem:s6], [sflag:s4] =	dma.local [hbm:s3], $0xF7A  }
0x26: {  	[smem:$0x3F92] =	sst s1;
	(tag) =	ssettag s2;
	_ =	strace s9  }
0x27: {  	s1 =	sld [smem:$0x3FA2]  }
0x28: {  	s2 =	sld [smem:$0x3FA3]  }
0x29: {  	s4 =	sld [smem:$0x3FA5]  }
0x2a: {  	p0 =	seq.s32 s5, $0x0;
	s5 =	sld [smem:$0x3FA6]  }
0x2b: {  	s6 =	sld [smem:$0x3FA7]  }
0x2c: {  	s7 =	sld [smem:$0x3FA8]  }
0x2d: {  	s3 =	simm.s32 $0x108;
	s8 =	sld [smem:$0x3FA9]  }
0x2e: {  	s3 =	simm.s32 @!p0 $0x1082;
	s9 =	sld [smem:$0x3FAA]  }
0x2f: {  	lr =	sadd.s32 s0, s3;
	s0 =	sld [smem:$0x3FA1]  }
0x30: {  	s3 =	sld [smem:$0x3FA4]  }
0x31: {  	[smem:$0x3FAD] =	sst s10  }
0x32: {  	s10 =	sld [smem:$0x3FAB];
	_ =	sdelay $0x3  }
0x33: {  	p0 =	seq.s32 s10, $0x1;
	s10 =	sld [smem:$0x3FAD];
	_ =	sdelay $0x3  }
0x34: {  	[smem:$0x3FAD] =	sst s10  }
0x35: {  	s10 =	sld [smem:$0x3FAC];
	_ =	sdelay $0x3  }
0x36: {  	p1 =	seq.s32 s10, $0x1;
	s10 =	sld [smem:$0x3FAD];
	_ =	sdelay $0x3  }
0x37: {  	[smem:$0x3FAD] =	sst s10  }
0x38: {  	s10 =	sld [smem:$0x3FAE]  }
0x39: {  	_ = 	snop;
	(pc) =	sbr.ind lr, $3  }
0x3a: {  	_ = 	snop  }
0x3b: {  	_ = 	snop  }
0x3c: {  	p2 =	seq.s32 s10, $0x1;
	s10 =	sld [smem:$0x3FAD]  }
0x3d: {  	_ =	shalt  }
0x3e: {  	_ =	shalt  }
0x3f: {  	_ =	shalt  }
0x40: {  	_ =	shalt  }
0x41: {  	_ =	shalt  }
0x42: {  	_ =	shalt  }
0x43: {  	_ =	shalt  }
0x44: {  	_ =	shalt  }
0x45: {  	_ =	shalt  }
0x46: {  	_ =	shalt  }
0x47: {  	_ =	shalt  }
0x48: {  	_ =	shalt  }
0x49: {  	_ =	shalt  }
0x4a: {  	_ =	shalt  }
0x4b: {  	_ =	shalt  }
0x4c: {  	_ =	shalt  }
0x4d: {  	_ =	shalt  }
0x4e: {  	_ =	shalt  }
0x4f: {  	_ =	shalt  }
0x50: {  	_ =	shalt  }
0x51: {  	_ =	shalt  }
0x52: {  	_ =	shalt  }
0x53: {  	_ =	shalt  }
0x54: {  	_ =	shalt  }
0x55: {  	_ =	shalt  }
0x56: {  	_ =	shalt  }
0x57: {  	_ =	shalt  }
0x58: {  	_ =	shalt  }
0x59: {  	_ =	shalt  }
0x5a: {  	_ =	shalt  }
0x5b: {  	_ =	shalt  }
0x5c: {  	_ =	shalt  }
0x5d: {  	_ =	shalt  }
0x5e: {  	_ =	shalt  }
0x5f: {  	_ =	shalt  }
0x60: {  	_ =	shalt  }
0x61: {  	_ =	shalt  }
0x62: {  	_ =	shalt  }
0x63: {  	_ =	shalt  }
0x64: {  	_ =	shalt  }
0x65: {  	_ =	shalt  }
0x66: {  	_ =	shalt  }
0x67: {  	_ =	shalt  }
0x68: {  	_ =	shalt  }
0x69: {  	_ =	shalt  }
0x6a: {  	_ =	shalt  }
0x6b: {  	_ =	shalt  }
0x6c: {  	_ =	shalt  }
0x6d: {  	_ =	shalt  }
0x6e: {  	_ =	shalt  }
0x6f: {  	_ =	shalt  }
0x70: {  	_ =	shalt  }
0x71: {  	_ =	shalt  }
0x72: {  	_ =	shalt  }
0x73: {  	_ =	shalt  }
0x74: {  	_ =	shalt  }
0x75: {  	_ =	shalt  }
0x76: {  	_ =	shalt  }
0x77: {  	_ =	shalt  }
0x78: {  	_ =	shalt  }
0x79: {  	_ =	shalt  }
0x7a: {  	_ =	shalt  }
0x7b: {  	_ =	shalt  }
0x7c: {  	_ =	shalt  }
0x7d: {  	_ =	shalt  }
0x7e: {  	_ =	shalt  }
0x7f: {  	_ =	shalt  }
0x80: {  	_ =	shalt  }
0x81: {  	_ =	shalt  }
0x82: {  	_ =	shalt  }
0x83: {  	_ =	shalt  }
0x84: {  	_ =	shalt  }
0x85: {  	_ =	shalt  }
0x86: {  	_ =	shalt  }
0x87: {  	_ =	shalt  }
.Lfunc_end0:
.L_simem_size_0:
called_computation.1_lowered:
.L_overlay_start_0:
0x88: {  	s2 =	sld [smem:$0x3FD9]  }
0x89: {  	s3 =	sld [smem:$0x3FFE];
	_ =	sdelay $0x1  }
0x8a: {  	s1 =	srdreg.scid  }
0x8b: {  	s0 =	sand.u32 $0x1, s1  }
0x8c: {  	s17 =	sshll.u32 s0, $0xA;
	s2 =	sadd.s32 s3, s2  }
0x8d: {  	s2 =	sadd.s32 s2, s17  }
0x8e: {  	[smem:$0x3FB9] =	sst s2  }
0x8f: {  	_ = 	snop  }
0x90: {  	(tm) =	ssettm $0x1  }
0x91: {  	s18 =	sld [smem:$0x3FFB];
	_ =	sdelay $0x3  }
0x92: {  	_ =	strace s18  }
0x93: {  	s2 =	sld [smem:$0x3FFC];
	_ =	sdelay $0x3  }
0x94: {  	_ =	strace s2  }
0x95: {  	s2 =	sld [smem:$0x3FFD];
	_ =	sdelay $0x3  }
0x96: {  	_ =	strace s2  }
0x97: {  	_ =	strace $0x8FFFFFFF  }
0x98: {  	s19 =	sld [smem:$0x3FDB];
	_ =	sdelay $0x1  }
0x99: {  	s20 =	simm.s32 $_scs_section_size  }
0x9a: {  	s4 =	simm.s32 $_size__tile_overlayer_lowered;
	s5 =	simm.s32 $_tile_overlayer_lowered  }
0x9b: {  	s6 =	simm.s32 $0x1BFF;
	s21 =	sshll.u32 s5, $0x1;
	s3 =	sadd.s32 s20, s19  }
0x9c: {  	s22 =	simm.s32 $0x0;
	s4 =	sshll.u32 s4, $0x1;
	s5 =	sadd.s32 s21, s3  }
0x9d: {  	[timem:s22], [sflag:s6] =	dma.local [hbm:s5], s4  }
0x9e: {  	_ =	swait.ge [sflag:s6], s4  }
0x9f: {  	s4 =	ssub.s32 $0x0, s4;
	[sflag:s6] =	ssyncset.done $0x0  }
0xa0: {  	[sflag:s6] =	ssyncadd.s32 s4;
	_ =	sdelay $0x1  }
0xa1: {  	s23 =	simm.s32 $0x1B8B  }
0xa2: {  	_ =	swait.ge [sflag:s23], $0x1  }
0xa3: {  	[sflag:s23] =	ssyncset.done $0x0  }
0xa4: {  	[sflag:s23] =	ssyncadd.s32 $0xFFFFFFFF  }
0xa5: {  	s4 =	sld [smem:$0x0]  }
0xa6: {  	s5 =	sand.u32 $0xFFFFFFFE, s1  }
0xa7: {  	p0 =	sne.s32 s1, s5  }
0xa8: {  	s5 =	sshll.u32 @p0 s5, $0xE  }
0xa9: {  	s5 =	sadd.s32 @p0 $0x11B8D, s5;
	s6 =	sshll.u32 @p0 s4, $0x11  }
0xaa: {  	s5 =	sor.u32 @p0 s6, s5  }
0xab: {  	[sflag:s5] =	ssyncadd.remote.s32 @p0 $0x1;
	_ =	sdelay $0x1  }
0xac: {  	s5 =	simm.s32 @p0 $0x1B8D  }
0xad: {  	_ =	swait.eq @p0 [sflag:s5], $0x1  }
0xae: {  	[sflag:s5] =	ssyncadd.s32 @p0 $0xFFFFFFFF  }
0xaf: {  	s6 =	sshll.u32 @!p0 s1, $0xE  }
0xb0: {  	s6 =	sor.u32 @!p0 $0x4000, s6;
	s5 =	simm.s32 @!p0 $0x1B8D  }
0xb1: {  	s4 =	sshll.u32 @!p0 s4, $0x11;
	s6 =	sadd.s32 @!p0 $0x11B8D, s6;
	_ =	swait.eq @!p0 [sflag:s5], $0x1  }
0xb2: {  	s4 =	sor.u32 @!p0 s4, s6;
	[sflag:s5] =	ssyncadd.s32 @!p0 $0xFFFFFFFF  }
0xb3: {  	s25 =	simm.s32 $0x1B8E;
	s24 =	sld [smem:$0x3FFE];
	[sflag:s4] =	ssyncadd.remote.s32 @!p0 $0x1  }
0xb4: {  	s26 =	simm.s32 $execute0_lowered;
	[smem:$0x3FD2] =	sst s25  }
0xb5: {  	s5 =	sshll.u32 s26, $0x1;
	_ =	strace $0x80000055;
	[dreg:$0x1] =	wrdreg $0xFFFFFFFF  }
0xb6: {  	s28 =	simm.s32 $_size_execute0_lowered;
	s3 =	sadd.s32 s3, s5;
	[dreg:$0x0] =	wrdreg $0x0  }
0xb7: {  	s5 =	sshll.u32 s28, $0x1;
	[dreg:$0x2] =	wrdreg s3  }
0xb8: {  	[dreg:$0x3] =	wrdreg s5  }
0xb9: {  	[dreg:$0x4] =	wrdreg $0xC0  }
0xba: {  	_ =	task [dreg:s22], $0x5FFFF  }
0xbb: {  	[dreg:$0x1] =	wrdreg $0xFFFFFFFF  }
0xbc: {  	[dreg:$0x0] =	wrdreg $0x60  }
0xbd: {  	[dreg:$0x2] =	wrdreg s24  }
0xbe: {  	[dreg:$0x3] =	wrdreg $0xA  }
0xbf: {  	_ =	task.clear_ibuf [dreg:s22], $0x4FFFF;
	_ =	strace $0x90000055  }
0xc0: {  	s29 =	simm.s32 $0xA;
	_ =	strace $0x80000057  }
0xc1: {  	_ =	swait.ge [sflag:s29], $0x1  }
0xc2: {  	[sflag:s29] =	ssyncadd.s32 $0xFFFFFFFF  }
0xc3: {  	_ =	strace $0x90000057  }
0xc4: {  	_ =	sfence  }
0xc5: {  	s30 =	sld [smem:$0x0];
	_ =	sdelay $0x2  }
0xc6: {  	s31 =	sshll.u32 s1, $0xD;
	s1 =	sshrl.u32 s1, $0x2  }
0xc7: {  	s4 =	sand.u32 $0x4000, s31;
	s1 =	sadd.s32 s1, s30  }
0xc8: {  	s0 =	sor.u32 s4, s0;
	s1 =	sshll.u32 s1, $0x11  }
0xc9: {  	s0 =	sor.u32 s1, s0  }
0xca: {  	s0 =	sadd.s32 $0x8F2B, s0  }
0xcb: {  	[sflag:s0] =	ssyncadd.remote.s32 $0x1  }
0xcc: {  	_ =	sfence.sel $0xFFFF  }
0xcd: {  	[dreg:$0x0] =	wrdreg $0xFFFFFFFF;
	(pc) =	sbr.abs _section_cstart, $3  }
0xce: {  	[dreg:$0x1] =	wrdreg $0xFFFFFFFF  }
0xcf: {  	_ =	task.clear_ibuf [dreg:s22], $0x2FFFF;
	_ =	strace $0x9FFFFFFF  }
0xd0: {  	(tm) =	ssettm $0x7FFFFFFF  }
0xd1: {  	_ =	shalt  }
tec
execute0_lowered:
.L_overlay_start_1:
0x0: {  	(tag) =	ssettag $0x1  }
0x1: {  	s0 =	srdreg.scid;
	s1 =	stileid.u32  }
0x2: {  	s5 =	rddreg [dreg:$0x0];
	s17 =	simm.s32 $0xA00;
	s4 =	simm.s32 $0xE00  }
0x3: {  	s18 =	simm.s32 $0x1600;
	s19 =	simm.s32 $0x1A00;
	s20 =	simm.s32 $0x2200  }
0x4: {  	s21 =	simm.s32 $0x2600;
	s22 =	simm.s32 $0x2E00;
	s0 =	sand.u32 $0x1, s0  }
0x5: {  	s23 =	simm.s32 $0x3200;
	s1 =	sshll.u32 s1, $0xA;
	s2 =	sshll.u32 s0, $0x9  }
0x6: {  	s24 =	simm.s32 $0x3A00;
	s1 =	sor.u32 s2, s1;
	s2 =	simm.s32 $0x0  }
0x7: {  	s25 =	simm.s32 $0x3E00;
	s7 =	simm.s32 $0x2;
	[smem:$0x7FF] =	sst s2  }
0x8: {  	s26 =	simm.s32 $0x4600;
	_ =	strace $0x80000056;
	[dreg:$0x3] =	wrdreg s17  }
0x9: {  	s8 =	simm.s32 $0x200;
	s9 =	simm.s32 $0x4A00;
	[dreg:$0x4] =	wrdreg s4  }
0xa: {  	s10 =	simm.s32 $0x5200;
	s11 =	simm.s32 $0x5600;
	[dreg:$0x5] =	wrdreg s18  }
0xb: {  	s12 =	simm.s32 $0x5E00;
	s13 =	simm.s32 $0x6200;
	[dreg:$0x6] =	wrdreg s19  }
0xc: {  	s14 =	simm.s32 $0x6A00;
	s15 =	simm.s32 $0x6E00;
	[dreg:$0x7] =	wrdreg s20  }
0xd: {  	s16 =	simm.s32 $0x7600;
	s28 =	simm.s32 $0xB600;
	[dreg:$0x8] =	wrdreg s21  }
0xe: {  	s29 =	simm.s32 $0xBE00;
	s30 =	simm.s32 $0x1;
	[dreg:$0x9] =	wrdreg s22  }
0xf: {  	s31 =	simm.s32 $0x0;
	s0 =	ssub.s32 $0x2, s0;
	[dreg:$0xa] =	wrdreg s23  }
0x10: {  	s6 =	sshrl.u32 s0, $0x1;
	s1 =	sshrl.u32 s1, $0x3;
	[dreg:$0xb] =	wrdreg s24  }
0x11: {  	s0 =	ssub.s32 s0, s6;
	s3 =	smul.u32 $0x180, s1;
	[dreg:$0xc] =	wrdreg s25  }
0x12: {  	s1 =	sadd.s32 s1, s5;
	s0 =	smax.u32 s0, $0x1;
	[dreg:$0xd] =	wrdreg s26  }
0x13: {  	s17 =	simm.s32 $0x7A00;
	s18 =	simm.s32 $0x8200;
	s19 =	simm.s32 $0x8600  }
0x14: {  	s20 =	simm.s32 $0x8E00;
	s21 =	simm.s32 $0x9200;
	s22 =	simm.s32 $0x9A00  }
0x15: {  	s23 =	simm.s32 $0x9E00;
	s24 =	simm.s32 $0xA600;
	s25 =	simm.s32 $0xAA00  }
0x16: {  	v2 =	vlaneseq.u32;
	s1 =	sadd.s32 $0xBE00, s1;
	[dreg:$0xf] =	wrdreg s0;
	s3 =	sadd.s32 s3, s5  }
0x17: {  	vm0 =	vmmov $0xffff;
	vm1 =	vmmov $0xff;
	v1 =	vshrl.u32 v2, $0x3;
	s26 =	simm.s32 $0xB200;
	[dreg:$0xe] =	wrdreg s1;
	s3 =	sadd.s32 $0x44CE00, s3  }
0x18: {  	v0 =	vand.u32 $0x7, v2;
	v2 =	vor.u32 $0x8, v2;
	v1 =	vmul.u32 $0x8, v1;
	[dreg:$0x2] =	wrdreg s3;
	s3 =	sadd.s32 $0x2CE00, s5;
	s5 =	sadd.s32 $0x2CF00, s5  }
.LBB2_1:
0x19: {  	s0 =	rddreg [dreg:$0xe]  }
0x1a: {  	[tilespmem:s2], [sflag:$0x2] =	stream.linear.gather [hbm4b:s0+s2], $0x200, $0x38;
	[tilespmem:$0xC200] =	vst v63  }
0x1b: {  	_ =	swait.ge [sflag:s7], $0x200  }
0x1c: {  	[sflag:s7] =	ssyncset.done $0x0  }
0x1d: {  	s1 =	simm.s32 $0x40;
	s0 =	simm.s32 $0x0;
	[sflag:s7] =	ssyncadd.s32 $0xFFFFFE00  }
.LBB2_2:
0x1e: {  	v3 =	vld [tilespmem:s1+$0xFFFFFFC0];
	_ =	sdelay $0x4  }
0x1f: {  	v4 =	vshrl.u32 v3, $0x3  }
0x20: {  	v4 =	vmul.u32 $0x18, v4  }
0x21: {  	v3 =	vand.u32 $0x7, v3  }
0x22: {  	v3 =	vor.u32 v3, v4  }
0x23: {  	v4 =	vperm.xlane v3, v0;
	_ =	sdelay $0x1  }
0x24: {  	v4 =	vadd.s32 v1, v4;
	_ =	sdelay $0x1  }
0x25: {  	v3 =	vperm.xlane v3, v2;
	_ =	sdelay $0x1  }
0x26: {  	v3 =	vadd.s32 v1, v3  }
0x27: {  	[tilespmem:s8], [sflag:$0x1] =	stream.indirect_vreg.gather [hbm4b:s3+s2], $0x80, v4, vm0, $0xb8;
	[tilespmem:$0xC200] =	vst v63  }
0x28: {  	s4 =	rddreg [dreg:$0x3]  }
0x29: {  	[tilespmem:s4], [sflag:$0x1] =	stream.indirect_vreg.gather [hbm4b:s5+s2], $0x80, v4, vm1, $0xb8;
	[tilespmem:$0xC200] =	vst v63  }
0x2a: {  	s6 =	rddreg [dreg:$0x4]  }
0x2b: {  	[tilespmem:s6], [sflag:$0x1] =	stream.indirect_vreg.gather [hbm4b:s3+s2], $0x80, v3, vm0, $0xb8;
	[tilespmem:$0xC200] =	vst v63  }
0x2c: {  	s4 =	rddreg [dreg:$0x5]  }
0x2d: {  	[tilespmem:s4], [sflag:$0x1] =	stream.indirect_vreg.gather [hbm4b:s5+s2], $0x80, v3, vm1, $0xb8;
	[tilespmem:$0xC200] =	vst v63  }
0x2e: {  	v3 =	vld [tilespmem:s1+$0xFFFFFFD0];
	_ =	sdelay $0x4  }
0x2f: {  	v57 =	vshrl.u32 v3, $0x3  }
0x30: {  	v4 =	vmul.u32 $0x18, v57  }
0x31: {  	v3 =	vand.u32 $0x7, v3  }
0x32: {  	v3 =	vor.u32 v3, v4  }
0x33: {  	v4 =	vperm.xlane v3, v0;
	_ =	sdelay $0x1  }
0x34: {  	v4 =	vadd.s32 v1, v4;
	_ =	sdelay $0x1  }
0x35: {  	v3 =	vperm.xlane v3, v2;
	_ =	sdelay $0x1  }
0x36: {  	s4 =	rddreg [dreg:$0x6];
	v3 =	vadd.s32 v1, v3  }
0x37: {  	[tilespmem:s4], [sflag:$0x1] =	stream.indirect_vreg.gather [hbm4b:s3+s2], $0x80, v4, vm0, $0xb8;
	[tilespmem:$0xC200] =	vst v63  }
0x38: {  	s6 =	rddreg [dreg:$0x7]  }
0x39: {  	[tilespmem:s6], [sflag:$0x1] =	stream.indirect_vreg.gather [hbm4b:s5+s2], $0x80, v4, vm1, $0xb8;
	[tilespmem:$0xC200] =	vst v63  }
0x3a: {  	s4 =	rddreg [dreg:$0x8]  }
0x3b: {  	[tilespmem:s4], [sflag:$0x1] =	stream.indirect_vreg.gather [hbm4b:s3+s2], $0x80, v3, vm0, $0xb8;
	[tilespmem:$0xC200] =	vst v63  }
0x3c: {  	s6 =	rddreg [dreg:$0x9]  }
0x3d: {  	[tilespmem:s6], [sflag:$0x1] =	stream.indirect_vreg.gather [hbm4b:s5+s2], $0x80, v3, vm1, $0xb8;
	[tilespmem:$0xC200] =	vst v63  }
0x3e: {  	v3 =	vld [tilespmem:s1+$0xFFFFFFE0];
	_ =	sdelay $0x4  }
0x3f: {  	v58 =	vshrl.u32 v3, $0x3  }
0x40: {  	v4 =	vmul.u32 $0x18, v58  }
0x41: {  	v3 =	vand.u32 $0x7, v3  }
0x42: {  	v3 =	vor.u32 v3, v4  }
0x43: {  	v4 =	vperm.xlane v3, v0;
	_ =	sdelay $0x1  }
0x44: {  	v4 =	vadd.s32 v1, v4;
	_ =	sdelay $0x1  }
0x45: {  	v3 =	vperm.xlane v3, v2;
	_ =	sdelay $0x1  }
0x46: {  	s4 =	rddreg [dreg:$0xa];
	v3 =	vadd.s32 v1, v3  }
0x47: {  	[tilespmem:s4], [sflag:$0x1] =	stream.indirect_vreg.gather [hbm4b:s3+s2], $0x80, v4, vm0, $0xb8;
	[tilespmem:$0xC200] =	vst v63  }
0x48: {  	s6 =	rddreg [dreg:$0xb]  }
0x49: {  	[tilespmem:s6], [sflag:$0x1] =	stream.indirect_vreg.gather [hbm4b:s5+s2], $0x80, v4, vm1, $0xb8;
	[tilespmem:$0xC200] =	vst v63  }
0x4a: {  	s4 =	rddreg [dreg:$0xc]  }
0x4b: {  	[tilespmem:s4], [sflag:$0x1] =	stream.indirect_vreg.gather [hbm4b:s3+s2], $0x80, v3, vm0, $0xb8;
	[tilespmem:$0xC200] =	vst v63  }
0x4c: {  	s6 =	rddreg [dreg:$0xd]  }
0x4d: {  	[tilespmem:s6], [sflag:$0x1] =	stream.indirect_vreg.gather [hbm4b:s5+s2], $0x80, v3, vm1, $0xb8;
	[tilespmem:$0xC200] =	vst v63  }
0x4e: {  	v3 =	vld [tilespmem:s1+$0xFFFFFFF0];
	_ =	sdelay $0x4  }
0x4f: {  	v59 =	vshrl.u32 v3, $0x3  }
0x50: {  	v4 =	vmul.u32 $0x18, v59  }
0x51: {  	v3 =	vand.u32 $0x7, v3  }
0x52: {  	v3 =	vor.u32 v3, v4  }
0x53: {  	v4 =	vperm.xlane v3, v0;
	_ =	sdelay $0x1  }
0x54: {  	v4 =	vadd.s32 v1, v4;
	_ =	sdelay $0x1  }
0x55: {  	v3 =	vperm.xlane v3, v2;
	_ =	sdelay $0x1  }
0x56: {  	v3 =	vadd.s32 v1, v3  }
0x57: {  	[tilespmem:s9], [sflag:$0x1] =	stream.indirect_vreg.gather [hbm4b:s3+s2], $0x80, v4, vm0, $0xb8;
	[tilespmem:$0xC200] =	vst v63  }
0x58: {  	_ = 	snop  }
0x59: {  	[tilespmem:s10], [sflag:$0x1] =	stream.indirect_vreg.gather [hbm4b:s5+s2], $0x80, v4, vm1, $0xb8;
	[tilespmem:$0xC200] =	vst v63  }
0x5a: {  	_ = 	snop  }
0x5b: {  	[tilespmem:s11], [sflag:$0x1] =	stream.indirect_vreg.gather [hbm4b:s3+s2], $0x80, v3, vm0, $0xb8;
	[tilespmem:$0xC200] =	vst v63  }
0x5c: {  	_ = 	snop  }
0x5d: {  	[tilespmem:s12], [sflag:$0x1] =	stream.indirect_vreg.gather [hbm4b:s5+s2], $0x80, v3, vm1, $0xb8;
	[tilespmem:$0xC200] =	vst v63  }
0x5e: {  	v3 =	vld [tilespmem:s1+$0x0];
	_ =	sdelay $0x4  }
0x5f: {  	v60 =	vshrl.u32 v3, $0x3  }
0x60: {  	v4 =	vmul.u32 $0x18, v60  }
0x61: {  	v3 =	vand.u32 $0x7, v3  }
0x62: {  	v3 =	vor.u32 v3, v4  }
0x63: {  	v4 =	vperm.xlane v3, v0;
	_ =	sdelay $0x1  }
0x64: {  	v4 =	vadd.s32 v1, v4;
	_ =	sdelay $0x1  }
0x65: {  	v3 =	vperm.xlane v3, v2;
	_ =	sdelay $0x1  }
0x66: {  	v3 =	vadd.s32 v1, v3  }
0x67: {  	[tilespmem:s13], [sflag:$0x1] =	stream.indirect_vreg.gather [hbm4b:s3+s2], $0x80, v4, vm0, $0xb8;
	[tilespmem:$0xC200] =	vst v63  }
0x68: {  	_ = 	snop  }
0x69: {  	[tilespmem:s14], [sflag:$0x1] =	stream.indirect_vreg.gather [hbm4b:s5+s2], $0x80, v4, vm1, $0xb8;
	[tilespmem:$0xC200] =	vst v63  }
0x6a: {  	_ = 	snop  }
0x6b: {  	[tilespmem:s15], [sflag:$0x1] =	stream.indirect_vreg.gather [hbm4b:s3+s2], $0x80, v3, vm0, $0xb8;
	[tilespmem:$0xC200] =	vst v63  }
0x6c: {  	_ = 	snop  }
0x6d: {  	[tilespmem:s16], [sflag:$0x1] =	stream.indirect_vreg.gather [hbm4b:s5+s2], $0x80, v3, vm1, $0xb8;
	[tilespmem:$0xC200] =	vst v63  }
0x6e: {  	v3 =	vld [tilespmem:s1+$0x10];
	_ =	sdelay $0x4  }
0x6f: {  	v61 =	vshrl.u32 v3, $0x3  }
0x70: {  	v4 =	vmul.u32 $0x18, v61  }
0x71: {  	v3 =	vand.u32 $0x7, v3  }
0x72: {  	v3 =	vor.u32 v3, v4  }
0x73: {  	v4 =	vperm.xlane v3, v0;
	_ =	sdelay $0x1  }
0x74: {  	v4 =	vadd.s32 v1, v4;
	_ =	sdelay $0x1  }
0x75: {  	v3 =	vperm.xlane v3, v2;
	_ =	sdelay $0x1  }
0x76: {  	v3 =	vadd.s32 v1, v3  }
0x77: {  	[tilespmem:s17], [sflag:$0x1] =	stream.indirect_vreg.gather [hbm4b:s3+s2], $0x80, v4, vm0, $0xb8;
	[tilespmem:$0xC200] =	vst v63  }
0x78: {  	_ = 	snop  }
0x79: {  	[tilespmem:s18], [sflag:$0x1] =	stream.indirect_vreg.gather [hbm4b:s5+s2], $0x80, v4, vm1, $0xb8;
	[tilespmem:$0xC200] =	vst v63  }
0x7a: {  	_ = 	snop  }
0x7b: {  	[tilespmem:s19], [sflag:$0x1] =	stream.indirect_vreg.gather [hbm4b:s3+s2], $0x80, v3, vm0, $0xb8;
	[tilespmem:$0xC200] =	vst v63  }
0x7c: {  	_ = 	snop  }
0x7d: {  	[tilespmem:s20], [sflag:$0x1] =	stream.indirect_vreg.gather [hbm4b:s5+s2], $0x80, v3, vm1, $0xb8;
	[tilespmem:$0xC200] =	vst v63  }
0x7e: {  	v3 =	vld [tilespmem:s1+$0x20];
	_ =	sdelay $0x4  }
0x7f: {  	v62 =	vshrl.u32 v3, $0x3  }
0x80: {  	v4 =	vmul.u32 $0x18, v62  }
0x81: {  	v3 =	vand.u32 $0x7, v3  }
0x82: {  	v3 =	vor.u32 v3, v4  }
0x83: {  	v4 =	vperm.xlane v3, v0;
	_ =	sdelay $0x1  }
0x84: {  	v4 =	vadd.s32 v1, v4;
	_ =	sdelay $0x1  }
0x85: {  	v3 =	vperm.xlane v3, v2;
	_ =	sdelay $0x1  }
0x86: {  	v3 =	vadd.s32 v1, v3  }
0x87: {  	[tilespmem:s21], [sflag:$0x1] =	stream.indirect_vreg.gather [hbm4b:s3+s2], $0x80, v4, vm0, $0xb8;
	[tilespmem:$0xC200] =	vst v63  }
0x88: {  	_ = 	snop  }
0x89: {  	[tilespmem:s22], [sflag:$0x1] =	stream.indirect_vreg.gather [hbm4b:s5+s2], $0x80, v4, vm1, $0xb8;
	[tilespmem:$0xC200] =	vst v63  }
0x8a: {  	_ = 	snop  }
0x8b: {  	[tilespmem:s23], [sflag:$0x1] =	stream.indirect_vreg.gather [hbm4b:s3+s2], $0x80, v3, vm0, $0xb8;
	[tilespmem:$0xC200] =	vst v63  }
0x8c: {  	_ = 	snop  }
0x8d: {  	[tilespmem:s24], [sflag:$0x1] =	stream.indirect_vreg.gather [hbm4b:s5+s2], $0x80, v3, vm1, $0xb8;
	[tilespmem:$0xC200] =	vst v63  }
0x8e: {  	v3 =	vld [tilespmem:s1+$0x30];
	_ =	sdelay $0x4  }
0x8f: {  	v63 =	vshrl.u32 v3, $0x3  }
0x90: {  	v4 =	vmul.u32 $0x18, v63  }
0x91: {  	v3 =	vand.u32 $0x7, v3  }
0x92: {  	v3 =	vor.u32 v3, v4  }
0x93: {  	v4 =	vperm.xlane v3, v0;
	_ =	sdelay $0x1  }
0x94: {  	v4 =	vadd.s32 v1, v4;
	_ =	sdelay $0x1  }
0x95: {  	v3 =	vperm.xlane v3, v2;
	_ =	sdelay $0x1  }
0x96: {  	v3 =	vadd.s32 v1, v3  }
0x97: {  	[tilespmem:s25], [sflag:$0x1] =	stream.indirect_vreg.gather [hbm4b:s3+s2], $0x80, v4, vm0, $0xb8;
	[tilespmem:$0xC200] =	vst v63  }
0x98: {  	_ = 	snop  }
0x99: {  	[tilespmem:s26], [sflag:$0x1] =	stream.indirect_vreg.gather [hbm4b:s5+s2], $0x80, v4, vm1, $0xb8;
	[tilespmem:$0xC200] =	vst v63  }
0x9a: {  	_ = 	snop  }
0x9b: {  	[tilespmem:s28], [sflag:$0x1] =	stream.indirect_vreg.gather [hbm4b:s3+s2], $0x80, v3, vm0, $0xb8;
	[tilespmem:$0xC200] =	vst v63  }
0x9c: {  	_ = 	snop  }
0x9d: {  	[tilespmem:s29], [sflag:$0x1] =	stream.indirect_vreg.gather [hbm4b:s5+s2], $0x80, v3, vm1, $0xb8;
	[tilespmem:$0xC200] =	vst v63  }
0x9e: {  	_ =	swait.ge [sflag:s30], $0xC000  }
0x9f: {  	p0 =	sne.s32 s0, $0x4800;
	s6 =	rddreg [dreg:$0x2];
	[sflag:s30] =	ssyncset.done $0x0  }
.Ltmp0:
0xa0: {  	[sflag:s30] =	ssyncadd.s32 $0xFFFF4000;
	s4 =	sadd.s32 s0, s6;
	(pc) =	sbr.rel @p0 .LBB2_2-.Ltmp0, $4  }
0xa1: {  	[hbm4b:s4+s2] =	stream.linear.scatter [tilespmem:s8], [sflag:$0x2], $0xC000, $0x38;
	[tilespmem:$0xC200] =	vst v63  }
0xa2: {  	_ =	swait.ge [sflag:s7], $0xC000  }
0xa3: {  	[sflag:s7] =	ssyncset.done $0x0  }
0xa4: {  	s1 =	sadd.s32 $0x80, s1;
	s0 =	sadd.s32 $0x1800, s0;
	[sflag:s7] =	ssyncadd.s32 $0xFFFF4000  }
0xa5: {  	s31 =	sadd.s32 $0x1, s31;
	s0 =	rddreg [dreg:$0xf]  }
0xa6: {  	p0 =	sne.s32 s31, s0  }
.Ltmp1:
0xa7: {  	_ = 	snop;
	(pc) =	sbr.rel @p0 .LBB2_1-.Ltmp1, $1  }
0xa8: {  	_ =	sdelay $0x3  }
0xa9: {  	_ =	sfence.sel $0x180000  }
0xaa: {  	[bflag:$0x0] =	sbarrier.arrive $0xFFFF  }
0xab: {  	_ =	strace $0x90000056  }
0xac: {  	s0 =	stileid.u32;
	[bflag:$0x2] =	sbarrier.arrive $0xFFFF  }
0xad: {  	p0 =	sne.s32 s0, $0x0;
	s0 =	rddreg [dreg:$0x1]  }
0xae: {  	s0 =	sadd.s32 @!p0 $0x100000, s0  }
0xaf: {  	[sflag:s0] =	ssyncadd.tile.s32 @!p0 $0x1;
	_ =	shalt  }
.Lfunc_end2:
_tile_overlayer_lowered:
.L_overlay_start_2:
0xb0: {  	(tag) =	ssettag $0x2  }
0xb1: {  	s0 =	rddreg [dreg:$0x0];
	s2 =	stileid.u32  }
0xb2: {  	s1 =	rddreg [dreg:$0x1];
	p0 =	sne.s32 s2, $0x0  }
0xb3: {  	s3 =	rddreg [dreg:$0x2];
	[bflag:$0x3] =	sbarrier.arrive $0xFFFF;
	s2 =	simm.s32 @!p0 $0x1C02  }
0xb4: {  	[timem:s3], [sflag:s2] =	dma.local @!p0 [hbm:s0], s1  }
0xb5: {  	s0 =	simm.s32 @!p0 $0x2  }
0xb6: {  	_ =	swait.ge @!p0 [sflag:s0], s1  }
0xb7: {  	s1 =	ssub.s32 @!p0 $0x0, s1;
	[sflag:s0] =	ssyncset.done @!p0 $0x0  }
0xb8: {  	[sflag:s0] =	ssyncadd.s32 @!p0 s1  }
0xb9: {  	[bflag:$0x3] =	sbarrier.arrive $0xFFFF  }
0xba: {  	_ =	shalt  }

// kernel: kernel.25.cloned.1.call-start
scs
__scs_entry_jumppad:
0x0: {  	(pc) =	sbr.rel $0x88, $3  }
0x1: {  	(tag) =	ssettag $0x0;
	lr =	simm.s32 $0x1  }
0x2: {  	[smem:$0x3F92] =	sst lr;
	_ =	strace $0xD0000000  }
0x3: {  	_ = 	snop  }
0x4: {  	_ = 	snop  }
0x5: {  	_ = 	snop  }
0x6: {  	_ = 	snop  }
0x7: {  	_ = 	snop  }
__scs_overlays_trampoline_lowered:
0x8: {  	[smem:$0x3FA1] =	sst s0  }
0x9: {  	[smem:$0x3FA2] =	sst s1  }
0xa: {  	[smem:$0x3FA3] =	sst s2  }
0xb: {  	[smem:$0x3FA4] =	sst s3  }
0xc: {  	[smem:$0x3FA5] =	sst s4  }
0xd: {  	[smem:$0x3FA6] =	sst s5  }
0xe: {  	[smem:$0x3FA7] =	sst s6  }
0xf: {  	[smem:$0x3FA8] =	sst s7  }
0x10: {  	[smem:$0x3FA9] =	sst s8  }
0x11: {  	[smem:$0x3FAA] =	sst s9;
	s0 =	simm.s32 @!p0 $0x0  }
0x12: {  	s1 =	sld [smem:$0x3F90];
	s0 =	simm.s32 @p0 $0x1  }
0x13: {  	[smem:$0x3FAB] =	sst s0;
	s0 =	simm.s32 @!p1 $0x0  }
0x14: {  	s2 =	sld [smem:$0x3F8F];
	s0 =	simm.s32 @p1 $0x1  }
0x15: {  	[smem:$0x3FAC] =	sst s0;
	s0 =	simm.s32 @!p2 $0x0  }
0x16: {  	s3 =	sld [smem:$0x3FDB];
	s0 =	simm.s32 @p2 $0x1  }
0x17: {  	s4 =	simm.s32 $0x1BF5;
	[smem:$0x3FAE] =	sst s0  }
0x18: {  	s0 =	sld [smem:$0x3F91];
	_ =	swait.ge [sflag:s4], $0x0  }
0x19: {  	s7 =	sld [smem:$0x3F92]  }
0x1a: {  	s8 =	sadd.s32 $0xFFFFE003, lr  }
0x1b: {  	s9 =	sadd.s32 $0xFFFFFEF7, lr;
	s5 =	simm.s32 $0xFFFFFFFF;
	p2 =	slt.u32 s8, $0xFFFFF086  }
0x1c: {  	p1 =	slt.u32 s9, $0xF7A;
	s5 =	simm.s32 @!p2 $0x0  }
0x1d: {  	s5 =	simm.s32 @p1 $0x1;
	p0 =	seq.s32 s7, s2  }
0x1e: {  	s7 =	smul.u32 @!p0 $0xF7A, s2;
	p2 =	seq.s32 @!p0 s5, $0x0  }
0x1f: {  	s9 =	smul.u32 $0xF7A, s1;
	s8 =	simm.s32 @!p0 $0x1BF5;
	p2 =	por !p2, p0  }
0x20: {  	[sflag:s8] =	ssyncset.s32 @!p0 $0xFFFFF086;
	s6 =	sadd.s32 @!p0 s3, s7;
	s7 =	simm.s32 @!p0 $0x108  }
0x21: {  	s3 =	sadd.s32 s3, s9;
	s6 =	sadd.s32 @!p0 $0x88, s6;
	s7 =	simm.s32 @p2 $0x1082  }
0x22: {  	[simem:s7], [sflag:s8] =	dma.local @!p0 [hbm:s6], $0xF7A  }
0x23: {  	s9 =	sor.u32 $0xD0000000, s2;
	s6 =	simm.s32 $0x108;
	_ =	swait.ge @!p0 [sflag:s8], $0x0  }
0x24: {  	s3 =	sadd.s32 $0x88, s3;
	s6 =	simm.s32 @!p1 $0x1082;
	[sflag:s4] =	ssyncset.s32 $0xFFFFF086  }
0x25: {  	[simem:s6], [sflag:s4] =	dma.local [hbm:s3], $0xF7A  }
0x26: {  	[smem:$0x3F92] =	sst s1;
	(tag) =	ssettag s2;
	_ =	strace s9  }
0x27: {  	s1 =	sld [smem:$0x3FA2]  }
0x28: {  	s2 =	sld [smem:$0x3FA3]  }
0x29: {  	s4 =	sld [smem:$0x3FA5]  }
0x2a: {  	p0 =	seq.s32 s5, $0x0;
	s5 =	sld [smem:$0x3FA6]  }
0x2b: {  	s6 =	sld [smem:$0x3FA7]  }
0x2c: {  	s7 =	sld [smem:$0x3FA8]  }
0x2d: {  	s3 =	simm.s32 $0x108;
	s8 =	sld [smem:$0x3FA9]  }
0x2e: {  	s3 =	simm.s32 @!p0 $0x1082;
	s9 =	sld [smem:$0x3FAA]  }
0x2f: {  	lr =	sadd.s32 s0, s3;
	s0 =	sld [smem:$0x3FA1]  }
0x30: {  	s3 =	sld [smem:$0x3FA4]  }
0x31: {  	[smem:$0x3FAD] =	sst s10  }
0x32: {  	s10 =	sld [smem:$0x3FAB];
	_ =	sdelay $0x3  }
0x33: {  	p0 =	seq.s32 s10, $0x1;
	s10 =	sld [smem:$0x3FAD];
	_ =	sdelay $0x3  }
0x34: {  	[smem:$0x3FAD] =	sst s10  }
0x35: {  	s10 =	sld [smem:$0x3FAC];
	_ =	sdelay $0x3  }
0x36: {  	p1 =	seq.s32 s10, $0x1;
	s10 =	sld [smem:$0x3FAD];
	_ =	sdelay $0x3  }
0x37: {  	[smem:$0x3FAD] =	sst s10  }
0x38: {  	s10 =	sld [smem:$0x3FAE]  }
0x39: {  	_ = 	snop;
	(pc) =	sbr.ind lr, $3  }
0x3a: {  	_ = 	snop  }
0x3b: {  	_ = 	snop  }
0x3c: {  	p2 =	seq.s32 s10, $0x1;
	s10 =	sld [smem:$0x3FAD]  }
0x3d: {  	_ =	shalt  }
0x3e: {  	_ =	shalt  }
0x3f: {  	_ =	shalt  }
0x40: {  	_ =	shalt  }
0x41: {  	_ =	shalt  }
0x42: {  	_ =	shalt  }
0x43: {  	_ =	shalt  }
0x44: {  	_ =	shalt  }
0x45: {  	_ =	shalt  }
0x46: {  	_ =	shalt  }
0x47: {  	_ =	shalt  }
0x48: {  	_ =	shalt  }
0x49: {  	_ =	shalt  }
0x4a: {  	_ =	shalt  }
0x4b: {  	_ =	shalt  }
0x4c: {  	_ =	shalt  }
0x4d: {  	_ =	shalt  }
0x4e: {  	_ =	shalt  }
0x4f: {  	_ =	shalt  }
0x50: {  	_ =	shalt  }
0x51: {  	_ =	shalt  }
0x52: {  	_ =	shalt  }
0x53: {  	_ =	shalt  }
0x54: {  	_ =	shalt  }
0x55: {  	_ =	shalt  }
0x56: {  	_ =	shalt  }
0x57: {  	_ =	shalt  }
0x58: {  	_ =	shalt  }
0x59: {  	_ =	shalt  }
0x5a: {  	_ =	shalt  }
0x5b: {  	_ =	shalt  }
0x5c: {  	_ =	shalt  }
0x5d: {  	_ =	shalt  }
0x5e: {  	_ =	shalt  }
0x5f: {  	_ =	shalt  }
0x60: {  	_ =	shalt  }
0x61: {  	_ =	shalt  }
0x62: {  	_ =	shalt  }
0x63: {  	_ =	shalt  }
0x64: {  	_ =	shalt  }
0x65: {  	_ =	shalt  }
0x66: {  	_ =	shalt  }
0x67: {  	_ =	shalt  }
0x68: {  	_ =	shalt  }
0x69: {  	_ =	shalt  }
0x6a: {  	_ =	shalt  }
0x6b: {  	_ =	shalt  }
0x6c: {  	_ =	shalt  }
0x6d: {  	_ =	shalt  }
0x6e: {  	_ =	shalt  }
0x6f: {  	_ =	shalt  }
0x70: {  	_ =	shalt  }
0x71: {  	_ =	shalt  }
0x72: {  	_ =	shalt  }
0x73: {  	_ =	shalt  }
0x74: {  	_ =	shalt  }
0x75: {  	_ =	shalt  }
0x76: {  	_ =	shalt  }
0x77: {  	_ =	shalt  }
0x78: {  	_ =	shalt  }
0x79: {  	_ =	shalt  }
0x7a: {  	_ =	shalt  }
0x7b: {  	_ =	shalt  }
0x7c: {  	_ =	shalt  }
0x7d: {  	_ =	shalt  }
0x7e: {  	_ =	shalt  }
0x7f: {  	_ =	shalt  }
0x80: {  	_ =	shalt  }
0x81: {  	_ =	shalt  }
0x82: {  	_ =	shalt  }
0x83: {  	_ =	shalt  }
0x84: {  	_ =	shalt  }
0x85: {  	_ =	shalt  }
0x86: {  	_ =	shalt  }
0x87: {  	_ =	shalt  }
.Lfunc_end0:
.L_simem_size_0:
called_computation.2_lowered:
.L_overlay_start_0:
0x88: {  	s2 =	sld [smem:$0x3FD9]  }
0x89: {  	s3 =	sld [smem:$0x3FFE];
	_ =	sdelay $0x1  }
0x8a: {  	s1 =	srdreg.scid  }
0x8b: {  	s0 =	sand.u32 $0x1, s1  }
0x8c: {  	s17 =	sshll.u32 s0, $0xA;
	s2 =	sadd.s32 s3, s2  }
0x8d: {  	s2 =	sadd.s32 s2, s17  }
0x8e: {  	[smem:$0x3FB9] =	sst s2  }
0x8f: {  	_ = 	snop  }
0x90: {  	(tm) =	ssettm $0x1  }
0x91: {  	s18 =	sld [smem:$0x3FFB];
	_ =	sdelay $0x3  }
0x92: {  	_ =	strace s18  }
0x93: {  	s2 =	sld [smem:$0x3FFC];
	_ =	sdelay $0x3  }
0x94: {  	_ =	strace s2  }
0x95: {  	s2 =	sld [smem:$0x3FFD];
	_ =	sdelay $0x3  }
0x96: {  	_ =	strace s2  }
0x97: {  	_ =	strace $0x8FFFFFFF  }
0x98: {  	s19 =	sld [smem:$0x3FDB];
	_ =	sdelay $0x1  }
0x99: {  	s20 =	simm.s32 $_scs_section_size  }
0x9a: {  	s4 =	simm.s32 $_size__tile_overlayer_lowered;
	s5 =	simm.s32 $_tile_overlayer_lowered  }
0x9b: {  	s6 =	simm.s32 $0x1BFF;
	s21 =	sshll.u32 s5, $0x1;
	s3 =	sadd.s32 s20, s19  }
0x9c: {  	s22 =	simm.s32 $0x0;
	s4 =	sshll.u32 s4, $0x1;
	s5 =	sadd.s32 s21, s3  }
0x9d: {  	[timem:s22], [sflag:s6] =	dma.local [hbm:s5], s4  }
0x9e: {  	_ =	swait.ge [sflag:s6], s4  }
0x9f: {  	s4 =	ssub.s32 $0x0, s4;
	[sflag:s6] =	ssyncset.done $0x0  }
0xa0: {  	[sflag:s6] =	ssyncadd.s32 s4;
	_ =	sdelay $0x1  }
0xa1: {  	s23 =	simm.s32 $0x1B8B  }
0xa2: {  	_ =	swait.ge [sflag:s23], $0x1  }
0xa3: {  	[sflag:s23] =	ssyncset.done $0x0  }
0xa4: {  	[sflag:s23] =	ssyncadd.s32 $0xFFFFFFFF  }
0xa5: {  	s4 =	sld [smem:$0x0]  }
0xa6: {  	s5 =	sand.u32 $0xFFFFFFFE, s1  }
0xa7: {  	p0 =	sne.s32 s1, s5  }
0xa8: {  	s5 =	sshll.u32 @p0 s5, $0xE  }
0xa9: {  	s5 =	sadd.s32 @p0 $0x11B8D, s5;
	s6 =	sshll.u32 @p0 s4, $0x11  }
0xaa: {  	s5 =	sor.u32 @p0 s6, s5  }
0xab: {  	[sflag:s5] =	ssyncadd.remote.s32 @p0 $0x1;
	_ =	sdelay $0x1  }
0xac: {  	s5 =	simm.s32 @p0 $0x1B8D  }
0xad: {  	_ =	swait.eq @p0 [sflag:s5], $0x1  }
0xae: {  	[sflag:s5] =	ssyncadd.s32 @p0 $0xFFFFFFFF  }
0xaf: {  	s6 =	sshll.u32 @!p0 s1, $0xE  }
0xb0: {  	s6 =	sor.u32 @!p0 $0x4000, s6;
	s5 =	simm.s32 @!p0 $0x1B8D  }
0xb1: {  	s4 =	sshll.u32 @!p0 s4, $0x11;
	s6 =	sadd.s32 @!p0 $0x11B8D, s6;
	_ =	swait.eq @!p0 [sflag:s5], $0x1  }
0xb2: {  	s4 =	sor.u32 @!p0 s4, s6;
	[sflag:s5] =	ssyncadd.s32 @!p0 $0xFFFFFFFF  }
0xb3: {  	s25 =	simm.s32 $0x1B8E;
	s24 =	sld [smem:$0x3FFE];
	[sflag:s4] =	ssyncadd.remote.s32 @!p0 $0x1  }
0xb4: {  	s26 =	simm.s32 $execute0_lowered;
	[smem:$0x3FD2] =	sst s25  }
0xb5: {  	s5 =	sshll.u32 s26, $0x1;
	_ =	strace $0x80000052;
	[dreg:$0x1] =	wrdreg $0xFFFFFFFF  }
0xb6: {  	s28 =	simm.s32 $_size_execute0_lowered;
	s3 =	sadd.s32 s3, s5;
	[dreg:$0x0] =	wrdreg $0x0  }
0xb7: {  	s5 =	sshll.u32 s28, $0x1;
	[dreg:$0x2] =	wrdreg s3  }
0xb8: {  	[dreg:$0x3] =	wrdreg s5  }
0xb9: {  	[dreg:$0x4] =	wrdreg $0xC0  }
0xba: {  	_ =	task [dreg:s22], $0x5FFFF  }
0xbb: {  	[dreg:$0x1] =	wrdreg $0xFFFFFFFF  }
0xbc: {  	[dreg:$0x0] =	wrdreg $0x60  }
0xbd: {  	[dreg:$0x2] =	wrdreg s24  }
0xbe: {  	[dreg:$0x3] =	wrdreg $0xB  }
0xbf: {  	_ =	task.clear_ibuf [dreg:s22], $0x4FFFF;
	_ =	strace $0x90000052  }
0xc0: {  	s29 =	simm.s32 $0xB;
	_ =	strace $0x80000054  }
0xc1: {  	_ =	swait.ge [sflag:s29], $0x1  }
0xc2: {  	[sflag:s29] =	ssyncadd.s32 $0xFFFFFFFF  }
0xc3: {  	_ =	strace $0x90000054  }
0xc4: {  	_ =	sfence  }
0xc5: {  	s30 =	sld [smem:$0x0];
	_ =	sdelay $0x2  }
0xc6: {  	s31 =	sshll.u32 s1, $0xD;
	s1 =	sshrl.u32 s1, $0x2  }
0xc7: {  	s4 =	sand.u32 $0x4000, s31;
	s1 =	sadd.s32 s1, s30  }
0xc8: {  	s0 =	sor.u32 s4, s0;
	s1 =	sshll.u32 s1, $0x11  }
0xc9: {  	s0 =	sor.u32 s1, s0  }
0xca: {  	s0 =	sadd.s32 $0x8F2B, s0  }
0xcb: {  	[sflag:s0] =	ssyncadd.remote.s32 $0x1  }
0xcc: {  	_ =	sfence.sel $0xFFFF  }
0xcd: {  	[dreg:$0x0] =	wrdreg $0xFFFFFFFF;
	(pc) =	sbr.abs _section_cstart, $3  }
0xce: {  	[dreg:$0x1] =	wrdreg $0xFFFFFFFF  }
0xcf: {  	_ =	task.clear_ibuf [dreg:s22], $0x2FFFF;
	_ =	strace $0x9FFFFFFF  }
0xd0: {  	(tm) =	ssettm $0x7FFFFFFF  }
0xd1: {  	_ =	shalt  }
tec
execute0_lowered:
.L_overlay_start_1:
0x0: {  	(tag) =	ssettag $0x1  }
0x1: {  	s0 =	srdreg.scid;
	s1 =	stileid.u32  }
0x2: {  	s5 =	rddreg [dreg:$0x0];
	s17 =	simm.s32 $0xA00;
	s4 =	simm.s32 $0xE00  }
0x3: {  	s18 =	simm.s32 $0x1600;
	s19 =	simm.s32 $0x1A00;
	s20 =	simm.s32 $0x2200  }
0x4: {  	s21 =	simm.s32 $0x2600;
	s22 =	simm.s32 $0x2E00;
	s0 =	sand.u32 $0x1, s0  }
0x5: {  	s23 =	simm.s32 $0x3200;
	s1 =	sshll.u32 s1, $0xA;
	s2 =	sshll.u32 s0, $0x9  }
0x6: {  	s24 =	simm.s32 $0x3A00;
	s1 =	sor.u32 s2, s1;
	s2 =	simm.s32 $0x0  }
0x7: {  	s25 =	simm.s32 $0x3E00;
	s7 =	simm.s32 $0x2;
	[smem:$0x7FF] =	sst s2  }
0x8: {  	s26 =	simm.s32 $0x4600;
	_ =	strace $0x80000053;
	[dreg:$0x3] =	wrdreg s17  }
0x9: {  	s8 =	simm.s32 $0x200;
	s9 =	simm.s32 $0x4A00;
	[dreg:$0x4] =	wrdreg s4  }
0xa: {  	s10 =	simm.s32 $0x5200;
	s11 =	simm.s32 $0x5600;
	[dreg:$0x5] =	wrdreg s18  }
0xb: {  	s12 =	simm.s32 $0x5E00;
	s13 =	simm.s32 $0x6200;
	[dreg:$0x6] =	wrdreg s19  }
0xc: {  	s14 =	simm.s32 $0x6A00;
	s15 =	simm.s32 $0x6E00;
	[dreg:$0x7] =	wrdreg s20  }
0xd: {  	s16 =	simm.s32 $0x7600;
	s28 =	simm.s32 $0xB600;
	[dreg:$0x8] =	wrdreg s21  }
0xe: {  	s29 =	simm.s32 $0xBE00;
	s30 =	simm.s32 $0x1;
	[dreg:$0x9] =	wrdreg s22  }
0xf: {  	s31 =	simm.s32 $0x0;
	s0 =	ssub.s32 $0x2, s0;
	[dreg:$0xa] =	wrdreg s23  }
0x10: {  	s6 =	sshrl.u32 s0, $0x1;
	s1 =	sshrl.u32 s1, $0x3;
	[dreg:$0xb] =	wrdreg s24  }
0x11: {  	s0 =	ssub.s32 s0, s6;
	s3 =	smul.u32 $0x180, s1;
	[dreg:$0xc] =	wrdreg s25  }
0x12: {  	s1 =	sadd.s32 s1, s5;
	s0 =	smax.u32 s0, $0x1;
	[dreg:$0xd] =	wrdreg s26  }
0x13: {  	s17 =	simm.s32 $0x7A00;
	s18 =	simm.s32 $0x8200;
	s19 =	simm.s32 $0x8600  }
0x14: {  	s20 =	simm.s32 $0x8E00;
	s21 =	simm.s32 $0x9200;
	s22 =	simm.s32 $0x9A00  }
0x15: {  	s23 =	simm.s32 $0x9E00;
	s24 =	simm.s32 $0xA600;
	s25 =	simm.s32 $0xAA00  }
0x16: {  	v2 =	vlaneseq.u32;
	s1 =	sadd.s32 $0xB600, s1;
	[dreg:$0xf] =	wrdreg s0;
	s3 =	sadd.s32 s3, s5  }
0x17: {  	vm0 =	vmmov $0xffff;
	vm1 =	vmmov $0xff;
	v1 =	vshrl.u32 v2, $0x3;
	s26 =	simm.s32 $0xB200;
	[dreg:$0xe] =	wrdreg s1;
	s3 =	sadd.s32 $0x38CE00, s3  }
0x18: {  	v0 =	vand.u32 $0x7, v2;
	v2 =	vor.u32 $0x8, v2;
	v1 =	vmul.u32 $0x8, v1;
	[dreg:$0x2] =	wrdreg s3;
	s3 =	sadd.s32 $0x2CE00, s5;
	s5 =	sadd.s32 $0x2CF00, s5  }
.LBB2_1:
0x19: {  	s0 =	rddreg [dreg:$0xe]  }
0x1a: {  	[tilespmem:s2], [sflag:$0x2] =	stream.linear.gather [hbm4b:s0+s2], $0x200, $0x38;
	[tilespmem:$0xC200] =	vst v63  }
0x1b: {  	_ =	swait.ge [sflag:s7], $0x200  }
0x1c: {  	[sflag:s7] =	ssyncset.done $0x0  }
0x1d: {  	s1 =	simm.s32 $0x40;
	s0 =	simm.s32 $0x0;
	[sflag:s7] =	ssyncadd.s32 $0xFFFFFE00  }
.LBB2_2:
0x1e: {  	v3 =	vld [tilespmem:s1+$0xFFFFFFC0];
	_ =	sdelay $0x4  }
0x1f: {  	v4 =	vshrl.u32 v3, $0x3  }
0x20: {  	v4 =	vmul.u32 $0x18, v4  }
0x21: {  	v3 =	vand.u32 $0x7, v3  }
0x22: {  	v3 =	vor.u32 v3, v4  }
0x23: {  	v4 =	vperm.xlane v3, v0;
	_ =	sdelay $0x1  }
0x24: {  	v4 =	vadd.s32 v1, v4;
	_ =	sdelay $0x1  }
0x25: {  	v3 =	vperm.xlane v3, v2;
	_ =	sdelay $0x1  }
0x26: {  	v3 =	vadd.s32 v1, v3  }
0x27: {  	[tilespmem:s8], [sflag:$0x1] =	stream.indirect_vreg.gather [hbm4b:s3+s2], $0x80, v4, vm0, $0xb8;
	[tilespmem:$0xC200] =	vst v63  }
0x28: {  	s4 =	rddreg [dreg:$0x3]  }
0x29: {  	[tilespmem:s4], [sflag:$0x1] =	stream.indirect_vreg.gather [hbm4b:s5+s2], $0x80, v4, vm1, $0xb8;
	[tilespmem:$0xC200] =	vst v63  }
0x2a: {  	s6 =	rddreg [dreg:$0x4]  }
0x2b: {  	[tilespmem:s6], [sflag:$0x1] =	stream.indirect_vreg.gather [hbm4b:s3+s2], $0x80, v3, vm0, $0xb8;
	[tilespmem:$0xC200] =	vst v63  }
0x2c: {  	s4 =	rddreg [dreg:$0x5]  }
0x2d: {  	[tilespmem:s4], [sflag:$0x1] =	stream.indirect_vreg.gather [hbm4b:s5+s2], $0x80, v3, vm1, $0xb8;
	[tilespmem:$0xC200] =	vst v63  }
0x2e: {  	v3 =	vld [tilespmem:s1+$0xFFFFFFD0];
	_ =	sdelay $0x4  }
0x2f: {  	v57 =	vshrl.u32 v3, $0x3  }
0x30: {  	v4 =	vmul.u32 $0x18, v57  }
0x31: {  	v3 =	vand.u32 $0x7, v3  }
0x32: {  	v3 =	vor.u32 v3, v4  }
0x33: {  	v4 =	vperm.xlane v3, v0;
	_ =	sdelay $0x1  }
0x34: {  	v4 =	vadd.s32 v1, v4;
	_ =	sdelay $0x1  }
0x35: {  	v3 =	vperm.xlane v3, v2;
	_ =	sdelay $0x1  }
0x36: {  	s4 =	rddreg [dreg:$0x6];
	v3 =	vadd.s32 v1, v3  }
0x37: {  	[tilespmem:s4], [sflag:$0x1] =	stream.indirect_vreg.gather [hbm4b:s3+s2], $0x80, v4, vm0, $0xb8;
	[tilespmem:$0xC200] =	vst v63  }
0x38: {  	s6 =	rddreg [dreg:$0x7]  }
0x39: {  	[tilespmem:s6], [sflag:$0x1] =	stream.indirect_vreg.gather [hbm4b:s5+s2], $0x80, v4, vm1, $0xb8;
	[tilespmem:$0xC200] =	vst v63  }
0x3a: {  	s4 =	rddreg [dreg:$0x8]  }
0x3b: {  	[tilespmem:s4], [sflag:$0x1] =	stream.indirect_vreg.gather [hbm4b:s3+s2], $0x80, v3, vm0, $0xb8;
	[tilespmem:$0xC200] =	vst v63  }
0x3c: {  	s6 =	rddreg [dreg:$0x9]  }
0x3d: {  	[tilespmem:s6], [sflag:$0x1] =	stream.indirect_vreg.gather [hbm4b:s5+s2], $0x80, v3, vm1, $0xb8;
	[tilespmem:$0xC200] =	vst v63  }
0x3e: {  	v3 =	vld [tilespmem:s1+$0xFFFFFFE0];
	_ =	sdelay $0x4  }
0x3f: {  	v58 =	vshrl.u32 v3, $0x3  }
0x40: {  	v4 =	vmul.u32 $0x18, v58  }
0x41: {  	v3 =	vand.u32 $0x7, v3  }
0x42: {  	v3 =	vor.u32 v3, v4  }
0x43: {  	v4 =	vperm.xlane v3, v0;
	_ =	sdelay $0x1  }
0x44: {  	v4 =	vadd.s32 v1, v4;
	_ =	sdelay $0x1  }
0x45: {  	v3 =	vperm.xlane v3, v2;
	_ =	sdelay $0x1  }
0x46: {  	s4 =	rddreg [dreg:$0xa];
	v3 =	vadd.s32 v1, v3  }
0x47: {  	[tilespmem:s4], [sflag:$0x1] =	stream.indirect_vreg.gather [hbm4b:s3+s2], $0x80, v4, vm0, $0xb8;
	[tilespmem:$0xC200] =	vst v63  }
0x48: {  	s6 =	rddreg [dreg:$0xb]  }
0x49: {  	[tilespmem:s6], [sflag:$0x1] =	stream.indirect_vreg.gather [hbm4b:s5+s2], $0x80, v4, vm1, $0xb8;
	[tilespmem:$0xC200] =	vst v63  }
0x4a: {  	s4 =	rddreg [dreg:$0xc]  }
0x4b: {  	[tilespmem:s4], [sflag:$0x1] =	stream.indirect_vreg.gather [hbm4b:s3+s2], $0x80, v3, vm0, $0xb8;
	[tilespmem:$0xC200] =	vst v63  }
0x4c: {  	s6 =	rddreg [dreg:$0xd]  }
0x4d: {  	[tilespmem:s6], [sflag:$0x1] =	stream.indirect_vreg.gather [hbm4b:s5+s2], $0x80, v3, vm1, $0xb8;
	[tilespmem:$0xC200] =	vst v63  }
0x4e: {  	v3 =	vld [tilespmem:s1+$0xFFFFFFF0];
	_ =	sdelay $0x4  }
0x4f: {  	v59 =	vshrl.u32 v3, $0x3  }
0x50: {  	v4 =	vmul.u32 $0x18, v59  }
0x51: {  	v3 =	vand.u32 $0x7, v3  }
0x52: {  	v3 =	vor.u32 v3, v4  }
0x53: {  	v4 =	vperm.xlane v3, v0;
	_ =	sdelay $0x1  }
0x54: {  	v4 =	vadd.s32 v1, v4;
	_ =	sdelay $0x1  }
0x55: {  	v3 =	vperm.xlane v3, v2;
	_ =	sdelay $0x1  }
0x56: {  	v3 =	vadd.s32 v1, v3  }
0x57: {  	[tilespmem:s9], [sflag:$0x1] =	stream.indirect_vreg.gather [hbm4b:s3+s2], $0x80, v4, vm0, $0xb8;
	[tilespmem:$0xC200] =	vst v63  }
0x58: {  	_ = 	snop  }
0x59: {  	[tilespmem:s10], [sflag:$0x1] =	stream.indirect_vreg.gather [hbm4b:s5+s2], $0x80, v4, vm1, $0xb8;
	[tilespmem:$0xC200] =	vst v63  }
0x5a: {  	_ = 	snop  }
0x5b: {  	[tilespmem:s11], [sflag:$0x1] =	stream.indirect_vreg.gather [hbm4b:s3+s2], $0x80, v3, vm0, $0xb8;
	[tilespmem:$0xC200] =	vst v63  }
0x5c: {  	_ = 	snop  }
0x5d: {  	[tilespmem:s12], [sflag:$0x1] =	stream.indirect_vreg.gather [hbm4b:s5+s2], $0x80, v3, vm1, $0xb8;
	[tilespmem:$0xC200] =	vst v63  }
0x5e: {  	v3 =	vld [tilespmem:s1+$0x0];
	_ =	sdelay $0x4  }
0x5f: {  	v60 =	vshrl.u32 v3, $0x3  }
0x60: {  	v4 =	vmul.u32 $0x18, v60  }
0x61: {  	v3 =	vand.u32 $0x7, v3  }
0x62: {  	v3 =	vor.u32 v3, v4  }
0x63: {  	v4 =	vperm.xlane v3, v0;
	_ =	sdelay $0x1  }
0x64: {  	v4 =	vadd.s32 v1, v4;
	_ =	sdelay $0x1  }
0x65: {  	v3 =	vperm.xlane v3, v2;
	_ =	sdelay $0x1  }
0x66: {  	v3 =	vadd.s32 v1, v3  }
0x67: {  	[tilespmem:s13], [sflag:$0x1] =	stream.indirect_vreg.gather [hbm4b:s3+s2], $0x80, v4, vm0, $0xb8;
	[tilespmem:$0xC200] =	vst v63  }
0x68: {  	_ = 	snop  }
0x69: {  	[tilespmem:s14], [sflag:$0x1] =	stream.indirect_vreg.gather [hbm4b:s5+s2], $0x80, v4, vm1, $0xb8;
	[tilespmem:$0xC200] =	vst v63  }
0x6a: {  	_ = 	snop  }
0x6b: {  	[tilespmem:s15], [sflag:$0x1] =	stream.indirect_vreg.gather [hbm4b:s3+s2], $0x80, v3, vm0, $0xb8;
	[tilespmem:$0xC200] =	vst v63  }
0x6c: {  	_ = 	snop  }
0x6d: {  	[tilespmem:s16], [sflag:$0x1] =	stream.indirect_vreg.gather [hbm4b:s5+s2], $0x80, v3, vm1, $0xb8;
	[tilespmem:$0xC200] =	vst v63  }
0x6e: {  	v3 =	vld [tilespmem:s1+$0x10];
	_ =	sdelay $0x4  }
0x6f: {  	v61 =	vshrl.u32 v3, $0x3  }
0x70: {  	v4 =	vmul.u32 $0x18, v61  }
0x71: {  	v3 =	vand.u32 $0x7, v3  }
0x72: {  	v3 =	vor.u32 v3, v4  }
0x73: {  	v4 =	vperm.xlane v3, v0;
	_ =	sdelay $0x1  }
0x74: {  	v4 =	vadd.s32 v1, v4;
	_ =	sdelay $0x1  }
0x75: {  	v3 =	vperm.xlane v3, v2;
	_ =	sdelay $0x1  }
0x76: {  	v3 =	vadd.s32 v1, v3  }
0x77: {  	[tilespmem:s17], [sflag:$0x1] =	stream.indirect_vreg.gather [hbm4b:s3+s2], $0x80, v4, vm0, $0xb8;
	[tilespmem:$0xC200] =	vst v63  }
0x78: {  	_ = 	snop  }
0x79: {  	[tilespmem:s18], [sflag:$0x1] =	stream.indirect_vreg.gather [hbm4b:s5+s2], $0x80, v4, vm1, $0xb8;
	[tilespmem:$0xC200] =	vst v63  }
0x7a: {  	_ = 	snop  }
0x7b: {  	[tilespmem:s19], [sflag:$0x1] =	stream.indirect_vreg.gather [hbm4b:s3+s2], $0x80, v3, vm0, $0xb8;
	[tilespmem:$0xC200] =	vst v63  }
0x7c: {  	_ = 	snop  }
0x7d: {  	[tilespmem:s20], [sflag:$0x1] =	stream.indirect_vreg.gather [hbm4b:s5+s2], $0x80, v3, vm1, $0xb8;
	[tilespmem:$0xC200] =	vst v63  }
0x7e: {  	v3 =	vld [tilespmem:s1+$0x20];
	_ =	sdelay $0x4  }
0x7f: {  	v62 =	vshrl.u32 v3, $0x3  }
0x80: {  	v4 =	vmul.u32 $0x18, v62  }
0x81: {  	v3 =	vand.u32 $0x7, v3  }
0x82: {  	v3 =	vor.u32 v3, v4  }
0x83: {  	v4 =	vperm.xlane v3, v0;
	_ =	sdelay $0x1  }
0x84: {  	v4 =	vadd.s32 v1, v4;
	_ =	sdelay $0x1  }
0x85: {  	v3 =	vperm.xlane v3, v2;
	_ =	sdelay $0x1  }
0x86: {  	v3 =	vadd.s32 v1, v3  }
0x87: {  	[tilespmem:s21], [sflag:$0x1] =	stream.indirect_vreg.gather [hbm4b:s3+s2], $0x80, v4, vm0, $0xb8;
	[tilespmem:$0xC200] =	vst v63  }
0x88: {  	_ = 	snop  }
0x89: {  	[tilespmem:s22], [sflag:$0x1] =	stream.indirect_vreg.gather [hbm4b:s5+s2], $0x80, v4, vm1, $0xb8;
	[tilespmem:$0xC200] =	vst v63  }
0x8a: {  	_ = 	snop  }
0x8b: {  	[tilespmem:s23], [sflag:$0x1] =	stream.indirect_vreg.gather [hbm4b:s3+s2], $0x80, v3, vm0, $0xb8;
	[tilespmem:$0xC200] =	vst v63  }
0x8c: {  	_ = 	snop  }
0x8d: {  	[tilespmem:s24], [sflag:$0x1] =	stream.indirect_vreg.gather [hbm4b:s5+s2], $0x80, v3, vm1, $0xb8;
	[tilespmem:$0xC200] =	vst v63  }
0x8e: {  	v3 =	vld [tilespmem:s1+$0x30];
	_ =	sdelay $0x4  }
0x8f: {  	v63 =	vshrl.u32 v3, $0x3  }
0x90: {  	v4 =	vmul.u32 $0x18, v63  }
0x91: {  	v3 =	vand.u32 $0x7, v3  }
0x92: {  	v3 =	vor.u32 v3, v4  }
0x93: {  	v4 =	vperm.xlane v3, v0;
	_ =	sdelay $0x1  }
0x94: {  	v4 =	vadd.s32 v1, v4;
	_ =	sdelay $0x1  }
0x95: {  	v3 =	vperm.xlane v3, v2;
	_ =	sdelay $0x1  }
0x96: {  	v3 =	vadd.s32 v1, v3  }
0x97: {  	[tilespmem:s25], [sflag:$0x1] =	stream.indirect_vreg.gather [hbm4b:s3+s2], $0x80, v4, vm0, $0xb8;
	[tilespmem:$0xC200] =	vst v63  }
0x98: {  	_ = 	snop  }
0x99: {  	[tilespmem:s26], [sflag:$0x1] =	stream.indirect_vreg.gather [hbm4b:s5+s2], $0x80, v4, vm1, $0xb8;
	[tilespmem:$0xC200] =	vst v63  }
0x9a: {  	_ = 	snop  }
0x9b: {  	[tilespmem:s28], [sflag:$0x1] =	stream.indirect_vreg.gather [hbm4b:s3+s2], $0x80, v3, vm0, $0xb8;
	[tilespmem:$0xC200] =	vst v63  }
0x9c: {  	_ = 	snop  }
0x9d: {  	[tilespmem:s29], [sflag:$0x1] =	stream.indirect_vreg.gather [hbm4b:s5+s2], $0x80, v3, vm1, $0xb8;
	[tilespmem:$0xC200] =	vst v63  }
0x9e: {  	_ =	swait.ge [sflag:s30], $0xC000  }
0x9f: {  	p0 =	sne.s32 s0, $0x4800;
	s6 =	rddreg [dreg:$0x2];
	[sflag:s30] =	ssyncset.done $0x0  }
.Ltmp0:
0xa0: {  	[sflag:s30] =	ssyncadd.s32 $0xFFFF4000;
	s4 =	sadd.s32 s0, s6;
	(pc) =	sbr.rel @p0 .LBB2_2-.Ltmp0, $4  }
0xa1: {  	[hbm4b:s4+s2] =	stream.linear.scatter [tilespmem:s8], [sflag:$0x2], $0xC000, $0x38;
	[tilespmem:$0xC200] =	vst v63  }
0xa2: {  	_ =	swait.ge [sflag:s7], $0xC000  }
0xa3: {  	[sflag:s7] =	ssyncset.done $0x0  }
0xa4: {  	s1 =	sadd.s32 $0x80, s1;
	s0 =	sadd.s32 $0x1800, s0;
	[sflag:s7] =	ssyncadd.s32 $0xFFFF4000  }
0xa5: {  	s31 =	sadd.s32 $0x1, s31;
	s0 =	rddreg [dreg:$0xf]  }
0xa6: {  	p0 =	sne.s32 s31, s0  }
.Ltmp1:
0xa7: {  	_ = 	snop;
	(pc) =	sbr.rel @p0 .LBB2_1-.Ltmp1, $1  }
0xa8: {  	_ =	sdelay $0x3  }
0xa9: {  	_ =	sfence.sel $0x180000  }
0xaa: {  	[bflag:$0x0] =	sbarrier.arrive $0xFFFF  }
0xab: {  	_ =	strace $0x90000053  }
0xac: {  	s0 =	stileid.u32;
	[bflag:$0x2] =	sbarrier.arrive $0xFFFF  }
0xad: {  	p0 =	sne.s32 s0, $0x0;
	s0 =	rddreg [dreg:$0x1]  }
0xae: {  	s0 =	sadd.s32 @!p0 $0x100000, s0  }
0xaf: {  	[sflag:s0] =	ssyncadd.tile.s32 @!p0 $0x1;
	_ =	shalt  }
.Lfunc_end2:
_tile_overlayer_lowered:
.L_overlay_start_2:
0xb0: {  	(tag) =	ssettag $0x2  }
0xb1: {  	s0 =	rddreg [dreg:$0x0];
	s2 =	stileid.u32  }
0xb2: {  	s1 =	rddreg [dreg:$0x1];
	p0 =	sne.s32 s2, $0x0  }
0xb3: {  	s3 =	rddreg [dreg:$0x2];
	[bflag:$0x3] =	sbarrier.arrive $0xFFFF;
	s2 =	simm.s32 @!p0 $0x1C02  }
0xb4: {  	[timem:s3], [sflag:s2] =	dma.local @!p0 [hbm:s0], s1  }
0xb5: {  	s0 =	simm.s32 @!p0 $0x2  }
0xb6: {  	_ =	swait.ge @!p0 [sflag:s0], s1  }
0xb7: {  	s1 =	ssub.s32 @!p0 $0x0, s1;
	[sflag:s0] =	ssyncset.done @!p0 $0x0  }
0xb8: {  	[sflag:s0] =	ssyncadd.s32 @!p0 s1  }
0xb9: {  	[bflag:$0x3] =	sbarrier.arrive $0xFFFF  }
0xba: {  	_ =	shalt  }

// kernel: kernel.28.cloned.1.call-start
scs
__scs_entry_jumppad:
0x0: {  	(pc) =	sbr.rel $0x88, $3  }
0x1: {  	(tag) =	ssettag $0x0;
	lr =	simm.s32 $0x1  }
0x2: {  	[smem:$0x3F92] =	sst lr;
	_ =	strace $0xD0000000  }
0x3: {  	_ = 	snop  }
0x4: {  	_ = 	snop  }
0x5: {  	_ = 	snop  }
0x6: {  	_ = 	snop  }
0x7: {  	_ = 	snop  }
__scs_overlays_trampoline_lowered:
0x8: {  	[smem:$0x3FA1] =	sst s0  }
0x9: {  	[smem:$0x3FA2] =	sst s1  }
0xa: {  	[smem:$0x3FA3] =	sst s2  }
0xb: {  	[smem:$0x3FA4] =	sst s3  }
0xc: {  	[smem:$0x3FA5] =	sst s4  }
0xd: {  	[smem:$0x3FA6] =	sst s5  }
0xe: {  	[smem:$0x3FA7] =	sst s6  }
0xf: {  	[smem:$0x3FA8] =	sst s7  }
0x10: {  	[smem:$0x3FA9] =	sst s8  }
0x11: {  	[smem:$0x3FAA] =	sst s9;
	s0 =	simm.s32 @!p0 $0x0  }
0x12: {  	s1 =	sld [smem:$0x3F90];
	s0 =	simm.s32 @p0 $0x1  }
0x13: {  	[smem:$0x3FAB] =	sst s0;
	s0 =	simm.s32 @!p1 $0x0  }
0x14: {  	s2 =	sld [smem:$0x3F8F];
	s0 =	simm.s32 @p1 $0x1  }
0x15: {  	[smem:$0x3FAC] =	sst s0;
	s0 =	simm.s32 @!p2 $0x0  }
0x16: {  	s3 =	sld [smem:$0x3FDB];
	s0 =	simm.s32 @p2 $0x1  }
0x17: {  	s4 =	simm.s32 $0x1BF5;
	[smem:$0x3FAE] =	sst s0  }
0x18: {  	s0 =	sld [smem:$0x3F91];
	_ =	swait.ge [sflag:s4], $0x0  }
0x19: {  	s7 =	sld [smem:$0x3F92]  }
0x1a: {  	s8 =	sadd.s32 $0xFFFFE003, lr  }
0x1b: {  	s9 =	sadd.s32 $0xFFFFFEF7, lr;
	s5 =	simm.s32 $0xFFFFFFFF;
	p2 =	slt.u32 s8, $0xFFFFF086  }
0x1c: {  	p1 =	slt.u32 s9, $0xF7A;
	s5 =	simm.s32 @!p2 $0x0  }
0x1d: {  	s5 =	simm.s32 @p1 $0x1;
	p0 =	seq.s32 s7, s2  }
0x1e: {  	s7 =	smul.u32 @!p0 $0xF7A, s2;
	p2 =	seq.s32 @!p0 s5, $0x0  }
0x1f: {  	s9 =	smul.u32 $0xF7A, s1;
	s8 =	simm.s32 @!p0 $0x1BF5;
	p2 =	por !p2, p0  }
0x20: {  	[sflag:s8] =	ssyncset.s32 @!p0 $0xFFFFF086;
	s6 =	sadd.s32 @!p0 s3, s7;
	s7 =	simm.s32 @!p0 $0x108  }
0x21: {  	s3 =	sadd.s32 s3, s9;
	s6 =	sadd.s32 @!p0 $0x88, s6;
	s7 =	simm.s32 @p2 $0x1082  }
0x22: {  	[simem:s7], [sflag:s8] =	dma.local @!p0 [hbm:s6], $0xF7A  }
0x23: {  	s9 =	sor.u32 $0xD0000000, s2;
	s6 =	simm.s32 $0x108;
	_ =	swait.ge @!p0 [sflag:s8], $0x0  }
0x24: {  	s3 =	sadd.s32 $0x88, s3;
	s6 =	simm.s32 @!p1 $0x1082;
	[sflag:s4] =	ssyncset.s32 $0xFFFFF086  }
0x25: {  	[simem:s6], [sflag:s4] =	dma.local [hbm:s3], $0xF7A  }
0x26: {  	[smem:$0x3F92] =	sst s1;
	(tag) =	ssettag s2;
	_ =	strace s9  }
0x27: {  	s1 =	sld [smem:$0x3FA2]  }
0x28: {  	s2 =	sld [smem:$0x3FA3]  }
0x29: {  	s4 =	sld [smem:$0x3FA5]  }
0x2a: {  	p0 =	seq.s32 s5, $0x0;
	s5 =	sld [smem:$0x3FA6]  }
0x2b: {  	s6 =	sld [smem:$0x3FA7]  }
0x2c: {  	s7 =	sld [smem:$0x3FA8]  }
0x2d: {  	s3 =	simm.s32 $0x108;
	s8 =	sld [smem:$0x3FA9]  }
0x2e: {  	s3 =	simm.s32 @!p0 $0x1082;
	s9 =	sld [smem:$0x3FAA]  }
0x2f: {  	lr =	sadd.s32 s0, s3;
	s0 =	sld [smem:$0x3FA1]  }
0x30: {  	s3 =	sld [smem:$0x3FA4]  }
0x31: {  	[smem:$0x3FAD] =	sst s10  }
0x32: {  	s10 =	sld [smem:$0x3FAB];
	_ =	sdelay $0x3  }
0x33: {  	p0 =	seq.s32 s10, $0x1;
	s10 =	sld [smem:$0x3FAD];
	_ =	sdelay $0x3  }
0x34: {  	[smem:$0x3FAD] =	sst s10  }
0x35: {  	s10 =	sld [smem:$0x3FAC];
	_ =	sdelay $0x3  }
0x36: {  	p1 =	seq.s32 s10, $0x1;
	s10 =	sld [smem:$0x3FAD];
	_ =	sdelay $0x3  }
0x37: {  	[smem:$0x3FAD] =	sst s10  }
0x38: {  	s10 =	sld [smem:$0x3FAE]  }
0x39: {  	_ = 	snop;
	(pc) =	sbr.ind lr, $3  }
0x3a: {  	_ = 	snop  }
0x3b: {  	_ = 	snop  }
0x3c: {  	p2 =	seq.s32 s10, $0x1;
	s10 =	sld [smem:$0x3FAD]  }
0x3d: {  	_ =	shalt  }
0x3e: {  	_ =	shalt  }
0x3f: {  	_ =	shalt  }
0x40: {  	_ =	shalt  }
0x41: {  	_ =	shalt  }
0x42: {  	_ =	shalt  }
0x43: {  	_ =	shalt  }
0x44: {  	_ =	shalt  }
0x45: {  	_ =	shalt  }
0x46: {  	_ =	shalt  }
0x47: {  	_ =	shalt  }
0x48: {  	_ =	shalt  }
0x49: {  	_ =	shalt  }
0x4a: {  	_ =	shalt  }
0x4b: {  	_ =	shalt  }
0x4c: {  	_ =	shalt  }
0x4d: {  	_ =	shalt  }
0x4e: {  	_ =	shalt  }
0x4f: {  	_ =	shalt  }
0x50: {  	_ =	shalt  }
0x51: {  	_ =	shalt  }
0x52: {  	_ =	shalt  }
0x53: {  	_ =	shalt  }
0x54: {  	_ =	shalt  }
0x55: {  	_ =	shalt  }
0x56: {  	_ =	shalt  }
0x57: {  	_ =	shalt  }
0x58: {  	_ =	shalt  }
0x59: {  	_ =	shalt  }
0x5a: {  	_ =	shalt  }
0x5b: {  	_ =	shalt  }
0x5c: {  	_ =	shalt  }
0x5d: {  	_ =	shalt  }
0x5e: {  	_ =	shalt  }
0x5f: {  	_ =	shalt  }
0x60: {  	_ =	shalt  }
0x61: {  	_ =	shalt  }
0x62: {  	_ =	shalt  }
0x63: {  	_ =	shalt  }
0x64: {  	_ =	shalt  }
0x65: {  	_ =	shalt  }
0x66: {  	_ =	shalt  }
0x67: {  	_ =	shalt  }
0x68: {  	_ =	shalt  }
0x69: {  	_ =	shalt  }
0x6a: {  	_ =	shalt  }
0x6b: {  	_ =	shalt  }
0x6c: {  	_ =	shalt  }
0x6d: {  	_ =	shalt  }
0x6e: {  	_ =	shalt  }
0x6f: {  	_ =	shalt  }
0x70: {  	_ =	shalt  }
0x71: {  	_ =	shalt  }
0x72: {  	_ =	shalt  }
0x73: {  	_ =	shalt  }
0x74: {  	_ =	shalt  }
0x75: {  	_ =	shalt  }
0x76: {  	_ =	shalt  }
0x77: {  	_ =	shalt  }
0x78: {  	_ =	shalt  }
0x79: {  	_ =	shalt  }
0x7a: {  	_ =	shalt  }
0x7b: {  	_ =	shalt  }
0x7c: {  	_ =	shalt  }
0x7d: {  	_ =	shalt  }
0x7e: {  	_ =	shalt  }
0x7f: {  	_ =	shalt  }
0x80: {  	_ =	shalt  }
0x81: {  	_ =	shalt  }
0x82: {  	_ =	shalt  }
0x83: {  	_ =	shalt  }
0x84: {  	_ =	shalt  }
0x85: {  	_ =	shalt  }
0x86: {  	_ =	shalt  }
0x87: {  	_ =	shalt  }
.Lfunc_end0:
.L_simem_size_0:
called_computation.3_lowered:
.L_overlay_start_0:
0x88: {  	s2 =	sld [smem:$0x3FD9]  }
0x89: {  	s3 =	sld [smem:$0x3FFE];
	_ =	sdelay $0x1  }
0x8a: {  	s1 =	srdreg.scid  }
0x8b: {  	s0 =	sand.u32 $0x1, s1  }
0x8c: {  	s17 =	sshll.u32 s0, $0xA;
	s2 =	sadd.s32 s3, s2  }
0x8d: {  	s2 =	sadd.s32 s2, s17  }
0x8e: {  	[smem:$0x3FB9] =	sst s2  }
0x8f: {  	_ = 	snop  }
0x90: {  	(tm) =	ssettm $0x1  }
0x91: {  	s18 =	sld [smem:$0x3FFB];
	_ =	sdelay $0x3  }
0x92: {  	_ =	strace s18  }
0x93: {  	s2 =	sld [smem:$0x3FFC];
	_ =	sdelay $0x3  }
0x94: {  	_ =	strace s2  }
0x95: {  	s2 =	sld [smem:$0x3FFD];
	_ =	sdelay $0x3  }
0x96: {  	_ =	strace s2  }
0x97: {  	_ =	strace $0x8FFFFFFF  }
0x98: {  	s19 =	sld [smem:$0x3FDB];
	_ =	sdelay $0x1  }
0x99: {  	s20 =	simm.s32 $_scs_section_size  }
0x9a: {  	s4 =	simm.s32 $_size__tile_overlayer_lowered;
	s5 =	simm.s32 $_tile_overlayer_lowered  }
0x9b: {  	s6 =	simm.s32 $0x1BFF;
	s21 =	sshll.u32 s5, $0x1;
	s3 =	sadd.s32 s20, s19  }
0x9c: {  	s22 =	simm.s32 $0x0;
	s4 =	sshll.u32 s4, $0x1;
	s5 =	sadd.s32 s21, s3  }
0x9d: {  	[timem:s22], [sflag:s6] =	dma.local [hbm:s5], s4  }
0x9e: {  	_ =	swait.ge [sflag:s6], s4  }
0x9f: {  	s4 =	ssub.s32 $0x0, s4;
	[sflag:s6] =	ssyncset.done $0x0  }
0xa0: {  	[sflag:s6] =	ssyncadd.s32 s4;
	_ =	sdelay $0x1  }
0xa1: {  	s23 =	simm.s32 $0x1B8B  }
0xa2: {  	_ =	swait.ge [sflag:s23], $0x1  }
0xa3: {  	[sflag:s23] =	ssyncset.done $0x0  }
0xa4: {  	[sflag:s23] =	ssyncadd.s32 $0xFFFFFFFF  }
0xa5: {  	s4 =	sld [smem:$0x0]  }
0xa6: {  	s5 =	sand.u32 $0xFFFFFFFE, s1  }
0xa7: {  	p0 =	sne.s32 s1, s5  }
0xa8: {  	s5 =	sshll.u32 @p0 s5, $0xE  }
0xa9: {  	s5 =	sadd.s32 @p0 $0x11B8D, s5;
	s6 =	sshll.u32 @p0 s4, $0x11  }
0xaa: {  	s5 =	sor.u32 @p0 s6, s5  }
0xab: {  	[sflag:s5] =	ssyncadd.remote.s32 @p0 $0x1;
	_ =	sdelay $0x1  }
0xac: {  	s5 =	simm.s32 @p0 $0x1B8D  }
0xad: {  	_ =	swait.eq @p0 [sflag:s5], $0x1  }
0xae: {  	[sflag:s5] =	ssyncadd.s32 @p0 $0xFFFFFFFF  }
0xaf: {  	s6 =	sshll.u32 @!p0 s1, $0xE  }
0xb0: {  	s6 =	sor.u32 @!p0 $0x4000, s6;
	s5 =	simm.s32 @!p0 $0x1B8D  }
0xb1: {  	s4 =	sshll.u32 @!p0 s4, $0x11;
	s6 =	sadd.s32 @!p0 $0x11B8D, s6;
	_ =	swait.eq @!p0 [sflag:s5], $0x1  }
0xb2: {  	s4 =	sor.u32 @!p0 s4, s6;
	[sflag:s5] =	ssyncadd.s32 @!p0 $0xFFFFFFFF  }
0xb3: {  	s25 =	simm.s32 $0x1B8E;
	s24 =	sld [smem:$0x3FFE];
	[sflag:s4] =	ssyncadd.remote.s32 @!p0 $0x1  }
0xb4: {  	s26 =	simm.s32 $execute0_lowered;
	[smem:$0x3FD2] =	sst s25  }
0xb5: {  	s5 =	sshll.u32 s26, $0x1;
	_ =	strace $0x8000004F;
	[dreg:$0x1] =	wrdreg $0xFFFFFFFF  }
0xb6: {  	s28 =	simm.s32 $_size_execute0_lowered;
	s3 =	sadd.s32 s3, s5;
	[dreg:$0x0] =	wrdreg $0x0  }
0xb7: {  	s5 =	sshll.u32 s28, $0x1;
	[dreg:$0x2] =	wrdreg s3  }
0xb8: {  	[dreg:$0x3] =	wrdreg s5  }
0xb9: {  	[dreg:$0x4] =	wrdreg $0xC0  }
0xba: {  	_ =	task [dreg:s22], $0x5FFFF  }
0xbb: {  	[dreg:$0x1] =	wrdreg $0xFFFFFFFF  }
0xbc: {  	[dreg:$0x0] =	wrdreg $0x60  }
0xbd: {  	[dreg:$0x2] =	wrdreg s24  }
0xbe: {  	[dreg:$0x3] =	wrdreg $0xC  }
0xbf: {  	_ =	task.clear_ibuf [dreg:s22], $0x4FFFF;
	_ =	strace $0x9000004F  }
0xc0: {  	s29 =	simm.s32 $0xC;
	_ =	strace $0x80000051  }
0xc1: {  	_ =	swait.ge [sflag:s29], $0x1  }
0xc2: {  	[sflag:s29] =	ssyncadd.s32 $0xFFFFFFFF  }
0xc3: {  	_ =	strace $0x90000051  }
0xc4: {  	_ =	sfence  }
0xc5: {  	s30 =	sld [smem:$0x0];
	_ =	sdelay $0x2  }
0xc6: {  	s31 =	sshll.u32 s1, $0xD;
	s1 =	sshrl.u32 s1, $0x2  }
0xc7: {  	s4 =	sand.u32 $0x4000, s31;
	s1 =	sadd.s32 s1, s30  }
0xc8: {  	s0 =	sor.u32 s4, s0;
	s1 =	sshll.u32 s1, $0x11  }
0xc9: {  	s0 =	sor.u32 s1, s0  }
0xca: {  	s0 =	sadd.s32 $0x8F2B, s0  }
0xcb: {  	[sflag:s0] =	ssyncadd.remote.s32 $0x1  }
0xcc: {  	_ =	sfence.sel $0xFFFF  }
0xcd: {  	[dreg:$0x0] =	wrdreg $0xFFFFFFFF;
	(pc) =	sbr.abs _section_cstart, $3  }
0xce: {  	[dreg:$0x1] =	wrdreg $0xFFFFFFFF  }
0xcf: {  	_ =	task.clear_ibuf [dreg:s22], $0x2FFFF;
	_ =	strace $0x9FFFFFFF  }
0xd0: {  	(tm) =	ssettm $0x7FFFFFFF  }
0xd1: {  	_ =	shalt  }
tec
execute0_lowered:
.L_overlay_start_1:
0x0: {  	(tag) =	ssettag $0x1  }
0x1: {  	s0 =	srdreg.scid;
	s1 =	stileid.u32  }
0x2: {  	s5 =	rddreg [dreg:$0x0];
	s17 =	simm.s32 $0xA00;
	s4 =	simm.s32 $0xE00  }
0x3: {  	s18 =	simm.s32 $0x1600;
	s19 =	simm.s32 $0x1A00;
	s20 =	simm.s32 $0x2200  }
0x4: {  	s21 =	simm.s32 $0x2600;
	s22 =	simm.s32 $0x2E00;
	s0 =	sand.u32 $0x1, s0  }
0x5: {  	s23 =	simm.s32 $0x3200;
	s1 =	sshll.u32 s1, $0xA;
	s2 =	sshll.u32 s0, $0x9  }
0x6: {  	s24 =	simm.s32 $0x3A00;
	s1 =	sor.u32 s2, s1;
	s2 =	simm.s32 $0x0  }
0x7: {  	s25 =	simm.s32 $0x3E00;
	s7 =	simm.s32 $0x2;
	[smem:$0x7FF] =	sst s2  }
0x8: {  	s26 =	simm.s32 $0x4600;
	_ =	strace $0x80000050;
	[dreg:$0x3] =	wrdreg s17  }
0x9: {  	s8 =	simm.s32 $0x200;
	s9 =	simm.s32 $0x4A00;
	[dreg:$0x4] =	wrdreg s4  }
0xa: {  	s10 =	simm.s32 $0x5200;
	s11 =	simm.s32 $0x5600;
	[dreg:$0x5] =	wrdreg s18  }
0xb: {  	s12 =	simm.s32 $0x5E00;
	s13 =	simm.s32 $0x6200;
	[dreg:$0x6] =	wrdreg s19  }
0xc: {  	s14 =	simm.s32 $0x6A00;
	s15 =	simm.s32 $0x6E00;
	[dreg:$0x7] =	wrdreg s20  }
0xd: {  	s16 =	simm.s32 $0x7600;
	s28 =	simm.s32 $0xB600;
	[dreg:$0x8] =	wrdreg s21  }
0xe: {  	s29 =	simm.s32 $0xBE00;
	s30 =	simm.s32 $0x1;
	[dreg:$0x9] =	wrdreg s22  }
0xf: {  	s31 =	simm.s32 $0x0;
	s0 =	ssub.s32 $0x2, s0;
	[dreg:$0xa] =	wrdreg s23  }
0x10: {  	s6 =	sshrl.u32 s0, $0x1;
	s1 =	sshrl.u32 s1, $0x3;
	[dreg:$0xb] =	wrdreg s24  }
0x11: {  	s0 =	ssub.s32 s0, s6;
	s3 =	smul.u32 $0x180, s1;
	[dreg:$0xc] =	wrdreg s25  }
0x12: {  	s1 =	sadd.s32 s1, s5;
	s0 =	smax.u32 s0, $0x1;
	[dreg:$0xd] =	wrdreg s26  }
0x13: {  	s17 =	simm.s32 $0x7A00;
	s18 =	simm.s32 $0x8200;
	s19 =	simm.s32 $0x8600  }
0x14: {  	s20 =	simm.s32 $0x8E00;
	s21 =	simm.s32 $0x9200;
	s22 =	simm.s32 $0x9A00  }
0x15: {  	s23 =	simm.s32 $0x9E00;
	s24 =	simm.s32 $0xA600;
	s25 =	simm.s32 $0xAA00  }
0x16: {  	v2 =	vlaneseq.u32;
	s1 =	sadd.s32 $0xAE00, s1;
	[dreg:$0xf] =	wrdreg s0;
	s3 =	sadd.s32 s3, s5  }
0x17: {  	vm0 =	vmmov $0xffff;
	vm1 =	vmmov $0xff;
	v1 =	vshrl.u32 v2, $0x3;
	s26 =	simm.s32 $0xB200;
	[dreg:$0xe] =	wrdreg s1;
	s3 =	sadd.s32 $0x2CCE00, s3  }
0x18: {  	v0 =	vand.u32 $0x7, v2;
	v2 =	vor.u32 $0x8, v2;
	v1 =	vmul.u32 $0x8, v1;
	[dreg:$0x2] =	wrdreg s3;
	s3 =	sadd.s32 $0x2CE00, s5;
	s5 =	sadd.s32 $0x2CF00, s5  }
.LBB2_1:
0x19: {  	s0 =	rddreg [dreg:$0xe]  }
0x1a: {  	[tilespmem:s2], [sflag:$0x2] =	stream.linear.gather [hbm4b:s0+s2], $0x200, $0x38;
	[tilespmem:$0xC200] =	vst v63  }
0x1b: {  	_ =	swait.ge [sflag:s7], $0x200  }
0x1c: {  	[sflag:s7] =	ssyncset.done $0x0  }
0x1d: {  	s1 =	simm.s32 $0x40;
	s0 =	simm.s32 $0x0;
	[sflag:s7] =	ssyncadd.s32 $0xFFFFFE00  }
.LBB2_2:
0x1e: {  	v3 =	vld [tilespmem:s1+$0xFFFFFFC0];
	_ =	sdelay $0x4  }
0x1f: {  	v4 =	vshrl.u32 v3, $0x3  }
0x20: {  	v4 =	vmul.u32 $0x18, v4  }
0x21: {  	v3 =	vand.u32 $0x7, v3  }
0x22: {  	v3 =	vor.u32 v3, v4  }
0x23: {  	v4 =	vperm.xlane v3, v0;
	_ =	sdelay $0x1  }
0x24: {  	v4 =	vadd.s32 v1, v4;
	_ =	sdelay $0x1  }
0x25: {  	v3 =	vperm.xlane v3, v2;
	_ =	sdelay $0x1  }
0x26: {  	v3 =	vadd.s32 v1, v3  }
0x27: {  	[tilespmem:s8], [sflag:$0x1] =	stream.indirect_vreg.gather [hbm4b:s3+s2], $0x80, v4, vm0, $0xb8;
	[tilespmem:$0xC200] =	vst v63  }
0x28: {  	s4 =	rddreg [dreg:$0x3]  }
0x29: {  	[tilespmem:s4], [sflag:$0x1] =	stream.indirect_vreg.gather [hbm4b:s5+s2], $0x80, v4, vm1, $0xb8;
	[tilespmem:$0xC200] =	vst v63  }
0x2a: {  	s6 =	rddreg [dreg:$0x4]  }
0x2b: {  	[tilespmem:s6], [sflag:$0x1] =	stream.indirect_vreg.gather [hbm4b:s3+s2], $0x80, v3, vm0, $0xb8;
	[tilespmem:$0xC200] =	vst v63  }
0x2c: {  	s4 =	rddreg [dreg:$0x5]  }
0x2d: {  	[tilespmem:s4], [sflag:$0x1] =	stream.indirect_vreg.gather [hbm4b:s5+s2], $0x80, v3, vm1, $0xb8;
	[tilespmem:$0xC200] =	vst v63  }
0x2e: {  	v3 =	vld [tilespmem:s1+$0xFFFFFFD0];
	_ =	sdelay $0x4  }
0x2f: {  	v57 =	vshrl.u32 v3, $0x3  }
0x30: {  	v4 =	vmul.u32 $0x18, v57  }
0x31: {  	v3 =	vand.u32 $0x7, v3  }
0x32: {  	v3 =	vor.u32 v3, v4  }
0x33: {  	v4 =	vperm.xlane v3, v0;
	_ =	sdelay $0x1  }
0x34: {  	v4 =	vadd.s32 v1, v4;
	_ =	sdelay $0x1  }
0x35: {  	v3 =	vperm.xlane v3, v2;
	_ =	sdelay $0x1  }
0x36: {  	s4 =	rddreg [dreg:$0x6];
	v3 =	vadd.s32 v1, v3  }
0x37: {  	[tilespmem:s4], [sflag:$0x1] =	stream.indirect_vreg.gather [hbm4b:s3+s2], $0x80, v4, vm0, $0xb8;
	[tilespmem:$0xC200] =	vst v63  }
0x38: {  	s6 =	rddreg [dreg:$0x7]  }
0x39: {  	[tilespmem:s6], [sflag:$0x1] =	stream.indirect_vreg.gather [hbm4b:s5+s2], $0x80, v4, vm1, $0xb8;
	[tilespmem:$0xC200] =	vst v63  }
0x3a: {  	s4 =	rddreg [dreg:$0x8]  }
0x3b: {  	[tilespmem:s4], [sflag:$0x1] =	stream.indirect_vreg.gather [hbm4b:s3+s2], $0x80, v3, vm0, $0xb8;
	[tilespmem:$0xC200] =	vst v63  }
0x3c: {  	s6 =	rddreg [dreg:$0x9]  }
0x3d: {  	[tilespmem:s6], [sflag:$0x1] =	stream.indirect_vreg.gather [hbm4b:s5+s2], $0x80, v3, vm1, $0xb8;
	[tilespmem:$0xC200] =	vst v63  }
0x3e: {  	v3 =	vld [tilespmem:s1+$0xFFFFFFE0];
	_ =	sdelay $0x4  }
0x3f: {  	v58 =	vshrl.u32 v3, $0x3  }
0x40: {  	v4 =	vmul.u32 $0x18, v58  }
0x41: {  	v3 =	vand.u32 $0x7, v3  }
0x42: {  	v3 =	vor.u32 v3, v4  }
0x43: {  	v4 =	vperm.xlane v3, v0;
	_ =	sdelay $0x1  }
0x44: {  	v4 =	vadd.s32 v1, v4;
	_ =	sdelay $0x1  }
0x45: {  	v3 =	vperm.xlane v3, v2;
	_ =	sdelay $0x1  }
0x46: {  	s4 =	rddreg [dreg:$0xa];
	v3 =	vadd.s32 v1, v3  }
0x47: {  	[tilespmem:s4], [sflag:$0x1] =	stream.indirect_vreg.gather [hbm4b:s3+s2], $0x80, v4, vm0, $0xb8;
	[tilespmem:$0xC200] =	vst v63  }
0x48: {  	s6 =	rddreg [dreg:$0xb]  }
0x49: {  	[tilespmem:s6], [sflag:$0x1] =	stream.indirect_vreg.gather [hbm4b:s5+s2], $0x80, v4, vm1, $0xb8;
	[tilespmem:$0xC200] =	vst v63  }
0x4a: {  	s4 =	rddreg [dreg:$0xc]  }
0x4b: {  	[tilespmem:s4], [sflag:$0x1] =	stream.indirect_vreg.gather [hbm4b:s3+s2], $0x80, v3, vm0, $0xb8;
	[tilespmem:$0xC200] =	vst v63  }
0x4c: {  	s6 =	rddreg [dreg:$0xd]  }
0x4d: {  	[tilespmem:s6], [sflag:$0x1] =	stream.indirect_vreg.gather [hbm4b:s5+s2], $0x80, v3, vm1, $0xb8;
	[tilespmem:$0xC200] =	vst v63  }
0x4e: {  	v3 =	vld [tilespmem:s1+$0xFFFFFFF0];
	_ =	sdelay $0x4  }
0x4f: {  	v59 =	vshrl.u32 v3, $0x3  }
0x50: {  	v4 =	vmul.u32 $0x18, v59  }
0x51: {  	v3 =	vand.u32 $0x7, v3  }
0x52: {  	v3 =	vor.u32 v3, v4  }
0x53: {  	v4 =	vperm.xlane v3, v0;
	_ =	sdelay $0x1  }
0x54: {  	v4 =	vadd.s32 v1, v4;
	_ =	sdelay $0x1  }
0x55: {  	v3 =	vperm.xlane v3, v2;
	_ =	sdelay $0x1  }
0x56: {  	v3 =	vadd.s32 v1, v3  }
0x57: {  	[tilespmem:s9], [sflag:$0x1] =	stream.indirect_vreg.gather [hbm4b:s3+s2], $0x80, v4, vm0, $0xb8;
	[tilespmem:$0xC200] =	vst v63  }
0x58: {  	_ = 	snop  }
0x59: {  	[tilespmem:s10], [sflag:$0x1] =	stream.indirect_vreg.gather [hbm4b:s5+s2], $0x80, v4, vm1, $0xb8;
	[tilespmem:$0xC200] =	vst v63  }
0x5a: {  	_ = 	snop  }
0x5b: {  	[tilespmem:s11], [sflag:$0x1] =	stream.indirect_vreg.gather [hbm4b:s3+s2], $0x80, v3, vm0, $0xb8;
	[tilespmem:$0xC200] =	vst v63  }
0x5c: {  	_ = 	snop  }
0x5d: {  	[tilespmem:s12], [sflag:$0x1] =	stream.indirect_vreg.gather [hbm4b:s5+s2], $0x80, v3, vm1, $0xb8;
	[tilespmem:$0xC200] =	vst v63  }
0x5e: {  	v3 =	vld [tilespmem:s1+$0x0];
	_ =	sdelay $0x4  }
0x5f: {  	v60 =	vshrl.u32 v3, $0x3  }
0x60: {  	v4 =	vmul.u32 $0x18, v60  }
0x61: {  	v3 =	vand.u32 $0x7, v3  }
0x62: {  	v3 =	vor.u32 v3, v4  }
0x63: {  	v4 =	vperm.xlane v3, v0;
	_ =	sdelay $0x1  }
0x64: {  	v4 =	vadd.s32 v1, v4;
	_ =	sdelay $0x1  }
0x65: {  	v3 =	vperm.xlane v3, v2;
	_ =	sdelay $0x1  }
0x66: {  	v3 =	vadd.s32 v1, v3  }
0x67: {  	[tilespmem:s13], [sflag:$0x1] =	stream.indirect_vreg.gather [hbm4b:s3+s2], $0x80, v4, vm0, $0xb8;
	[tilespmem:$0xC200] =	vst v63  }
0x68: {  	_ = 	snop  }
0x69: {  	[tilespmem:s14], [sflag:$0x1] =	stream.indirect_vreg.gather [hbm4b:s5+s2], $0x80, v4, vm1, $0xb8;
	[tilespmem:$0xC200] =	vst v63  }
0x6a: {  	_ = 	snop  }
0x6b: {  	[tilespmem:s15], [sflag:$0x1] =	stream.indirect_vreg.gather [hbm4b:s3+s2], $0x80, v3, vm0, $0xb8;
	[tilespmem:$0xC200] =	vst v63  }
0x6c: {  	_ = 	snop  }
0x6d: {  	[tilespmem:s16], [sflag:$0x1] =	stream.indirect_vreg.gather [hbm4b:s5+s2], $0x80, v3, vm1, $0xb8;
	[tilespmem:$0xC200] =	vst v63  }
0x6e: {  	v3 =	vld [tilespmem:s1+$0x10];
	_ =	sdelay $0x4  }
0x6f: {  	v61 =	vshrl.u32 v3, $0x3  }
0x70: {  	v4 =	vmul.u32 $0x18, v61  }
0x71: {  	v3 =	vand.u32 $0x7, v3  }
0x72: {  	v3 =	vor.u32 v3, v4  }
0x73: {  	v4 =	vperm.xlane v3, v0;
	_ =	sdelay $0x1  }
0x74: {  	v4 =	vadd.s32 v1, v4;
	_ =	sdelay $0x1  }
0x75: {  	v3 =	vperm.xlane v3, v2;
	_ =	sdelay $0x1  }
0x76: {  	v3 =	vadd.s32 v1, v3  }
0x77: {  	[tilespmem:s17], [sflag:$0x1] =	stream.indirect_vreg.gather [hbm4b:s3+s2], $0x80, v4, vm0, $0xb8;
	[tilespmem:$0xC200] =	vst v63  }
0x78: {  	_ = 	snop  }
0x79: {  	[tilespmem:s18], [sflag:$0x1] =	stream.indirect_vreg.gather [hbm4b:s5+s2], $0x80, v4, vm1, $0xb8;
	[tilespmem:$0xC200] =	vst v63  }
0x7a: {  	_ = 	snop  }
0x7b: {  	[tilespmem:s19], [sflag:$0x1] =	stream.indirect_vreg.gather [hbm4b:s3+s2], $0x80, v3, vm0, $0xb8;
	[tilespmem:$0xC200] =	vst v63  }
0x7c: {  	_ = 	snop  }
0x7d: {  	[tilespmem:s20], [sflag:$0x1] =	stream.indirect_vreg.gather [hbm4b:s5+s2], $0x80, v3, vm1, $0xb8;
	[tilespmem:$0xC200] =	vst v63  }
0x7e: {  	v3 =	vld [tilespmem:s1+$0x20];
	_ =	sdelay $0x4  }
0x7f: {  	v62 =	vshrl.u32 v3, $0x3  }
0x80: {  	v4 =	vmul.u32 $0x18, v62  }
0x81: {  	v3 =	vand.u32 $0x7, v3  }
0x82: {  	v3 =	vor.u32 v3, v4  }
0x83: {  	v4 =	vperm.xlane v3, v0;
	_ =	sdelay $0x1  }
0x84: {  	v4 =	vadd.s32 v1, v4;
	_ =	sdelay $0x1  }
0x85: {  	v3 =	vperm.xlane v3, v2;
	_ =	sdelay $0x1  }
0x86: {  	v3 =	vadd.s32 v1, v3  }
0x87: {  	[tilespmem:s21], [sflag:$0x1] =	stream.indirect_vreg.gather [hbm4b:s3+s2], $0x80, v4, vm0, $0xb8;
	[tilespmem:$0xC200] =	vst v63  }
0x88: {  	_ = 	snop  }
0x89: {  	[tilespmem:s22], [sflag:$0x1] =	stream.indirect_vreg.gather [hbm4b:s5+s2], $0x80, v4, vm1, $0xb8;
	[tilespmem:$0xC200] =	vst v63  }
0x8a: {  	_ = 	snop  }
0x8b: {  	[tilespmem:s23], [sflag:$0x1] =	stream.indirect_vreg.gather [hbm4b:s3+s2], $0x80, v3, vm0, $0xb8;
	[tilespmem:$0xC200] =	vst v63  }
0x8c: {  	_ = 	snop  }
0x8d: {  	[tilespmem:s24], [sflag:$0x1] =	stream.indirect_vreg.gather [hbm4b:s5+s2], $0x80, v3, vm1, $0xb8;
	[tilespmem:$0xC200] =	vst v63  }
0x8e: {  	v3 =	vld [tilespmem:s1+$0x30];
	_ =	sdelay $0x4  }
0x8f: {  	v63 =	vshrl.u32 v3, $0x3  }
0x90: {  	v4 =	vmul.u32 $0x18, v63  }
0x91: {  	v3 =	vand.u32 $0x7, v3  }
0x92: {  	v3 =	vor.u32 v3, v4  }
0x93: {  	v4 =	vperm.xlane v3, v0;
	_ =	sdelay $0x1  }
0x94: {  	v4 =	vadd.s32 v1, v4;
	_ =	sdelay $0x1  }
0x95: {  	v3 =	vperm.xlane v3, v2;
	_ =	sdelay $0x1  }
0x96: {  	v3 =	vadd.s32 v1, v3  }
0x97: {  	[tilespmem:s25], [sflag:$0x1] =	stream.indirect_vreg.gather [hbm4b:s3+s2], $0x80, v4, vm0, $0xb8;
	[tilespmem:$0xC200] =	vst v63  }
0x98: {  	_ = 	snop  }
0x99: {  	[tilespmem:s26], [sflag:$0x1] =	stream.indirect_vreg.gather [hbm4b:s5+s2], $0x80, v4, vm1, $0xb8;
	[tilespmem:$0xC200] =	vst v63  }
0x9a: {  	_ = 	snop  }
0x9b: {  	[tilespmem:s28], [sflag:$0x1] =	stream.indirect_vreg.gather [hbm4b:s3+s2], $0x80, v3, vm0, $0xb8;
	[tilespmem:$0xC200] =	vst v63  }
0x9c: {  	_ = 	snop  }
0x9d: {  	[tilespmem:s29], [sflag:$0x1] =	stream.indirect_vreg.gather [hbm4b:s5+s2], $0x80, v3, vm1, $0xb8;
	[tilespmem:$0xC200] =	vst v63  }
0x9e: {  	_ =	swait.ge [sflag:s30], $0xC000  }
0x9f: {  	p0 =	sne.s32 s0, $0x4800;
	s6 =	rddreg [dreg:$0x2];
	[sflag:s30] =	ssyncset.done $0x0  }
.Ltmp0:
0xa0: {  	[sflag:s30] =	ssyncadd.s32 $0xFFFF4000;
	s4 =	sadd.s32 s0, s6;
	(pc) =	sbr.rel @p0 .LBB2_2-.Ltmp0, $4  }
0xa1: {  	[hbm4b:s4+s2] =	stream.linear.scatter [tilespmem:s8], [sflag:$0x2], $0xC000, $0x38;
	[tilespmem:$0xC200] =	vst v63  }
0xa2: {  	_ =	swait.ge [sflag:s7], $0xC000  }
0xa3: {  	[sflag:s7] =	ssyncset.done $0x0  }
0xa4: {  	s1 =	sadd.s32 $0x80, s1;
	s0 =	sadd.s32 $0x1800, s0;
	[sflag:s7] =	ssyncadd.s32 $0xFFFF4000  }
0xa5: {  	s31 =	sadd.s32 $0x1, s31;
	s0 =	rddreg [dreg:$0xf]  }
0xa6: {  	p0 =	sne.s32 s31, s0  }
.Ltmp1:
0xa7: {  	_ = 	snop;
	(pc) =	sbr.rel @p0 .LBB2_1-.Ltmp1, $1  }
0xa8: {  	_ =	sdelay $0x3  }
0xa9: {  	_ =	sfence.sel $0x180000  }
0xaa: {  	[bflag:$0x0] =	sbarrier.arrive $0xFFFF  }
0xab: {  	_ =	strace $0x90000050  }
0xac: {  	s0 =	stileid.u32;
	[bflag:$0x2] =	sbarrier.arrive $0xFFFF  }
0xad: {  	p0 =	sne.s32 s0, $0x0;
	s0 =	rddreg [dreg:$0x1]  }
0xae: {  	s0 =	sadd.s32 @!p0 $0x100000, s0  }
0xaf: {  	[sflag:s0] =	ssyncadd.tile.s32 @!p0 $0x1;
	_ =	shalt  }
.Lfunc_end2:
_tile_overlayer_lowered:
.L_overlay_start_2:
0xb0: {  	(tag) =	ssettag $0x2  }
0xb1: {  	s0 =	rddreg [dreg:$0x0];
	s2 =	stileid.u32  }
0xb2: {  	s1 =	rddreg [dreg:$0x1];
	p0 =	sne.s32 s2, $0x0  }
0xb3: {  	s3 =	rddreg [dreg:$0x2];
	[bflag:$0x3] =	sbarrier.arrive $0xFFFF;
	s2 =	simm.s32 @!p0 $0x1C02  }
0xb4: {  	[timem:s3], [sflag:s2] =	dma.local @!p0 [hbm:s0], s1  }
0xb5: {  	s0 =	simm.s32 @!p0 $0x2  }
0xb6: {  	_ =	swait.ge @!p0 [sflag:s0], s1  }
0xb7: {  	s1 =	ssub.s32 @!p0 $0x0, s1;
	[sflag:s0] =	ssyncset.done @!p0 $0x0  }
0xb8: {  	[sflag:s0] =	ssyncadd.s32 @!p0 s1  }
0xb9: {  	[bflag:$0x3] =	sbarrier.arrive $0xFFFF  }
0xba: {  	_ =	shalt  }

// kernel: kernel.31.cloned.1.call-start
scs
__scs_entry_jumppad:
0x0: {  	(pc) =	sbr.rel $0x88, $3  }
0x1: {  	(tag) =	ssettag $0x0;
	lr =	simm.s32 $0x1  }
0x2: {  	[smem:$0x3F92] =	sst lr;
	_ =	strace $0xD0000000  }
0x3: {  	_ = 	snop  }
0x4: {  	_ = 	snop  }
0x5: {  	_ = 	snop  }
0x6: {  	_ = 	snop  }
0x7: {  	_ = 	snop  }
__scs_overlays_trampoline_lowered:
0x8: {  	[smem:$0x3FA1] =	sst s0  }
0x9: {  	[smem:$0x3FA2] =	sst s1  }
0xa: {  	[smem:$0x3FA3] =	sst s2  }
0xb: {  	[smem:$0x3FA4] =	sst s3  }
0xc: {  	[smem:$0x3FA5] =	sst s4  }
0xd: {  	[smem:$0x3FA6] =	sst s5  }
0xe: {  	[smem:$0x3FA7] =	sst s6  }
0xf: {  	[smem:$0x3FA8] =	sst s7  }
0x10: {  	[smem:$0x3FA9] =	sst s8  }
0x11: {  	[smem:$0x3FAA] =	sst s9;
	s0 =	simm.s32 @!p0 $0x0  }
0x12: {  	s1 =	sld [smem:$0x3F90];
	s0 =	simm.s32 @p0 $0x1  }
0x13: {  	[smem:$0x3FAB] =	sst s0;
	s0 =	simm.s32 @!p1 $0x0  }
0x14: {  	s2 =	sld [smem:$0x3F8F];
	s0 =	simm.s32 @p1 $0x1  }
0x15: {  	[smem:$0x3FAC] =	sst s0;
	s0 =	simm.s32 @!p2 $0x0  }
0x16: {  	s3 =	sld [smem:$0x3FDB];
	s0 =	simm.s32 @p2 $0x1  }
0x17: {  	s4 =	simm.s32 $0x1BF5;
	[smem:$0x3FAE] =	sst s0  }
0x18: {  	s0 =	sld [smem:$0x3F91];
	_ =	swait.ge [sflag:s4], $0x0  }
0x19: {  	s7 =	sld [smem:$0x3F92]  }
0x1a: {  	s8 =	sadd.s32 $0xFFFFE003, lr  }
0x1b: {  	s9 =	sadd.s32 $0xFFFFFEF7, lr;
	s5 =	simm.s32 $0xFFFFFFFF;
	p2 =	slt.u32 s8, $0xFFFFF086  }
0x1c: {  	p1 =	slt.u32 s9, $0xF7A;
	s5 =	simm.s32 @!p2 $0x0  }
0x1d: {  	s5 =	simm.s32 @p1 $0x1;
	p0 =	seq.s32 s7, s2  }
0x1e: {  	s7 =	smul.u32 @!p0 $0xF7A, s2;
	p2 =	seq.s32 @!p0 s5, $0x0  }
0x1f: {  	s9 =	smul.u32 $0xF7A, s1;
	s8 =	simm.s32 @!p0 $0x1BF5;
	p2 =	por !p2, p0  }
0x20: {  	[sflag:s8] =	ssyncset.s32 @!p0 $0xFFFFF086;
	s6 =	sadd.s32 @!p0 s3, s7;
	s7 =	simm.s32 @!p0 $0x108  }
0x21: {  	s3 =	sadd.s32 s3, s9;
	s6 =	sadd.s32 @!p0 $0x88, s6;
	s7 =	simm.s32 @p2 $0x1082  }
0x22: {  	[simem:s7], [sflag:s8] =	dma.local @!p0 [hbm:s6], $0xF7A  }
0x23: {  	s9 =	sor.u32 $0xD0000000, s2;
	s6 =	simm.s32 $0x108;
	_ =	swait.ge @!p0 [sflag:s8], $0x0  }
0x24: {  	s3 =	sadd.s32 $0x88, s3;
	s6 =	simm.s32 @!p1 $0x1082;
	[sflag:s4] =	ssyncset.s32 $0xFFFFF086  }
0x25: {  	[simem:s6], [sflag:s4] =	dma.local [hbm:s3], $0xF7A  }
0x26: {  	[smem:$0x3F92] =	sst s1;
	(tag) =	ssettag s2;
	_ =	strace s9  }
0x27: {  	s1 =	sld [smem:$0x3FA2]  }
0x28: {  	s2 =	sld [smem:$0x3FA3]  }
0x29: {  	s4 =	sld [smem:$0x3FA5]  }
0x2a: {  	p0 =	seq.s32 s5, $0x0;
	s5 =	sld [smem:$0x3FA6]  }
0x2b: {  	s6 =	sld [smem:$0x3FA7]  }
0x2c: {  	s7 =	sld [smem:$0x3FA8]  }
0x2d: {  	s3 =	simm.s32 $0x108;
	s8 =	sld [smem:$0x3FA9]  }
0x2e: {  	s3 =	simm.s32 @!p0 $0x1082;
	s9 =	sld [smem:$0x3FAA]  }
0x2f: {  	lr =	sadd.s32 s0, s3;
	s0 =	sld [smem:$0x3FA1]  }
0x30: {  	s3 =	sld [smem:$0x3FA4]  }
0x31: {  	[smem:$0x3FAD] =	sst s10  }
0x32: {  	s10 =	sld [smem:$0x3FAB];
	_ =	sdelay $0x3  }
0x33: {  	p0 =	seq.s32 s10, $0x1;
	s10 =	sld [smem:$0x3FAD];
	_ =	sdelay $0x3  }
0x34: {  	[smem:$0x3FAD] =	sst s10  }
0x35: {  	s10 =	sld [smem:$0x3FAC];
	_ =	sdelay $0x3  }
0x36: {  	p1 =	seq.s32 s10, $0x1;
	s10 =	sld [smem:$0x3FAD];
	_ =	sdelay $0x3  }
0x37: {  	[smem:$0x3FAD] =	sst s10  }
0x38: {  	s10 =	sld [smem:$0x3FAE]  }
0x39: {  	_ = 	snop;
	(pc) =	sbr.ind lr, $3  }
0x3a: {  	_ = 	snop  }
0x3b: {  	_ = 	snop  }
0x3c: {  	p2 =	seq.s32 s10, $0x1;
	s10 =	sld [smem:$0x3FAD]  }
0x3d: {  	_ =	shalt  }
0x3e: {  	_ =	shalt  }
0x3f: {  	_ =	shalt  }
0x40: {  	_ =	shalt  }
0x41: {  	_ =	shalt  }
0x42: {  	_ =	shalt  }
0x43: {  	_ =	shalt  }
0x44: {  	_ =	shalt  }
0x45: {  	_ =	shalt  }
0x46: {  	_ =	shalt  }
0x47: {  	_ =	shalt  }
0x48: {  	_ =	shalt  }
0x49: {  	_ =	shalt  }
0x4a: {  	_ =	shalt  }
0x4b: {  	_ =	shalt  }
0x4c: {  	_ =	shalt  }
0x4d: {  	_ =	shalt  }
0x4e: {  	_ =	shalt  }
0x4f: {  	_ =	shalt  }
0x50: {  	_ =	shalt  }
0x51: {  	_ =	shalt  }
0x52: {  	_ =	shalt  }
0x53: {  	_ =	shalt  }
0x54: {  	_ =	shalt  }
0x55: {  	_ =	shalt  }
0x56: {  	_ =	shalt  }
0x57: {  	_ =	shalt  }
0x58: {  	_ =	shalt  }
0x59: {  	_ =	shalt  }
0x5a: {  	_ =	shalt  }
0x5b: {  	_ =	shalt  }
0x5c: {  	_ =	shalt  }
0x5d: {  	_ =	shalt  }
0x5e: {  	_ =	shalt  }
0x5f: {  	_ =	shalt  }
0x60: {  	_ =	shalt  }
0x61: {  	_ =	shalt  }
0x62: {  	_ =	shalt  }
0x63: {  	_ =	shalt  }
0x64: {  	_ =	shalt  }
0x65: {  	_ =	shalt  }
0x66: {  	_ =	shalt  }
0x67: {  	_ =	shalt  }
0x68: {  	_ =	shalt  }
0x69: {  	_ =	shalt  }
0x6a: {  	_ =	shalt  }
0x6b: {  	_ =	shalt  }
0x6c: {  	_ =	shalt  }
0x6d: {  	_ =	shalt  }
0x6e: {  	_ =	shalt  }
0x6f: {  	_ =	shalt  }
0x70: {  	_ =	shalt  }
0x71: {  	_ =	shalt  }
0x72: {  	_ =	shalt  }
0x73: {  	_ =	shalt  }
0x74: {  	_ =	shalt  }
0x75: {  	_ =	shalt  }
0x76: {  	_ =	shalt  }
0x77: {  	_ =	shalt  }
0x78: {  	_ =	shalt  }
0x79: {  	_ =	shalt  }
0x7a: {  	_ =	shalt  }
0x7b: {  	_ =	shalt  }
0x7c: {  	_ =	shalt  }
0x7d: {  	_ =	shalt  }
0x7e: {  	_ =	shalt  }
0x7f: {  	_ =	shalt  }
0x80: {  	_ =	shalt  }
0x81: {  	_ =	shalt  }
0x82: {  	_ =	shalt  }
0x83: {  	_ =	shalt  }
0x84: {  	_ =	shalt  }
0x85: {  	_ =	shalt  }
0x86: {  	_ =	shalt  }
0x87: {  	_ =	shalt  }
.Lfunc_end0:
.L_simem_size_0:
called_computation.4_lowered:
.L_overlay_start_0:
0x88: {  	s2 =	sld [smem:$0x3FD9]  }
0x89: {  	s3 =	sld [smem:$0x3FFE];
	_ =	sdelay $0x1  }
0x8a: {  	s1 =	srdreg.scid  }
0x8b: {  	s0 =	sand.u32 $0x1, s1  }
0x8c: {  	s17 =	sshll.u32 s0, $0xA;
	s2 =	sadd.s32 s3, s2  }
0x8d: {  	s2 =	sadd.s32 s2, s17  }
0x8e: {  	[smem:$0x3FB9] =	sst s2  }
0x8f: {  	_ = 	snop  }
0x90: {  	(tm) =	ssettm $0x1  }
0x91: {  	s18 =	sld [smem:$0x3FFB];
	_ =	sdelay $0x3  }
0x92: {  	_ =	strace s18  }
0x93: {  	s2 =	sld [smem:$0x3FFC];
	_ =	sdelay $0x3  }
0x94: {  	_ =	strace s2  }
0x95: {  	s2 =	sld [smem:$0x3FFD];
	_ =	sdelay $0x3  }
0x96: {  	_ =	strace s2  }
0x97: {  	_ =	strace $0x8FFFFFFF  }
0x98: {  	s19 =	sld [smem:$0x3FDB];
	_ =	sdelay $0x1  }
0x99: {  	s20 =	simm.s32 $_scs_section_size  }
0x9a: {  	s4 =	simm.s32 $_size__tile_overlayer_lowered;
	s5 =	simm.s32 $_tile_overlayer_lowered  }
0x9b: {  	s6 =	simm.s32 $0x1BFF;
	s21 =	sshll.u32 s5, $0x1;
	s3 =	sadd.s32 s20, s19  }
0x9c: {  	s22 =	simm.s32 $0x0;
	s4 =	sshll.u32 s4, $0x1;
	s5 =	sadd.s32 s21, s3  }
0x9d: {  	[timem:s22], [sflag:s6] =	dma.local [hbm:s5], s4  }
0x9e: {  	_ =	swait.ge [sflag:s6], s4  }
0x9f: {  	s4 =	ssub.s32 $0x0, s4;
	[sflag:s6] =	ssyncset.done $0x0  }
0xa0: {  	[sflag:s6] =	ssyncadd.s32 s4;
	_ =	sdelay $0x1  }
0xa1: {  	s23 =	simm.s32 $0x1B8B  }
0xa2: {  	_ =	swait.ge [sflag:s23], $0x1  }
0xa3: {  	[sflag:s23] =	ssyncset.done $0x0  }
0xa4: {  	[sflag:s23] =	ssyncadd.s32 $0xFFFFFFFF  }
0xa5: {  	s4 =	sld [smem:$0x0]  }
0xa6: {  	s5 =	sand.u32 $0xFFFFFFFE, s1  }
0xa7: {  	p0 =	sne.s32 s1, s5  }
0xa8: {  	s5 =	sshll.u32 @p0 s5, $0xE  }
0xa9: {  	s5 =	sadd.s32 @p0 $0x11B8D, s5;
	s6 =	sshll.u32 @p0 s4, $0x11  }
0xaa: {  	s5 =	sor.u32 @p0 s6, s5  }
0xab: {  	[sflag:s5] =	ssyncadd.remote.s32 @p0 $0x1;
	_ =	sdelay $0x1  }
0xac: {  	s5 =	simm.s32 @p0 $0x1B8D  }
0xad: {  	_ =	swait.eq @p0 [sflag:s5], $0x1  }
0xae: {  	[sflag:s5] =	ssyncadd.s32 @p0 $0xFFFFFFFF  }
0xaf: {  	s6 =	sshll.u32 @!p0 s1, $0xE  }
0xb0: {  	s6 =	sor.u32 @!p0 $0x4000, s6;
	s5 =	simm.s32 @!p0 $0x1B8D  }
0xb1: {  	s4 =	sshll.u32 @!p0 s4, $0x11;
	s6 =	sadd.s32 @!p0 $0x11B8D, s6;
	_ =	swait.eq @!p0 [sflag:s5], $0x1  }
0xb2: {  	s4 =	sor.u32 @!p0 s4, s6;
	[sflag:s5] =	ssyncadd.s32 @!p0 $0xFFFFFFFF  }
0xb3: {  	s25 =	simm.s32 $0x1B8E;
	s24 =	sld [smem:$0x3FFE];
	[sflag:s4] =	ssyncadd.remote.s32 @!p0 $0x1  }
0xb4: {  	s26 =	simm.s32 $execute0_lowered;
	[smem:$0x3FD2] =	sst s25  }
0xb5: {  	s5 =	sshll.u32 s26, $0x1;
	_ =	strace $0x8000004C;
	[dreg:$0x1] =	wrdreg $0xFFFFFFFF  }
0xb6: {  	s28 =	simm.s32 $_size_execute0_lowered;
	s3 =	sadd.s32 s3, s5;
	[dreg:$0x0] =	wrdreg $0x0  }
0xb7: {  	s5 =	sshll.u32 s28, $0x1;
	[dreg:$0x2] =	wrdreg s3  }
0xb8: {  	[dreg:$0x3] =	wrdreg s5  }
0xb9: {  	[dreg:$0x4] =	wrdreg $0xC0  }
0xba: {  	_ =	task [dreg:s22], $0x5FFFF  }
0xbb: {  	[dreg:$0x1] =	wrdreg $0xFFFFFFFF  }
0xbc: {  	[dreg:$0x0] =	wrdreg $0x60  }
0xbd: {  	[dreg:$0x2] =	wrdreg s24  }
0xbe: {  	[dreg:$0x3] =	wrdreg $0xD  }
0xbf: {  	_ =	task.clear_ibuf [dreg:s22], $0x4FFFF;
	_ =	strace $0x9000004C  }
0xc0: {  	s29 =	simm.s32 $0xD;
	_ =	strace $0x8000004E  }
0xc1: {  	_ =	swait.ge [sflag:s29], $0x1  }
0xc2: {  	[sflag:s29] =	ssyncadd.s32 $0xFFFFFFFF  }
0xc3: {  	_ =	strace $0x9000004E  }
0xc4: {  	_ =	sfence  }
0xc5: {  	s30 =	sld [smem:$0x0];
	_ =	sdelay $0x2  }
0xc6: {  	s31 =	sshll.u32 s1, $0xD;
	s1 =	sshrl.u32 s1, $0x2  }
0xc7: {  	s4 =	sand.u32 $0x4000, s31;
	s1 =	sadd.s32 s1, s30  }
0xc8: {  	s0 =	sor.u32 s4, s0;
	s1 =	sshll.u32 s1, $0x11  }
0xc9: {  	s0 =	sor.u32 s1, s0  }
0xca: {  	s0 =	sadd.s32 $0x8F2B, s0  }
0xcb: {  	[sflag:s0] =	ssyncadd.remote.s32 $0x1  }
0xcc: {  	_ =	sfence.sel $0xFFFF  }
0xcd: {  	[dreg:$0x0] =	wrdreg $0xFFFFFFFF;
	(pc) =	sbr.abs _section_cstart, $3  }
0xce: {  	[dreg:$0x1] =	wrdreg $0xFFFFFFFF  }
0xcf: {  	_ =	task.clear_ibuf [dreg:s22], $0x2FFFF;
	_ =	strace $0x9FFFFFFF  }
0xd0: {  	(tm) =	ssettm $0x7FFFFFFF  }
0xd1: {  	_ =	shalt  }
tec
execute0_lowered:
.L_overlay_start_1:
0x0: {  	(tag) =	ssettag $0x1  }
0x1: {  	s0 =	srdreg.scid;
	s1 =	stileid.u32  }
0x2: {  	s5 =	rddreg [dreg:$0x0];
	s17 =	simm.s32 $0xA00;
	s4 =	simm.s32 $0xE00  }
0x3: {  	s18 =	simm.s32 $0x1600;
	s19 =	simm.s32 $0x1A00;
	s20 =	simm.s32 $0x2200  }
0x4: {  	s21 =	simm.s32 $0x2600;
	s22 =	simm.s32 $0x2E00;
	s0 =	sand.u32 $0x1, s0  }
0x5: {  	s23 =	simm.s32 $0x3200;
	s1 =	sshll.u32 s1, $0xA;
	s2 =	sshll.u32 s0, $0x9  }
0x6: {  	s24 =	simm.s32 $0x3A00;
	s1 =	sor.u32 s2, s1;
	s2 =	simm.s32 $0x0  }
0x7: {  	s25 =	simm.s32 $0x3E00;
	s7 =	simm.s32 $0x2;
	[smem:$0x7FF] =	sst s2  }
0x8: {  	s26 =	simm.s32 $0x4600;
	_ =	strace $0x8000004D;
	[dreg:$0x3] =	wrdreg s17  }
0x9: {  	s8 =	simm.s32 $0x200;
	s9 =	simm.s32 $0x4A00;
	[dreg:$0x4] =	wrdreg s4  }
0xa: {  	s10 =	simm.s32 $0x5200;
	s11 =	simm.s32 $0x5600;
	[dreg:$0x5] =	wrdreg s18  }
0xb: {  	s12 =	simm.s32 $0x5E00;
	s13 =	simm.s32 $0x6200;
	[dreg:$0x6] =	wrdreg s19  }
0xc: {  	s14 =	simm.s32 $0x6A00;
	s15 =	simm.s32 $0x6E00;
	[dreg:$0x7] =	wrdreg s20  }
0xd: {  	s16 =	simm.s32 $0x7600;
	s28 =	simm.s32 $0xB600;
	[dreg:$0x8] =	wrdreg s21  }
0xe: {  	s29 =	simm.s32 $0xBE00;
	s30 =	simm.s32 $0x1;
	[dreg:$0x9] =	wrdreg s22  }
0xf: {  	s31 =	simm.s32 $0x0;
	s0 =	ssub.s32 $0x2, s0;
	[dreg:$0xa] =	wrdreg s23  }
0x10: {  	s6 =	sshrl.u32 s0, $0x1;
	s1 =	sshrl.u32 s1, $0x3;
	[dreg:$0xb] =	wrdreg s24  }
0x11: {  	s0 =	ssub.s32 s0, s6;
	s3 =	smul.u32 $0x180, s1;
	[dreg:$0xc] =	wrdreg s25  }
0x12: {  	s1 =	sadd.s32 s1, s5;
	s0 =	smax.u32 s0, $0x1;
	[dreg:$0xd] =	wrdreg s26  }
0x13: {  	s17 =	simm.s32 $0x7A00;
	s18 =	simm.s32 $0x8200;
	s19 =	simm.s32 $0x8600  }
0x14: {  	s20 =	simm.s32 $0x8E00;
	s21 =	simm.s32 $0x9200;
	s22 =	simm.s32 $0x9A00  }
0x15: {  	s23 =	simm.s32 $0x9E00;
	s24 =	simm.s32 $0xA600;
	s25 =	simm.s32 $0xAA00  }
0x16: {  	v2 =	vlaneseq.u32;
	s1 =	sadd.s32 $0xA600, s1;
	[dreg:$0xf] =	wrdreg s0;
	s3 =	sadd.s32 s3, s5  }
0x17: {  	vm0 =	vmmov $0xffff;
	vm1 =	vmmov $0xff;
	v1 =	vshrl.u32 v2, $0x3;
	s26 =	simm.s32 $0xB200;
	[dreg:$0xe] =	wrdreg s1;
	s3 =	sadd.s32 $0x20CE00, s3  }
0x18: {  	v0 =	vand.u32 $0x7, v2;
	v2 =	vor.u32 $0x8, v2;
	v1 =	vmul.u32 $0x8, v1;
	[dreg:$0x2] =	wrdreg s3;
	s3 =	sadd.s32 $0x2CE00, s5;
	s5 =	sadd.s32 $0x2CF00, s5  }
.LBB2_1:
0x19: {  	s0 =	rddreg [dreg:$0xe]  }
0x1a: {  	[tilespmem:s2], [sflag:$0x2] =	stream.linear.gather [hbm4b:s0+s2], $0x200, $0x38;
	[tilespmem:$0xC200] =	vst v63  }
0x1b: {  	_ =	swait.ge [sflag:s7], $0x200  }
0x1c: {  	[sflag:s7] =	ssyncset.done $0x0  }
0x1d: {  	s1 =	simm.s32 $0x40;
	s0 =	simm.s32 $0x0;
	[sflag:s7] =	ssyncadd.s32 $0xFFFFFE00  }
.LBB2_2:
0x1e: {  	v3 =	vld [tilespmem:s1+$0xFFFFFFC0];
	_ =	sdelay $0x4  }
0x1f: {  	v4 =	vshrl.u32 v3, $0x3  }
0x20: {  	v4 =	vmul.u32 $0x18, v4  }
0x21: {  	v3 =	vand.u32 $0x7, v3  }
0x22: {  	v3 =	vor.u32 v3, v4  }
0x23: {  	v4 =	vperm.xlane v3, v0;
	_ =	sdelay $0x1  }
0x24: {  	v4 =	vadd.s32 v1, v4;
	_ =	sdelay $0x1  }
0x25: {  	v3 =	vperm.xlane v3, v2;
	_ =	sdelay $0x1  }
0x26: {  	v3 =	vadd.s32 v1, v3  }
0x27: {  	[tilespmem:s8], [sflag:$0x1] =	stream.indirect_vreg.gather [hbm4b:s3+s2], $0x80, v4, vm0, $0xb8;
	[tilespmem:$0xC200] =	vst v63  }
0x28: {  	s4 =	rddreg [dreg:$0x3]  }
0x29: {  	[tilespmem:s4], [sflag:$0x1] =	stream.indirect_vreg.gather [hbm4b:s5+s2], $0x80, v4, vm1, $0xb8;
	[tilespmem:$0xC200] =	vst v63  }
0x2a: {  	s6 =	rddreg [dreg:$0x4]  }
0x2b: {  	[tilespmem:s6], [sflag:$0x1] =	stream.indirect_vreg.gather [hbm4b:s3+s2], $0x80, v3, vm0, $0xb8;
	[tilespmem:$0xC200] =	vst v63  }
0x2c: {  	s4 =	rddreg [dreg:$0x5]  }
0x2d: {  	[tilespmem:s4], [sflag:$0x1] =	stream.indirect_vreg.gather [hbm4b:s5+s2], $0x80, v3, vm1, $0xb8;
	[tilespmem:$0xC200] =	vst v63  }
0x2e: {  	v3 =	vld [tilespmem:s1+$0xFFFFFFD0];
	_ =	sdelay $0x4  }
0x2f: {  	v57 =	vshrl.u32 v3, $0x3  }
0x30: {  	v4 =	vmul.u32 $0x18, v57  }
0x31: {  	v3 =	vand.u32 $0x7, v3  }
0x32: {  	v3 =	vor.u32 v3, v4  }
0x33: {  	v4 =	vperm.xlane v3, v0;
	_ =	sdelay $0x1  }
0x34: {  	v4 =	vadd.s32 v1, v4;
	_ =	sdelay $0x1  }
0x35: {  	v3 =	vperm.xlane v3, v2;
	_ =	sdelay $0x1  }
0x36: {  	s4 =	rddreg [dreg:$0x6];
	v3 =	vadd.s32 v1, v3  }
0x37: {  	[tilespmem:s4], [sflag:$0x1] =	stream.indirect_vreg.gather [hbm4b:s3+s2], $0x80, v4, vm0, $0xb8;
	[tilespmem:$0xC200] =	vst v63  }
0x38: {  	s6 =	rddreg [dreg:$0x7]  }
0x39: {  	[tilespmem:s6], [sflag:$0x1] =	stream.indirect_vreg.gather [hbm4b:s5+s2], $0x80, v4, vm1, $0xb8;
	[tilespmem:$0xC200] =	vst v63  }
0x3a: {  	s4 =	rddreg [dreg:$0x8]  }
0x3b: {  	[tilespmem:s4], [sflag:$0x1] =	stream.indirect_vreg.gather [hbm4b:s3+s2], $0x80, v3, vm0, $0xb8;
	[tilespmem:$0xC200] =	vst v63  }
0x3c: {  	s6 =	rddreg [dreg:$0x9]  }
0x3d: {  	[tilespmem:s6], [sflag:$0x1] =	stream.indirect_vreg.gather [hbm4b:s5+s2], $0x80, v3, vm1, $0xb8;
	[tilespmem:$0xC200] =	vst v63  }
0x3e: {  	v3 =	vld [tilespmem:s1+$0xFFFFFFE0];
	_ =	sdelay $0x4  }
0x3f: {  	v58 =	vshrl.u32 v3, $0x3  }
0x40: {  	v4 =	vmul.u32 $0x18, v58  }
0x41: {  	v3 =	vand.u32 $0x7, v3  }
0x42: {  	v3 =	vor.u32 v3, v4  }
0x43: {  	v4 =	vperm.xlane v3, v0;
	_ =	sdelay $0x1  }
0x44: {  	v4 =	vadd.s32 v1, v4;
	_ =	sdelay $0x1  }
0x45: {  	v3 =	vperm.xlane v3, v2;
	_ =	sdelay $0x1  }
0x46: {  	s4 =	rddreg [dreg:$0xa];
	v3 =	vadd.s32 v1, v3  }
0x47: {  	[tilespmem:s4], [sflag:$0x1] =	stream.indirect_vreg.gather [hbm4b:s3+s2], $0x80, v4, vm0, $0xb8;
	[tilespmem:$0xC200] =	vst v63  }
0x48: {  	s6 =	rddreg [dreg:$0xb]  }
0x49: {  	[tilespmem:s6], [sflag:$0x1] =	stream.indirect_vreg.gather [hbm4b:s5+s2], $0x80, v4, vm1, $0xb8;
	[tilespmem:$0xC200] =	vst v63  }
0x4a: {  	s4 =	rddreg [dreg:$0xc]  }
0x4b: {  	[tilespmem:s4], [sflag:$0x1] =	stream.indirect_vreg.gather [hbm4b:s3+s2], $0x80, v3, vm0, $0xb8;
	[tilespmem:$0xC200] =	vst v63  }
0x4c: {  	s6 =	rddreg [dreg:$0xd]  }
0x4d: {  	[tilespmem:s6], [sflag:$0x1] =	stream.indirect_vreg.gather [hbm4b:s5+s2], $0x80, v3, vm1, $0xb8;
	[tilespmem:$0xC200] =	vst v63  }
0x4e: {  	v3 =	vld [tilespmem:s1+$0xFFFFFFF0];
	_ =	sdelay $0x4  }
0x4f: {  	v59 =	vshrl.u32 v3, $0x3  }
0x50: {  	v4 =	vmul.u32 $0x18, v59  }
0x51: {  	v3 =	vand.u32 $0x7, v3  }
0x52: {  	v3 =	vor.u32 v3, v4  }
0x53: {  	v4 =	vperm.xlane v3, v0;
	_ =	sdelay $0x1  }
0x54: {  	v4 =	vadd.s32 v1, v4;
	_ =	sdelay $0x1  }
0x55: {  	v3 =	vperm.xlane v3, v2;
	_ =	sdelay $0x1  }
0x56: {  	v3 =	vadd.s32 v1, v3  }
0x57: {  	[tilespmem:s9], [sflag:$0x1] =	stream.indirect_vreg.gather [hbm4b:s3+s2], $0x80, v4, vm0, $0xb8;
	[tilespmem:$0xC200] =	vst v63  }
0x58: {  	_ = 	snop  }
0x59: {  	[tilespmem:s10], [sflag:$0x1] =	stream.indirect_vreg.gather [hbm4b:s5+s2], $0x80, v4, vm1, $0xb8;
	[tilespmem:$0xC200] =	vst v63  }
0x5a: {  	_ = 	snop  }
0x5b: {  	[tilespmem:s11], [sflag:$0x1] =	stream.indirect_vreg.gather [hbm4b:s3+s2], $0x80, v3, vm0, $0xb8;
	[tilespmem:$0xC200] =	vst v63  }
0x5c: {  	_ = 	snop  }
0x5d: {  	[tilespmem:s12], [sflag:$0x1] =	stream.indirect_vreg.gather [hbm4b:s5+s2], $0x80, v3, vm1, $0xb8;
	[tilespmem:$0xC200] =	vst v63  }
0x5e: {  	v3 =	vld [tilespmem:s1+$0x0];
	_ =	sdelay $0x4  }
0x5f: {  	v60 =	vshrl.u32 v3, $0x3  }
0x60: {  	v4 =	vmul.u32 $0x18, v60  }
0x61: {  	v3 =	vand.u32 $0x7, v3  }
0x62: {  	v3 =	vor.u32 v3, v4  }
0x63: {  	v4 =	vperm.xlane v3, v0;
	_ =	sdelay $0x1  }
0x64: {  	v4 =	vadd.s32 v1, v4;
	_ =	sdelay $0x1  }
0x65: {  	v3 =	vperm.xlane v3, v2;
	_ =	sdelay $0x1  }
0x66: {  	v3 =	vadd.s32 v1, v3  }
0x67: {  	[tilespmem:s13], [sflag:$0x1] =	stream.indirect_vreg.gather [hbm4b:s3+s2], $0x80, v4, vm0, $0xb8;
	[tilespmem:$0xC200] =	vst v63  }
0x68: {  	_ = 	snop  }
0x69: {  	[tilespmem:s14], [sflag:$0x1] =	stream.indirect_vreg.gather [hbm4b:s5+s2], $0x80, v4, vm1, $0xb8;
	[tilespmem:$0xC200] =	vst v63  }
0x6a: {  	_ = 	snop  }
0x6b: {  	[tilespmem:s15], [sflag:$0x1] =	stream.indirect_vreg.gather [hbm4b:s3+s2], $0x80, v3, vm0, $0xb8;
	[tilespmem:$0xC200] =	vst v63  }
0x6c: {  	_ = 	snop  }
0x6d: {  	[tilespmem:s16], [sflag:$0x1] =	stream.indirect_vreg.gather [hbm4b:s5+s2], $0x80, v3, vm1, $0xb8;
	[tilespmem:$0xC200] =	vst v63  }
0x6e: {  	v3 =	vld [tilespmem:s1+$0x10];
	_ =	sdelay $0x4  }
0x6f: {  	v61 =	vshrl.u32 v3, $0x3  }
0x70: {  	v4 =	vmul.u32 $0x18, v61  }
0x71: {  	v3 =	vand.u32 $0x7, v3  }
0x72: {  	v3 =	vor.u32 v3, v4  }
0x73: {  	v4 =	vperm.xlane v3, v0;
	_ =	sdelay $0x1  }
0x74: {  	v4 =	vadd.s32 v1, v4;
	_ =	sdelay $0x1  }
0x75: {  	v3 =	vperm.xlane v3, v2;
	_ =	sdelay $0x1  }
0x76: {  	v3 =	vadd.s32 v1, v3  }
0x77: {  	[tilespmem:s17], [sflag:$0x1] =	stream.indirect_vreg.gather [hbm4b:s3+s2], $0x80, v4, vm0, $0xb8;
	[tilespmem:$0xC200] =	vst v63  }
0x78: {  	_ = 	snop  }
0x79: {  	[tilespmem:s18], [sflag:$0x1] =	stream.indirect_vreg.gather [hbm4b:s5+s2], $0x80, v4, vm1, $0xb8;
	[tilespmem:$0xC200] =	vst v63  }
0x7a: {  	_ = 	snop  }
0x7b: {  	[tilespmem:s19], [sflag:$0x1] =	stream.indirect_vreg.gather [hbm4b:s3+s2], $0x80, v3, vm0, $0xb8;
	[tilespmem:$0xC200] =	vst v63  }
0x7c: {  	_ = 	snop  }
0x7d: {  	[tilespmem:s20], [sflag:$0x1] =	stream.indirect_vreg.gather [hbm4b:s5+s2], $0x80, v3, vm1, $0xb8;
	[tilespmem:$0xC200] =	vst v63  }
0x7e: {  	v3 =	vld [tilespmem:s1+$0x20];
	_ =	sdelay $0x4  }
0x7f: {  	v62 =	vshrl.u32 v3, $0x3  }
0x80: {  	v4 =	vmul.u32 $0x18, v62  }
0x81: {  	v3 =	vand.u32 $0x7, v3  }
0x82: {  	v3 =	vor.u32 v3, v4  }
0x83: {  	v4 =	vperm.xlane v3, v0;
	_ =	sdelay $0x1  }
0x84: {  	v4 =	vadd.s32 v1, v4;
	_ =	sdelay $0x1  }
0x85: {  	v3 =	vperm.xlane v3, v2;
	_ =	sdelay $0x1  }
0x86: {  	v3 =	vadd.s32 v1, v3  }
0x87: {  	[tilespmem:s21], [sflag:$0x1] =	stream.indirect_vreg.gather [hbm4b:s3+s2], $0x80, v4, vm0, $0xb8;
	[tilespmem:$0xC200] =	vst v63  }
0x88: {  	_ = 	snop  }
0x89: {  	[tilespmem:s22], [sflag:$0x1] =	stream.indirect_vreg.gather [hbm4b:s5+s2], $0x80, v4, vm1, $0xb8;
	[tilespmem:$0xC200] =	vst v63  }
0x8a: {  	_ = 	snop  }
0x8b: {  	[tilespmem:s23], [sflag:$0x1] =	stream.indirect_vreg.gather [hbm4b:s3+s2], $0x80, v3, vm0, $0xb8;
	[tilespmem:$0xC200] =	vst v63  }
0x8c: {  	_ = 	snop  }
0x8d: {  	[tilespmem:s24], [sflag:$0x1] =	stream.indirect_vreg.gather [hbm4b:s5+s2], $0x80, v3, vm1, $0xb8;
	[tilespmem:$0xC200] =	vst v63  }
0x8e: {  	v3 =	vld [tilespmem:s1+$0x30];
	_ =	sdelay $0x4  }
0x8f: {  	v63 =	vshrl.u32 v3, $0x3  }
0x90: {  	v4 =	vmul.u32 $0x18, v63  }
0x91: {  	v3 =	vand.u32 $0x7, v3  }
0x92: {  	v3 =	vor.u32 v3, v4  }
0x93: {  	v4 =	vperm.xlane v3, v0;
	_ =	sdelay $0x1  }
0x94: {  	v4 =	vadd.s32 v1, v4;
	_ =	sdelay $0x1  }
0x95: {  	v3 =	vperm.xlane v3, v2;
	_ =	sdelay $0x1  }
0x96: {  	v3 =	vadd.s32 v1, v3  }
0x97: {  	[tilespmem:s25], [sflag:$0x1] =	stream.indirect_vreg.gather [hbm4b:s3+s2], $0x80, v4, vm0, $0xb8;
	[tilespmem:$0xC200] =	vst v63  }
0x98: {  	_ = 	snop  }
0x99: {  	[tilespmem:s26], [sflag:$0x1] =	stream.indirect_vreg.gather [hbm4b:s5+s2], $0x80, v4, vm1, $0xb8;
	[tilespmem:$0xC200] =	vst v63  }
0x9a: {  	_ = 	snop  }
0x9b: {  	[tilespmem:s28], [sflag:$0x1] =	stream.indirect_vreg.gather [hbm4b:s3+s2], $0x80, v3, vm0, $0xb8;
	[tilespmem:$0xC200] =	vst v63  }
0x9c: {  	_ = 	snop  }
0x9d: {  	[tilespmem:s29], [sflag:$0x1] =	stream.indirect_vreg.gather [hbm4b:s5+s2], $0x80, v3, vm1, $0xb8;
	[tilespmem:$0xC200] =	vst v63  }
0x9e: {  	_ =	swait.ge [sflag:s30], $0xC000  }
0x9f: {  	p0 =	sne.s32 s0, $0x4800;
	s6 =	rddreg [dreg:$0x2];
	[sflag:s30] =	ssyncset.done $0x0  }
.Ltmp0:
0xa0: {  	[sflag:s30] =	ssyncadd.s32 $0xFFFF4000;
	s4 =	sadd.s32 s0, s6;
	(pc) =	sbr.rel @p0 .LBB2_2-.Ltmp0, $4  }
0xa1: {  	[hbm4b:s4+s2] =	stream.linear.scatter [tilespmem:s8], [sflag:$0x2], $0xC000, $0x38;
	[tilespmem:$0xC200] =	vst v63  }
0xa2: {  	_ =	swait.ge [sflag:s7], $0xC000  }
0xa3: {  	[sflag:s7] =	ssyncset.done $0x0  }
0xa4: {  	s1 =	sadd.s32 $0x80, s1;
	s0 =	sadd.s32 $0x1800, s0;
	[sflag:s7] =	ssyncadd.s32 $0xFFFF4000  }
0xa5: {  	s31 =	sadd.s32 $0x1, s31;
	s0 =	rddreg [dreg:$0xf]  }
0xa6: {  	p0 =	sne.s32 s31, s0  }
.Ltmp1:
0xa7: {  	_ = 	snop;
	(pc) =	sbr.rel @p0 .LBB2_1-.Ltmp1, $1  }
0xa8: {  	_ =	sdelay $0x3  }
0xa9: {  	_ =	sfence.sel $0x180000  }
0xaa: {  	[bflag:$0x0] =	sbarrier.arrive $0xFFFF  }
0xab: {  	_ =	strace $0x9000004D  }
0xac: {  	s0 =	stileid.u32;
	[bflag:$0x2] =	sbarrier.arrive $0xFFFF  }
0xad: {  	p0 =	sne.s32 s0, $0x0;
	s0 =	rddreg [dreg:$0x1]  }
0xae: {  	s0 =	sadd.s32 @!p0 $0x100000, s0  }
0xaf: {  	[sflag:s0] =	ssyncadd.tile.s32 @!p0 $0x1;
	_ =	shalt  }
.Lfunc_end2:
_tile_overlayer_lowered:
.L_overlay_start_2:
0xb0: {  	(tag) =	ssettag $0x2  }
0xb1: {  	s0 =	rddreg [dreg:$0x0];
	s2 =	stileid.u32  }
0xb2: {  	s1 =	rddreg [dreg:$0x1];
	p0 =	sne.s32 s2, $0x0  }
0xb3: {  	s3 =	rddreg [dreg:$0x2];
	[bflag:$0x3] =	sbarrier.arrive $0xFFFF;
	s2 =	simm.s32 @!p0 $0x1C02  }
0xb4: {  	[timem:s3], [sflag:s2] =	dma.local @!p0 [hbm:s0], s1  }
0xb5: {  	s0 =	simm.s32 @!p0 $0x2  }
0xb6: {  	_ =	swait.ge @!p0 [sflag:s0], s1  }
0xb7: {  	s1 =	ssub.s32 @!p0 $0x0, s1;
	[sflag:s0] =	ssyncset.done @!p0 $0x0  }
0xb8: {  	[sflag:s0] =	ssyncadd.s32 @!p0 s1  }
0xb9: {  	[bflag:$0x3] =	sbarrier.arrive $0xFFFF  }
0xba: {  	_ =	shalt  }

// kernel: kernel.34.cloned.1.call-start
scs
__scs_entry_jumppad:
0x0: {  	(pc) =	sbr.rel $0x88, $3  }
0x1: {  	(tag) =	ssettag $0x0;
	lr =	simm.s32 $0x1  }
0x2: {  	[smem:$0x3F92] =	sst lr;
	_ =	strace $0xD0000000  }
0x3: {  	_ = 	snop  }
0x4: {  	_ = 	snop  }
0x5: {  	_ = 	snop  }
0x6: {  	_ = 	snop  }
0x7: {  	_ = 	snop  }
__scs_overlays_trampoline_lowered:
0x8: {  	[smem:$0x3FA1] =	sst s0  }
0x9: {  	[smem:$0x3FA2] =	sst s1  }
0xa: {  	[smem:$0x3FA3] =	sst s2  }
0xb: {  	[smem:$0x3FA4] =	sst s3  }
0xc: {  	[smem:$0x3FA5] =	sst s4  }
0xd: {  	[smem:$0x3FA6] =	sst s5  }
0xe: {  	[smem:$0x3FA7] =	sst s6  }
0xf: {  	[smem:$0x3FA8] =	sst s7  }
0x10: {  	[smem:$0x3FA9] =	sst s8  }
0x11: {  	[smem:$0x3FAA] =	sst s9;
	s0 =	simm.s32 @!p0 $0x0  }
0x12: {  	s1 =	sld [smem:$0x3F90];
	s0 =	simm.s32 @p0 $0x1  }
0x13: {  	[smem:$0x3FAB] =	sst s0;
	s0 =	simm.s32 @!p1 $0x0  }
0x14: {  	s2 =	sld [smem:$0x3F8F];
	s0 =	simm.s32 @p1 $0x1  }
0x15: {  	[smem:$0x3FAC] =	sst s0;
	s0 =	simm.s32 @!p2 $0x0  }
0x16: {  	s3 =	sld [smem:$0x3FDB];
	s0 =	simm.s32 @p2 $0x1  }
0x17: {  	s4 =	simm.s32 $0x1BF5;
	[smem:$0x3FAE] =	sst s0  }
0x18: {  	s0 =	sld [smem:$0x3F91];
	_ =	swait.ge [sflag:s4], $0x0  }
0x19: {  	s7 =	sld [smem:$0x3F92]  }
0x1a: {  	s8 =	sadd.s32 $0xFFFFE003, lr  }
0x1b: {  	s9 =	sadd.s32 $0xFFFFFEF7, lr;
	s5 =	simm.s32 $0xFFFFFFFF;
	p2 =	slt.u32 s8, $0xFFFFF086  }
0x1c: {  	p1 =	slt.u32 s9, $0xF7A;
	s5 =	simm.s32 @!p2 $0x0  }
0x1d: {  	s5 =	simm.s32 @p1 $0x1;
	p0 =	seq.s32 s7, s2  }
0x1e: {  	s7 =	smul.u32 @!p0 $0xF7A, s2;
	p2 =	seq.s32 @!p0 s5, $0x0  }
0x1f: {  	s9 =	smul.u32 $0xF7A, s1;
	s8 =	simm.s32 @!p0 $0x1BF5;
	p2 =	por !p2, p0  }
0x20: {  	[sflag:s8] =	ssyncset.s32 @!p0 $0xFFFFF086;
	s6 =	sadd.s32 @!p0 s3, s7;
	s7 =	simm.s32 @!p0 $0x108  }
0x21: {  	s3 =	sadd.s32 s3, s9;
	s6 =	sadd.s32 @!p0 $0x88, s6;
	s7 =	simm.s32 @p2 $0x1082  }
0x22: {  	[simem:s7], [sflag:s8] =	dma.local @!p0 [hbm:s6], $0xF7A  }
0x23: {  	s9 =	sor.u32 $0xD0000000, s2;
	s6 =	simm.s32 $0x108;
	_ =	swait.ge @!p0 [sflag:s8], $0x0  }
0x24: {  	s3 =	sadd.s32 $0x88, s3;
	s6 =	simm.s32 @!p1 $0x1082;
	[sflag:s4] =	ssyncset.s32 $0xFFFFF086  }
0x25: {  	[simem:s6], [sflag:s4] =	dma.local [hbm:s3], $0xF7A  }
0x26: {  	[smem:$0x3F92] =	sst s1;
	(tag) =	ssettag s2;
	_ =	strace s9  }
0x27: {  	s1 =	sld [smem:$0x3FA2]  }
0x28: {  	s2 =	sld [smem:$0x3FA3]  }
0x29: {  	s4 =	sld [smem:$0x3FA5]  }
0x2a: {  	p0 =	seq.s32 s5, $0x0;
	s5 =	sld [smem:$0x3FA6]  }
0x2b: {  	s6 =	sld [smem:$0x3FA7]  }
0x2c: {  	s7 =	sld [smem:$0x3FA8]  }
0x2d: {  	s3 =	simm.s32 $0x108;
	s8 =	sld [smem:$0x3FA9]  }
0x2e: {  	s3 =	simm.s32 @!p0 $0x1082;
	s9 =	sld [smem:$0x3FAA]  }
0x2f: {  	lr =	sadd.s32 s0, s3;
	s0 =	sld [smem:$0x3FA1]  }
0x30: {  	s3 =	sld [smem:$0x3FA4]  }
0x31: {  	[smem:$0x3FAD] =	sst s10  }
0x32: {  	s10 =	sld [smem:$0x3FAB];
	_ =	sdelay $0x3  }
0x33: {  	p0 =	seq.s32 s10, $0x1;
	s10 =	sld [smem:$0x3FAD];
	_ =	sdelay $0x3  }
0x34: {  	[smem:$0x3FAD] =	sst s10  }
0x35: {  	s10 =	sld [smem:$0x3FAC];
	_ =	sdelay $0x3  }
0x36: {  	p1 =	seq.s32 s10, $0x1;
	s10 =	sld [smem:$0x3FAD];
	_ =	sdelay $0x3  }
0x37: {  	[smem:$0x3FAD] =	sst s10  }
0x38: {  	s10 =	sld [smem:$0x3FAE]  }
0x39: {  	_ = 	snop;
	(pc) =	sbr.ind lr, $3  }
0x3a: {  	_ = 	snop  }
0x3b: {  	_ = 	snop  }
0x3c: {  	p2 =	seq.s32 s10, $0x1;
	s10 =	sld [smem:$0x3FAD]  }
0x3d: {  	_ =	shalt  }
0x3e: {  	_ =	shalt  }
0x3f: {  	_ =	shalt  }
0x40: {  	_ =	shalt  }
0x41: {  	_ =	shalt  }
0x42: {  	_ =	shalt  }
0x43: {  	_ =	shalt  }
0x44: {  	_ =	shalt  }
0x45: {  	_ =	shalt  }
0x46: {  	_ =	shalt  }
0x47: {  	_ =	shalt  }
0x48: {  	_ =	shalt  }
0x49: {  	_ =	shalt  }
0x4a: {  	_ =	shalt  }
0x4b: {  	_ =	shalt  }
0x4c: {  	_ =	shalt  }
0x4d: {  	_ =	shalt  }
0x4e: {  	_ =	shalt  }
0x4f: {  	_ =	shalt  }
0x50: {  	_ =	shalt  }
0x51: {  	_ =	shalt  }
0x52: {  	_ =	shalt  }
0x53: {  	_ =	shalt  }
0x54: {  	_ =	shalt  }
0x55: {  	_ =	shalt  }
0x56: {  	_ =	shalt  }
0x57: {  	_ =	shalt  }
0x58: {  	_ =	shalt  }
0x59: {  	_ =	shalt  }
0x5a: {  	_ =	shalt  }
0x5b: {  	_ =	shalt  }
0x5c: {  	_ =	shalt  }
0x5d: {  	_ =	shalt  }
0x5e: {  	_ =	shalt  }
0x5f: {  	_ =	shalt  }
0x60: {  	_ =	shalt  }
0x61: {  	_ =	shalt  }
0x62: {  	_ =	shalt  }
0x63: {  	_ =	shalt  }
0x64: {  	_ =	shalt  }
0x65: {  	_ =	shalt  }
0x66: {  	_ =	shalt  }
0x67: {  	_ =	shalt  }
0x68: {  	_ =	shalt  }
0x69: {  	_ =	shalt  }
0x6a: {  	_ =	shalt  }
0x6b: {  	_ =	shalt  }
0x6c: {  	_ =	shalt  }
0x6d: {  	_ =	shalt  }
0x6e: {  	_ =	shalt  }
0x6f: {  	_ =	shalt  }
0x70: {  	_ =	shalt  }
0x71: {  	_ =	shalt  }
0x72: {  	_ =	shalt  }
0x73: {  	_ =	shalt  }
0x74: {  	_ =	shalt  }
0x75: {  	_ =	shalt  }
0x76: {  	_ =	shalt  }
0x77: {  	_ =	shalt  }
0x78: {  	_ =	shalt  }
0x79: {  	_ =	shalt  }
0x7a: {  	_ =	shalt  }
0x7b: {  	_ =	shalt  }
0x7c: {  	_ =	shalt  }
0x7d: {  	_ =	shalt  }
0x7e: {  	_ =	shalt  }
0x7f: {  	_ =	shalt  }
0x80: {  	_ =	shalt  }
0x81: {  	_ =	shalt  }
0x82: {  	_ =	shalt  }
0x83: {  	_ =	shalt  }
0x84: {  	_ =	shalt  }
0x85: {  	_ =	shalt  }
0x86: {  	_ =	shalt  }
0x87: {  	_ =	shalt  }
.Lfunc_end0:
.L_simem_size_0:
called_computation.5_lowered:
.L_overlay_start_0:
0x88: {  	s2 =	sld [smem:$0x3FD9]  }
0x89: {  	s3 =	sld [smem:$0x3FFE];
	_ =	sdelay $0x1  }
0x8a: {  	s1 =	srdreg.scid  }
0x8b: {  	s0 =	sand.u32 $0x1, s1  }
0x8c: {  	s17 =	sshll.u32 s0, $0xA;
	s2 =	sadd.s32 s3, s2  }
0x8d: {  	s2 =	sadd.s32 s2, s17  }
0x8e: {  	[smem:$0x3FB9] =	sst s2  }
0x8f: {  	_ = 	snop  }
0x90: {  	(tm) =	ssettm $0x1  }
0x91: {  	s18 =	sld [smem:$0x3FFB];
	_ =	sdelay $0x3  }
0x92: {  	_ =	strace s18  }
0x93: {  	s2 =	sld [smem:$0x3FFC];
	_ =	sdelay $0x3  }
0x94: {  	_ =	strace s2  }
0x95: {  	s2 =	sld [smem:$0x3FFD];
	_ =	sdelay $0x3  }
0x96: {  	_ =	strace s2  }
0x97: {  	_ =	strace $0x8FFFFFFF  }
0x98: {  	s19 =	sld [smem:$0x3FDB];
	_ =	sdelay $0x1  }
0x99: {  	s20 =	simm.s32 $_scs_section_size  }
0x9a: {  	s4 =	simm.s32 $_size__tile_overlayer_lowered;
	s5 =	simm.s32 $_tile_overlayer_lowered  }
0x9b: {  	s6 =	simm.s32 $0x1BFF;
	s21 =	sshll.u32 s5, $0x1;
	s3 =	sadd.s32 s20, s19  }
0x9c: {  	s22 =	simm.s32 $0x0;
	s4 =	sshll.u32 s4, $0x1;
	s5 =	sadd.s32 s21, s3  }
0x9d: {  	[timem:s22], [sflag:s6] =	dma.local [hbm:s5], s4  }
0x9e: {  	_ =	swait.ge [sflag:s6], s4  }
0x9f: {  	s4 =	ssub.s32 $0x0, s4;
	[sflag:s6] =	ssyncset.done $0x0  }
0xa0: {  	[sflag:s6] =	ssyncadd.s32 s4;
	_ =	sdelay $0x1  }
0xa1: {  	s23 =	simm.s32 $0x1B8B  }
0xa2: {  	_ =	swait.ge [sflag:s23], $0x1  }
0xa3: {  	[sflag:s23] =	ssyncset.done $0x0  }
0xa4: {  	[sflag:s23] =	ssyncadd.s32 $0xFFFFFFFF  }
0xa5: {  	s4 =	sld [smem:$0x0]  }
0xa6: {  	s5 =	sand.u32 $0xFFFFFFFE, s1  }
0xa7: {  	p0 =	sne.s32 s1, s5  }
0xa8: {  	s5 =	sshll.u32 @p0 s5, $0xE  }
0xa9: {  	s5 =	sadd.s32 @p0 $0x11B8D, s5;
	s6 =	sshll.u32 @p0 s4, $0x11  }
0xaa: {  	s5 =	sor.u32 @p0 s6, s5  }
0xab: {  	[sflag:s5] =	ssyncadd.remote.s32 @p0 $0x1;
	_ =	sdelay $0x1  }
0xac: {  	s5 =	simm.s32 @p0 $0x1B8D  }
0xad: {  	_ =	swait.eq @p0 [sflag:s5], $0x1  }
0xae: {  	[sflag:s5] =	ssyncadd.s32 @p0 $0xFFFFFFFF  }
0xaf: {  	s6 =	sshll.u32 @!p0 s1, $0xE  }
0xb0: {  	s6 =	sor.u32 @!p0 $0x4000, s6;
	s5 =	simm.s32 @!p0 $0x1B8D  }
0xb1: {  	s4 =	sshll.u32 @!p0 s4, $0x11;
	s6 =	sadd.s32 @!p0 $0x11B8D, s6;
	_ =	swait.eq @!p0 [sflag:s5], $0x1  }
0xb2: {  	s4 =	sor.u32 @!p0 s4, s6;
	[sflag:s5] =	ssyncadd.s32 @!p0 $0xFFFFFFFF  }
0xb3: {  	s25 =	simm.s32 $0x1B8E;
	s24 =	sld [smem:$0x3FFE];
	[sflag:s4] =	ssyncadd.remote.s32 @!p0 $0x1  }
0xb4: {  	s26 =	simm.s32 $execute0_lowered;
	[smem:$0x3FD2] =	sst s25  }
0xb5: {  	s5 =	sshll.u32 s26, $0x1;
	_ =	strace $0x80000049;
	[dreg:$0x1] =	wrdreg $0xFFFFFFFF  }
0xb6: {  	s28 =	simm.s32 $_size_execute0_lowered;
	s3 =	sadd.s32 s3, s5;
	[dreg:$0x0] =	wrdreg $0x0  }
0xb7: {  	s5 =	sshll.u32 s28, $0x1;
	[dreg:$0x2] =	wrdreg s3  }
0xb8: {  	[dreg:$0x3] =	wrdreg s5  }
0xb9: {  	[dreg:$0x4] =	wrdreg $0xC0  }
0xba: {  	_ =	task [dreg:s22], $0x5FFFF  }
0xbb: {  	[dreg:$0x1] =	wrdreg $0xFFFFFFFF  }
0xbc: {  	[dreg:$0x0] =	wrdreg $0x60  }
0xbd: {  	[dreg:$0x2] =	wrdreg s24  }
0xbe: {  	[dreg:$0x3] =	wrdreg $0xE  }
0xbf: {  	_ =	task.clear_ibuf [dreg:s22], $0x4FFFF;
	_ =	strace $0x90000049  }
0xc0: {  	s29 =	simm.s32 $0xE;
	_ =	strace $0x8000004B  }
0xc1: {  	_ =	swait.ge [sflag:s29], $0x1  }
0xc2: {  	[sflag:s29] =	ssyncadd.s32 $0xFFFFFFFF  }
0xc3: {  	_ =	strace $0x9000004B  }
0xc4: {  	_ =	sfence  }
0xc5: {  	s30 =	sld [smem:$0x0];
	_ =	sdelay $0x2  }
0xc6: {  	s31 =	sshll.u32 s1, $0xD;
	s1 =	sshrl.u32 s1, $0x2  }
0xc7: {  	s4 =	sand.u32 $0x4000, s31;
	s1 =	sadd.s32 s1, s30  }
0xc8: {  	s0 =	sor.u32 s4, s0;
	s1 =	sshll.u32 s1, $0x11  }
0xc9: {  	s0 =	sor.u32 s1, s0  }
0xca: {  	s0 =	sadd.s32 $0x8F2B, s0  }
0xcb: {  	[sflag:s0] =	ssyncadd.remote.s32 $0x1  }
0xcc: {  	_ =	sfence.sel $0xFFFF  }
0xcd: {  	[dreg:$0x0] =	wrdreg $0xFFFFFFFF;
	(pc) =	sbr.abs _section_cstart, $3  }
0xce: {  	[dreg:$0x1] =	wrdreg $0xFFFFFFFF  }
0xcf: {  	_ =	task.clear_ibuf [dreg:s22], $0x2FFFF;
	_ =	strace $0x9FFFFFFF  }
0xd0: {  	(tm) =	ssettm $0x7FFFFFFF  }
0xd1: {  	_ =	shalt  }
tec
execute0_lowered:
.L_overlay_start_1:
0x0: {  	(tag) =	ssettag $0x1  }
0x1: {  	s0 =	srdreg.scid;
	s1 =	stileid.u32  }
0x2: {  	s5 =	rddreg [dreg:$0x0];
	s17 =	simm.s32 $0xA00;
	s4 =	simm.s32 $0xE00  }
0x3: {  	s18 =	simm.s32 $0x1600;
	s19 =	simm.s32 $0x1A00;
	s20 =	simm.s32 $0x2200  }
0x4: {  	s21 =	simm.s32 $0x2600;
	s22 =	simm.s32 $0x2E00;
	s0 =	sand.u32 $0x1, s0  }
0x5: {  	s23 =	simm.s32 $0x3200;
	s1 =	sshll.u32 s1, $0xA;
	s2 =	sshll.u32 s0, $0x9  }
0x6: {  	s24 =	simm.s32 $0x3A00;
	s1 =	sor.u32 s2, s1;
	s2 =	simm.s32 $0x0  }
0x7: {  	s25 =	simm.s32 $0x3E00;
	s7 =	simm.s32 $0x2;
	[smem:$0x7FF] =	sst s2  }
0x8: {  	s26 =	simm.s32 $0x4600;
	_ =	strace $0x8000004A;
	[dreg:$0x3] =	wrdreg s17  }
0x9: {  	s8 =	simm.s32 $0x200;
	s9 =	simm.s32 $0x4A00;
	[dreg:$0x4] =	wrdreg s4  }
0xa: {  	s10 =	simm.s32 $0x5200;
	s11 =	simm.s32 $0x5600;
	[dreg:$0x5] =	wrdreg s18  }
0xb: {  	s12 =	simm.s32 $0x5E00;
	s13 =	simm.s32 $0x6200;
	[dreg:$0x6] =	wrdreg s19  }
0xc: {  	s14 =	simm.s32 $0x6A00;
	s15 =	simm.s32 $0x6E00;
	[dreg:$0x7] =	wrdreg s20  }
0xd: {  	s16 =	simm.s32 $0x7600;
	s28 =	simm.s32 $0xB600;
	[dreg:$0x8] =	wrdreg s21  }
0xe: {  	s29 =	simm.s32 $0xBE00;
	s30 =	simm.s32 $0x1;
	[dreg:$0x9] =	wrdreg s22  }
0xf: {  	s31 =	simm.s32 $0x0;
	s0 =	ssub.s32 $0x2, s0;
	[dreg:$0xa] =	wrdreg s23  }
0x10: {  	s6 =	sshrl.u32 s0, $0x1;
	s1 =	sshrl.u32 s1, $0x3;
	[dreg:$0xb] =	wrdreg s24  }
0x11: {  	s0 =	ssub.s32 s0, s6;
	s3 =	smul.u32 $0x180, s1;
	[dreg:$0xc] =	wrdreg s25  }
0x12: {  	s1 =	sadd.s32 s1, s5;
	s0 =	smax.u32 s0, $0x1;
	[dreg:$0xd] =	wrdreg s26  }
0x13: {  	s17 =	simm.s32 $0x7A00;
	s18 =	simm.s32 $0x8200;
	s19 =	simm.s32 $0x8600  }
0x14: {  	s20 =	simm.s32 $0x8E00;
	s21 =	simm.s32 $0x9200;
	s22 =	simm.s32 $0x9A00  }
0x15: {  	s23 =	simm.s32 $0x9E00;
	s24 =	simm.s32 $0xA600;
	s25 =	simm.s32 $0xAA00  }
0x16: {  	v2 =	vlaneseq.u32;
	s1 =	sadd.s32 $0x9E00, s1;
	[dreg:$0xf] =	wrdreg s0;
	s3 =	sadd.s32 s3, s5  }
0x17: {  	vm0 =	vmmov $0xffff;
	vm1 =	vmmov $0xff;
	v1 =	vshrl.u32 v2, $0x3;
	s26 =	simm.s32 $0xB200;
	[dreg:$0xe] =	wrdreg s1;
	s3 =	sadd.s32 $0x14CE00, s3  }
0x18: {  	v0 =	vand.u32 $0x7, v2;
	v2 =	vor.u32 $0x8, v2;
	v1 =	vmul.u32 $0x8, v1;
	[dreg:$0x2] =	wrdreg s3;
	s3 =	sadd.s32 $0x2CE00, s5;
	s5 =	sadd.s32 $0x2CF00, s5  }
.LBB2_1:
0x19: {  	s0 =	rddreg [dreg:$0xe]  }
0x1a: {  	[tilespmem:s2], [sflag:$0x2] =	stream.linear.gather [hbm4b:s0+s2], $0x200, $0x38;
	[tilespmem:$0xC200] =	vst v63  }
0x1b: {  	_ =	swait.ge [sflag:s7], $0x200  }
0x1c: {  	[sflag:s7] =	ssyncset.done $0x0  }
0x1d: {  	s1 =	simm.s32 $0x40;
	s0 =	simm.s32 $0x0;
	[sflag:s7] =	ssyncadd.s32 $0xFFFFFE00  }
.LBB2_2:
0x1e: {  	v3 =	vld [tilespmem:s1+$0xFFFFFFC0];
	_ =	sdelay $0x4  }
0x1f: {  	v4 =	vshrl.u32 v3, $0x3  }
0x20: {  	v4 =	vmul.u32 $0x18, v4  }
0x21: {  	v3 =	vand.u32 $0x7, v3  }
0x22: {  	v3 =	vor.u32 v3, v4  }
0x23: {  	v4 =	vperm.xlane v3, v0;
	_ =	sdelay $0x1  }
0x24: {  	v4 =	vadd.s32 v1, v4;
	_ =	sdelay $0x1  }
0x25: {  	v3 =	vperm.xlane v3, v2;
	_ =	sdelay $0x1  }
0x26: {  	v3 =	vadd.s32 v1, v3  }
0x27: {  	[tilespmem:s8], [sflag:$0x1] =	stream.indirect_vreg.gather [hbm4b:s3+s2], $0x80, v4, vm0, $0xb8;
	[tilespmem:$0xC200] =	vst v63  }
0x28: {  	s4 =	rddreg [dreg:$0x3]  }
0x29: {  	[tilespmem:s4], [sflag:$0x1] =	stream.indirect_vreg.gather [hbm4b:s5+s2], $0x80, v4, vm1, $0xb8;
	[tilespmem:$0xC200] =	vst v63  }
0x2a: {  	s6 =	rddreg [dreg:$0x4]  }
0x2b: {  	[tilespmem:s6], [sflag:$0x1] =	stream.indirect_vreg.gather [hbm4b:s3+s2], $0x80, v3, vm0, $0xb8;
	[tilespmem:$0xC200] =	vst v63  }
0x2c: {  	s4 =	rddreg [dreg:$0x5]  }
0x2d: {  	[tilespmem:s4], [sflag:$0x1] =	stream.indirect_vreg.gather [hbm4b:s5+s2], $0x80, v3, vm1, $0xb8;
	[tilespmem:$0xC200] =	vst v63  }
0x2e: {  	v3 =	vld [tilespmem:s1+$0xFFFFFFD0];
	_ =	sdelay $0x4  }
0x2f: {  	v57 =	vshrl.u32 v3, $0x3  }
0x30: {  	v4 =	vmul.u32 $0x18, v57  }
0x31: {  	v3 =	vand.u32 $0x7, v3  }
0x32: {  	v3 =	vor.u32 v3, v4  }
0x33: {  	v4 =	vperm.xlane v3, v0;
	_ =	sdelay $0x1  }
0x34: {  	v4 =	vadd.s32 v1, v4;
	_ =	sdelay $0x1  }
0x35: {  	v3 =	vperm.xlane v3, v2;
	_ =	sdelay $0x1  }
0x36: {  	s4 =	rddreg [dreg:$0x6];
	v3 =	vadd.s32 v1, v3  }
0x37: {  	[tilespmem:s4], [sflag:$0x1] =	stream.indirect_vreg.gather [hbm4b:s3+s2], $0x80, v4, vm0, $0xb8;
	[tilespmem:$0xC200] =	vst v63  }
0x38: {  	s6 =	rddreg [dreg:$0x7]  }
0x39: {  	[tilespmem:s6], [sflag:$0x1] =	stream.indirect_vreg.gather [hbm4b:s5+s2], $0x80, v4, vm1, $0xb8;
	[tilespmem:$0xC200] =	vst v63  }
0x3a: {  	s4 =	rddreg [dreg:$0x8]  }
0x3b: {  	[tilespmem:s4], [sflag:$0x1] =	stream.indirect_vreg.gather [hbm4b:s3+s2], $0x80, v3, vm0, $0xb8;
	[tilespmem:$0xC200] =	vst v63  }
0x3c: {  	s6 =	rddreg [dreg:$0x9]  }
0x3d: {  	[tilespmem:s6], [sflag:$0x1] =	stream.indirect_vreg.gather [hbm4b:s5+s2], $0x80, v3, vm1, $0xb8;
	[tilespmem:$0xC200] =	vst v63  }
0x3e: {  	v3 =	vld [tilespmem:s1+$0xFFFFFFE0];
	_ =	sdelay $0x4  }
0x3f: {  	v58 =	vshrl.u32 v3, $0x3  }
0x40: {  	v4 =	vmul.u32 $0x18, v58  }
0x41: {  	v3 =	vand.u32 $0x7, v3  }
0x42: {  	v3 =	vor.u32 v3, v4  }
0x43: {  	v4 =	vperm.xlane v3, v0;
	_ =	sdelay $0x1  }
0x44: {  	v4 =	vadd.s32 v1, v4;
	_ =	sdelay $0x1  }
0x45: {  	v3 =	vperm.xlane v3, v2;
	_ =	sdelay $0x1  }
0x46: {  	s4 =	rddreg [dreg:$0xa];
	v3 =	vadd.s32 v1, v3  }
0x47: {  	[tilespmem:s4], [sflag:$0x1] =	stream.indirect_vreg.gather [hbm4b:s3+s2], $0x80, v4, vm0, $0xb8;
	[tilespmem:$0xC200] =	vst v63  }
0x48: {  	s6 =	rddreg [dreg:$0xb]  }
0x49: {  	[tilespmem:s6], [sflag:$0x1] =	stream.indirect_vreg.gather [hbm4b:s5+s2], $0x80, v4, vm1, $0xb8;
	[tilespmem:$0xC200] =	vst v63  }
0x4a: {  	s4 =	rddreg [dreg:$0xc]  }
0x4b: {  	[tilespmem:s4], [sflag:$0x1] =	stream.indirect_vreg.gather [hbm4b:s3+s2], $0x80, v3, vm0, $0xb8;
	[tilespmem:$0xC200] =	vst v63  }
0x4c: {  	s6 =	rddreg [dreg:$0xd]  }
0x4d: {  	[tilespmem:s6], [sflag:$0x1] =	stream.indirect_vreg.gather [hbm4b:s5+s2], $0x80, v3, vm1, $0xb8;
	[tilespmem:$0xC200] =	vst v63  }
0x4e: {  	v3 =	vld [tilespmem:s1+$0xFFFFFFF0];
	_ =	sdelay $0x4  }
0x4f: {  	v59 =	vshrl.u32 v3, $0x3  }
0x50: {  	v4 =	vmul.u32 $0x18, v59  }
0x51: {  	v3 =	vand.u32 $0x7, v3  }
0x52: {  	v3 =	vor.u32 v3, v4  }
0x53: {  	v4 =	vperm.xlane v3, v0;
	_ =	sdelay $0x1  }
0x54: {  	v4 =	vadd.s32 v1, v4;
	_ =	sdelay $0x1  }
0x55: {  	v3 =	vperm.xlane v3, v2;
	_ =	sdelay $0x1  }
0x56: {  	v3 =	vadd.s32 v1, v3  }
0x57: {  	[tilespmem:s9], [sflag:$0x1] =	stream.indirect_vreg.gather [hbm4b:s3+s2], $0x80, v4, vm0, $0xb8;
	[tilespmem:$0xC200] =	vst v63  }
0x58: {  	_ = 	snop  }
0x59: {  	[tilespmem:s10], [sflag:$0x1] =	stream.indirect_vreg.gather [hbm4b:s5+s2], $0x80, v4, vm1, $0xb8;
	[tilespmem:$0xC200] =	vst v63  }
0x5a: {  	_ = 	snop  }
0x5b: {  	[tilespmem:s11], [sflag:$0x1] =	stream.indirect_vreg.gather [hbm4b:s3+s2], $0x80, v3, vm0, $0xb8;
	[tilespmem:$0xC200] =	vst v63  }
0x5c: {  	_ = 	snop  }
0x5d: {  	[tilespmem:s12], [sflag:$0x1] =	stream.indirect_vreg.gather [hbm4b:s5+s2], $0x80, v3, vm1, $0xb8;
	[tilespmem:$0xC200] =	vst v63  }
0x5e: {  	v3 =	vld [tilespmem:s1+$0x0];
	_ =	sdelay $0x4  }
0x5f: {  	v60 =	vshrl.u32 v3, $0x3  }
0x60: {  	v4 =	vmul.u32 $0x18, v60  }
0x61: {  	v3 =	vand.u32 $0x7, v3  }
0x62: {  	v3 =	vor.u32 v3, v4  }
0x63: {  	v4 =	vperm.xlane v3, v0;
	_ =	sdelay $0x1  }
0x64: {  	v4 =	vadd.s32 v1, v4;
	_ =	sdelay $0x1  }
0x65: {  	v3 =	vperm.xlane v3, v2;
	_ =	sdelay $0x1  }
0x66: {  	v3 =	vadd.s32 v1, v3  }
0x67: {  	[tilespmem:s13], [sflag:$0x1] =	stream.indirect_vreg.gather [hbm4b:s3+s2], $0x80, v4, vm0, $0xb8;
	[tilespmem:$0xC200] =	vst v63  }
0x68: {  	_ = 	snop  }
0x69: {  	[tilespmem:s14], [sflag:$0x1] =	stream.indirect_vreg.gather [hbm4b:s5+s2], $0x80, v4, vm1, $0xb8;
	[tilespmem:$0xC200] =	vst v63  }
0x6a: {  	_ = 	snop  }
0x6b: {  	[tilespmem:s15], [sflag:$0x1] =	stream.indirect_vreg.gather [hbm4b:s3+s2], $0x80, v3, vm0, $0xb8;
	[tilespmem:$0xC200] =	vst v63  }
0x6c: {  	_ = 	snop  }
0x6d: {  	[tilespmem:s16], [sflag:$0x1] =	stream.indirect_vreg.gather [hbm4b:s5+s2], $0x80, v3, vm1, $0xb8;
	[tilespmem:$0xC200] =	vst v63  }
0x6e: {  	v3 =	vld [tilespmem:s1+$0x10];
	_ =	sdelay $0x4  }
0x6f: {  	v61 =	vshrl.u32 v3, $0x3  }
0x70: {  	v4 =	vmul.u32 $0x18, v61  }
0x71: {  	v3 =	vand.u32 $0x7, v3  }
0x72: {  	v3 =	vor.u32 v3, v4  }
0x73: {  	v4 =	vperm.xlane v3, v0;
	_ =	sdelay $0x1  }
0x74: {  	v4 =	vadd.s32 v1, v4;
	_ =	sdelay $0x1  }
0x75: {  	v3 =	vperm.xlane v3, v2;
	_ =	sdelay $0x1  }
0x76: {  	v3 =	vadd.s32 v1, v3  }
0x77: {  	[tilespmem:s17], [sflag:$0x1] =	stream.indirect_vreg.gather [hbm4b:s3+s2], $0x80, v4, vm0, $0xb8;
	[tilespmem:$0xC200] =	vst v63  }
0x78: {  	_ = 	snop  }
0x79: {  	[tilespmem:s18], [sflag:$0x1] =	stream.indirect_vreg.gather [hbm4b:s5+s2], $0x80, v4, vm1, $0xb8;
	[tilespmem:$0xC200] =	vst v63  }
0x7a: {  	_ = 	snop  }
0x7b: {  	[tilespmem:s19], [sflag:$0x1] =	stream.indirect_vreg.gather [hbm4b:s3+s2], $0x80, v3, vm0, $0xb8;
	[tilespmem:$0xC200] =	vst v63  }
0x7c: {  	_ = 	snop  }
0x7d: {  	[tilespmem:s20], [sflag:$0x1] =	stream.indirect_vreg.gather [hbm4b:s5+s2], $0x80, v3, vm1, $0xb8;
	[tilespmem:$0xC200] =	vst v63  }
0x7e: {  	v3 =	vld [tilespmem:s1+$0x20];
	_ =	sdelay $0x4  }
0x7f: {  	v62 =	vshrl.u32 v3, $0x3  }
0x80: {  	v4 =	vmul.u32 $0x18, v62  }
0x81: {  	v3 =	vand.u32 $0x7, v3  }
0x82: {  	v3 =	vor.u32 v3, v4  }
0x83: {  	v4 =	vperm.xlane v3, v0;
	_ =	sdelay $0x1  }
0x84: {  	v4 =	vadd.s32 v1, v4;
	_ =	sdelay $0x1  }
0x85: {  	v3 =	vperm.xlane v3, v2;
	_ =	sdelay $0x1  }
0x86: {  	v3 =	vadd.s32 v1, v3  }
0x87: {  	[tilespmem:s21], [sflag:$0x1] =	stream.indirect_vreg.gather [hbm4b:s3+s2], $0x80, v4, vm0, $0xb8;
	[tilespmem:$0xC200] =	vst v63  }
0x88: {  	_ = 	snop  }
0x89: {  	[tilespmem:s22], [sflag:$0x1] =	stream.indirect_vreg.gather [hbm4b:s5+s2], $0x80, v4, vm1, $0xb8;
	[tilespmem:$0xC200] =	vst v63  }
0x8a: {  	_ = 	snop  }
0x8b: {  	[tilespmem:s23], [sflag:$0x1] =	stream.indirect_vreg.gather [hbm4b:s3+s2], $0x80, v3, vm0, $0xb8;
	[tilespmem:$0xC200] =	vst v63  }
0x8c: {  	_ = 	snop  }
0x8d: {  	[tilespmem:s24], [sflag:$0x1] =	stream.indirect_vreg.gather [hbm4b:s5+s2], $0x80, v3, vm1, $0xb8;
	[tilespmem:$0xC200] =	vst v63  }
0x8e: {  	v3 =	vld [tilespmem:s1+$0x30];
	_ =	sdelay $0x4  }
0x8f: {  	v63 =	vshrl.u32 v3, $0x3  }
0x90: {  	v4 =	vmul.u32 $0x18, v63  }
0x91: {  	v3 =	vand.u32 $0x7, v3  }
0x92: {  	v3 =	vor.u32 v3, v4  }
0x93: {  	v4 =	vperm.xlane v3, v0;
	_ =	sdelay $0x1  }
0x94: {  	v4 =	vadd.s32 v1, v4;
	_ =	sdelay $0x1  }
0x95: {  	v3 =	vperm.xlane v3, v2;
	_ =	sdelay $0x1  }
0x96: {  	v3 =	vadd.s32 v1, v3  }
0x97: {  	[tilespmem:s25], [sflag:$0x1] =	stream.indirect_vreg.gather [hbm4b:s3+s2], $0x80, v4, vm0, $0xb8;
	[tilespmem:$0xC200] =	vst v63  }
0x98: {  	_ = 	snop  }
0x99: {  	[tilespmem:s26], [sflag:$0x1] =	stream.indirect_vreg.gather [hbm4b:s5+s2], $0x80, v4, vm1, $0xb8;
	[tilespmem:$0xC200] =	vst v63  }
0x9a: {  	_ = 	snop  }
0x9b: {  	[tilespmem:s28], [sflag:$0x1] =	stream.indirect_vreg.gather [hbm4b:s3+s2], $0x80, v3, vm0, $0xb8;
	[tilespmem:$0xC200] =	vst v63  }
0x9c: {  	_ = 	snop  }
0x9d: {  	[tilespmem:s29], [sflag:$0x1] =	stream.indirect_vreg.gather [hbm4b:s5+s2], $0x80, v3, vm1, $0xb8;
	[tilespmem:$0xC200] =	vst v63  }
0x9e: {  	_ =	swait.ge [sflag:s30], $0xC000  }
0x9f: {  	p0 =	sne.s32 s0, $0x4800;
	s6 =	rddreg [dreg:$0x2];
	[sflag:s30] =	ssyncset.done $0x0  }
.Ltmp0:
0xa0: {  	[sflag:s30] =	ssyncadd.s32 $0xFFFF4000;
	s4 =	sadd.s32 s0, s6;
	(pc) =	sbr.rel @p0 .LBB2_2-.Ltmp0, $4  }
0xa1: {  	[hbm4b:s4+s2] =	stream.linear.scatter [tilespmem:s8], [sflag:$0x2], $0xC000, $0x38;
	[tilespmem:$0xC200] =	vst v63  }
0xa2: {  	_ =	swait.ge [sflag:s7], $0xC000  }
0xa3: {  	[sflag:s7] =	ssyncset.done $0x0  }
0xa4: {  	s1 =	sadd.s32 $0x80, s1;
	s0 =	sadd.s32 $0x1800, s0;
	[sflag:s7] =	ssyncadd.s32 $0xFFFF4000  }
0xa5: {  	s31 =	sadd.s32 $0x1, s31;
	s0 =	rddreg [dreg:$0xf]  }
0xa6: {  	p0 =	sne.s32 s31, s0  }
.Ltmp1:
0xa7: {  	_ = 	snop;
	(pc) =	sbr.rel @p0 .LBB2_1-.Ltmp1, $1  }
0xa8: {  	_ =	sdelay $0x3  }
0xa9: {  	_ =	sfence.sel $0x180000  }
0xaa: {  	[bflag:$0x0] =	sbarrier.arrive $0xFFFF  }
0xab: {  	_ =	strace $0x9000004A  }
0xac: {  	s0 =	stileid.u32;
	[bflag:$0x2] =	sbarrier.arrive $0xFFFF  }
0xad: {  	p0 =	sne.s32 s0, $0x0;
	s0 =	rddreg [dreg:$0x1]  }
0xae: {  	s0 =	sadd.s32 @!p0 $0x100000, s0  }
0xaf: {  	[sflag:s0] =	ssyncadd.tile.s32 @!p0 $0x1;
	_ =	shalt  }
.Lfunc_end2:
_tile_overlayer_lowered:
.L_overlay_start_2:
0xb0: {  	(tag) =	ssettag $0x2  }
0xb1: {  	s0 =	rddreg [dreg:$0x0];
	s2 =	stileid.u32  }
0xb2: {  	s1 =	rddreg [dreg:$0x1];
	p0 =	sne.s32 s2, $0x0  }
0xb3: {  	s3 =	rddreg [dreg:$0x2];
	[bflag:$0x3] =	sbarrier.arrive $0xFFFF;
	s2 =	simm.s32 @!p0 $0x1C02  }
0xb4: {  	[timem:s3], [sflag:s2] =	dma.local @!p0 [hbm:s0], s1  }
0xb5: {  	s0 =	simm.s32 @!p0 $0x2  }
0xb6: {  	_ =	swait.ge @!p0 [sflag:s0], s1  }
0xb7: {  	s1 =	ssub.s32 @!p0 $0x0, s1;
	[sflag:s0] =	ssyncset.done @!p0 $0x0  }
0xb8: {  	[sflag:s0] =	ssyncadd.s32 @!p0 s1  }
0xb9: {  	[bflag:$0x3] =	sbarrier.arrive $0xFFFF  }
0xba: {  	_ =	shalt  }

// kernel: kernel.37.cloned.1.call-start
scs
__scs_entry_jumppad:
0x0: {  	(pc) =	sbr.rel $0x88, $3  }
0x1: {  	(tag) =	ssettag $0x0;
	lr =	simm.s32 $0x1  }
0x2: {  	[smem:$0x3F92] =	sst lr;
	_ =	strace $0xD0000000  }
0x3: {  	_ = 	snop  }
0x4: {  	_ = 	snop  }
0x5: {  	_ = 	snop  }
0x6: {  	_ = 	snop  }
0x7: {  	_ = 	snop  }
__scs_overlays_trampoline_lowered:
0x8: {  	[smem:$0x3FA1] =	sst s0  }
0x9: {  	[smem:$0x3FA2] =	sst s1  }
0xa: {  	[smem:$0x3FA3] =	sst s2  }
0xb: {  	[smem:$0x3FA4] =	sst s3  }
0xc: {  	[smem:$0x3FA5] =	sst s4  }
0xd: {  	[smem:$0x3FA6] =	sst s5  }
0xe: {  	[smem:$0x3FA7] =	sst s6  }
0xf: {  	[smem:$0x3FA8] =	sst s7  }
0x10: {  	[smem:$0x3FA9] =	sst s8  }
0x11: {  	[smem:$0x3FAA] =	sst s9;
	s0 =	simm.s32 @!p0 $0x0  }
0x12: {  	s1 =	sld [smem:$0x3F90];
	s0 =	simm.s32 @p0 $0x1  }
0x13: {  	[smem:$0x3FAB] =	sst s0;
	s0 =	simm.s32 @!p1 $0x0  }
0x14: {  	s2 =	sld [smem:$0x3F8F];
	s0 =	simm.s32 @p1 $0x1  }
0x15: {  	[smem:$0x3FAC] =	sst s0;
	s0 =	simm.s32 @!p2 $0x0  }
0x16: {  	s3 =	sld [smem:$0x3FDB];
	s0 =	simm.s32 @p2 $0x1  }
0x17: {  	s4 =	simm.s32 $0x1BF5;
	[smem:$0x3FAE] =	sst s0  }
0x18: {  	s0 =	sld [smem:$0x3F91];
	_ =	swait.ge [sflag:s4], $0x0  }
0x19: {  	s7 =	sld [smem:$0x3F92]  }
0x1a: {  	s8 =	sadd.s32 $0xFFFFE003, lr  }
0x1b: {  	s9 =	sadd.s32 $0xFFFFFEF7, lr;
	s5 =	simm.s32 $0xFFFFFFFF;
	p2 =	slt.u32 s8, $0xFFFFF086  }
0x1c: {  	p1 =	slt.u32 s9, $0xF7A;
	s5 =	simm.s32 @!p2 $0x0  }
0x1d: {  	s5 =	simm.s32 @p1 $0x1;
	p0 =	seq.s32 s7, s2  }
0x1e: {  	s7 =	smul.u32 @!p0 $0xF7A, s2;
	p2 =	seq.s32 @!p0 s5, $0x0  }
0x1f: {  	s9 =	smul.u32 $0xF7A, s1;
	s8 =	simm.s32 @!p0 $0x1BF5;
	p2 =	por !p2, p0  }
0x20: {  	[sflag:s8] =	ssyncset.s32 @!p0 $0xFFFFF086;
	s6 =	sadd.s32 @!p0 s3, s7;
	s7 =	simm.s32 @!p0 $0x108  }
0x21: {  	s3 =	sadd.s32 s3, s9;
	s6 =	sadd.s32 @!p0 $0x88, s6;
	s7 =	simm.s32 @p2 $0x1082  }
0x22: {  	[simem:s7], [sflag:s8] =	dma.local @!p0 [hbm:s6], $0xF7A  }
0x23: {  	s9 =	sor.u32 $0xD0000000, s2;
	s6 =	simm.s32 $0x108;
	_ =	swait.ge @!p0 [sflag:s8], $0x0  }
0x24: {  	s3 =	sadd.s32 $0x88, s3;
	s6 =	simm.s32 @!p1 $0x1082;
	[sflag:s4] =	ssyncset.s32 $0xFFFFF086  }
0x25: {  	[simem:s6], [sflag:s4] =	dma.local [hbm:s3], $0xF7A  }
0x26: {  	[smem:$0x3F92] =	sst s1;
	(tag) =	ssettag s2;
	_ =	strace s9  }
0x27: {  	s1 =	sld [smem:$0x3FA2]  }
0x28: {  	s2 =	sld [smem:$0x3FA3]  }
0x29: {  	s4 =	sld [smem:$0x3FA5]  }
0x2a: {  	p0 =	seq.s32 s5, $0x0;
	s5 =	sld [smem:$0x3FA6]  }
0x2b: {  	s6 =	sld [smem:$0x3FA7]  }
0x2c: {  	s7 =	sld [smem:$0x3FA8]  }
0x2d: {  	s3 =	simm.s32 $0x108;
	s8 =	sld [smem:$0x3FA9]  }
0x2e: {  	s3 =	simm.s32 @!p0 $0x1082;
	s9 =	sld [smem:$0x3FAA]  }
0x2f: {  	lr =	sadd.s32 s0, s3;
	s0 =	sld [smem:$0x3FA1]  }
0x30: {  	s3 =	sld [smem:$0x3FA4]  }
0x31: {  	[smem:$0x3FAD] =	sst s10  }
0x32: {  	s10 =	sld [smem:$0x3FAB];
	_ =	sdelay $0x3  }
0x33: {  	p0 =	seq.s32 s10, $0x1;
	s10 =	sld [smem:$0x3FAD];
	_ =	sdelay $0x3  }
0x34: {  	[smem:$0x3FAD] =	sst s10  }
0x35: {  	s10 =	sld [smem:$0x3FAC];
	_ =	sdelay $0x3  }
0x36: {  	p1 =	seq.s32 s10, $0x1;
	s10 =	sld [smem:$0x3FAD];
	_ =	sdelay $0x3  }
0x37: {  	[smem:$0x3FAD] =	sst s10  }
0x38: {  	s10 =	sld [smem:$0x3FAE]  }
0x39: {  	_ = 	snop;
	(pc) =	sbr.ind lr, $3  }
0x3a: {  	_ = 	snop  }
0x3b: {  	_ = 	snop  }
0x3c: {  	p2 =	seq.s32 s10, $0x1;
	s10 =	sld [smem:$0x3FAD]  }
0x3d: {  	_ =	shalt  }
0x3e: {  	_ =	shalt  }
0x3f: {  	_ =	shalt  }
0x40: {  	_ =	shalt  }
0x41: {  	_ =	shalt  }
0x42: {  	_ =	shalt  }
0x43: {  	_ =	shalt  }
0x44: {  	_ =	shalt  }
0x45: {  	_ =	shalt  }
0x46: {  	_ =	shalt  }
0x47: {  	_ =	shalt  }
0x48: {  	_ =	shalt  }
0x49: {  	_ =	shalt  }
0x4a: {  	_ =	shalt  }
0x4b: {  	_ =	shalt  }
0x4c: {  	_ =	shalt  }
0x4d: {  	_ =	shalt  }
0x4e: {  	_ =	shalt  }
0x4f: {  	_ =	shalt  }
0x50: {  	_ =	shalt  }
0x51: {  	_ =	shalt  }
0x52: {  	_ =	shalt  }
0x53: {  	_ =	shalt  }
0x54: {  	_ =	shalt  }
0x55: {  	_ =	shalt  }
0x56: {  	_ =	shalt  }
0x57: {  	_ =	shalt  }
0x58: {  	_ =	shalt  }
0x59: {  	_ =	shalt  }
0x5a: {  	_ =	shalt  }
0x5b: {  	_ =	shalt  }
0x5c: {  	_ =	shalt  }
0x5d: {  	_ =	shalt  }
0x5e: {  	_ =	shalt  }
0x5f: {  	_ =	shalt  }
0x60: {  	_ =	shalt  }
0x61: {  	_ =	shalt  }
0x62: {  	_ =	shalt  }
0x63: {  	_ =	shalt  }
0x64: {  	_ =	shalt  }
0x65: {  	_ =	shalt  }
0x66: {  	_ =	shalt  }
0x67: {  	_ =	shalt  }
0x68: {  	_ =	shalt  }
0x69: {  	_ =	shalt  }
0x6a: {  	_ =	shalt  }
0x6b: {  	_ =	shalt  }
0x6c: {  	_ =	shalt  }
0x6d: {  	_ =	shalt  }
0x6e: {  	_ =	shalt  }
0x6f: {  	_ =	shalt  }
0x70: {  	_ =	shalt  }
0x71: {  	_ =	shalt  }
0x72: {  	_ =	shalt  }
0x73: {  	_ =	shalt  }
0x74: {  	_ =	shalt  }
0x75: {  	_ =	shalt  }
0x76: {  	_ =	shalt  }
0x77: {  	_ =	shalt  }
0x78: {  	_ =	shalt  }
0x79: {  	_ =	shalt  }
0x7a: {  	_ =	shalt  }
0x7b: {  	_ =	shalt  }
0x7c: {  	_ =	shalt  }
0x7d: {  	_ =	shalt  }
0x7e: {  	_ =	shalt  }
0x7f: {  	_ =	shalt  }
0x80: {  	_ =	shalt  }
0x81: {  	_ =	shalt  }
0x82: {  	_ =	shalt  }
0x83: {  	_ =	shalt  }
0x84: {  	_ =	shalt  }
0x85: {  	_ =	shalt  }
0x86: {  	_ =	shalt  }
0x87: {  	_ =	shalt  }
.Lfunc_end0:
.L_simem_size_0:
called_computation.6_lowered:
.L_overlay_start_0:
0x88: {  	s2 =	sld [smem:$0x3FD9]  }
0x89: {  	s3 =	sld [smem:$0x3FFE];
	_ =	sdelay $0x1  }
0x8a: {  	s1 =	srdreg.scid  }
0x8b: {  	s0 =	sand.u32 $0x1, s1  }
0x8c: {  	s16 =	sshll.u32 s0, $0xA;
	s2 =	sadd.s32 s3, s2  }
0x8d: {  	s2 =	sadd.s32 s2, s16  }
0x8e: {  	[smem:$0x3FB9] =	sst s2  }
0x8f: {  	_ = 	snop  }
0x90: {  	(tm) =	ssettm $0x1  }
0x91: {  	s17 =	sld [smem:$0x3FFB];
	_ =	sdelay $0x3  }
0x92: {  	_ =	strace s17  }
0x93: {  	s2 =	sld [smem:$0x3FFC];
	_ =	sdelay $0x3  }
0x94: {  	_ =	strace s2  }
0x95: {  	s2 =	sld [smem:$0x3FFD];
	_ =	sdelay $0x3  }
0x96: {  	_ =	strace s2  }
0x97: {  	_ =	strace $0x8FFFFFFF  }
0x98: {  	s18 =	sld [smem:$0x3FDB];
	_ =	sdelay $0x1  }
0x99: {  	s19 =	simm.s32 $_scs_section_size  }
0x9a: {  	s4 =	simm.s32 $_size__tile_overlayer_lowered;
	s5 =	simm.s32 $_tile_overlayer_lowered  }
0x9b: {  	s22 =	simm.s32 $0x1BFF;
	s21 =	sshll.u32 s5, $0x1;
	s2 =	sadd.s32 s19, s18  }
0x9c: {  	s6 =	simm.s32 $0x0;
	s20 =	sshll.u32 s4, $0x1;
	s4 =	sadd.s32 s21, s2  }
0x9d: {  	[timem:s6], [sflag:s22] =	dma.local [hbm:s4], s20  }
0x9e: {  	_ =	swait.ge [sflag:s22], s20  }
0x9f: {  	s3 =	ssub.s32 $0x0, s20;
	[sflag:s22] =	ssyncset.done $0x0  }
0xa0: {  	[sflag:s22] =	ssyncadd.s32 s3;
	_ =	sdelay $0x1  }
0xa1: {  	s23 =	simm.s32 $0x1B8B  }
0xa2: {  	_ =	swait.ge [sflag:s23], $0x1  }
0xa3: {  	[sflag:s23] =	ssyncset.done $0x0  }
0xa4: {  	s25 =	simm.s32 $0x1B8E;
	s24 =	sld [smem:$0x3FFE];
	[sflag:s23] =	ssyncadd.s32 $0xFFFFFFFF  }
0xa5: {  	s26 =	simm.s32 $execute0_lowered;
	[smem:$0x3FD2] =	sst s25  }
0xa6: {  	s4 =	sshll.u32 s26, $0x1;
	_ =	strace $0x80000046;
	[dreg:$0x1] =	wrdreg $0xFFFFFFFF  }
0xa7: {  	s28 =	simm.s32 $_size_execute0_lowered;
	s2 =	sadd.s32 s2, s4;
	[dreg:$0x0] =	wrdreg $0x0  }
0xa8: {  	s4 =	sshll.u32 s28, $0x1;
	[dreg:$0x2] =	wrdreg s2  }
0xa9: {  	[dreg:$0x3] =	wrdreg s4  }
0xaa: {  	[dreg:$0x4] =	wrdreg $0xC0  }
0xab: {  	_ =	task [dreg:s6], $0x5FFFF  }
0xac: {  	[dreg:$0x1] =	wrdreg $0xFFFFFFFF  }
0xad: {  	[dreg:$0x0] =	wrdreg $0x60  }
0xae: {  	[dreg:$0x2] =	wrdreg s24  }
0xaf: {  	[dreg:$0x3] =	wrdreg $0xF  }
0xb0: {  	_ =	task.clear_ibuf [dreg:s6], $0x4FFFF;
	_ =	strace $0x90000046  }
0xb1: {  	s29 =	simm.s32 $0xF;
	_ =	strace $0x80000048  }
0xb2: {  	_ =	swait.ge [sflag:s29], $0x1  }
0xb3: {  	[sflag:s29] =	ssyncadd.s32 $0xFFFFFFFF  }
0xb4: {  	_ =	strace $0x90000048  }
0xb5: {  	_ =	sfence  }
0xb6: {  	s30 =	sld [smem:$0x0];
	_ =	sdelay $0x2  }
0xb7: {  	s31 =	sshll.u32 s1, $0xD;
	s1 =	sshrl.u32 s1, $0x2  }
0xb8: {  	s3 =	sand.u32 $0x4000, s31;
	s1 =	sadd.s32 s1, s30  }
0xb9: {  	s0 =	sor.u32 s3, s0;
	s1 =	sshll.u32 s1, $0x11  }
0xba: {  	s0 =	sor.u32 s1, s0  }
0xbb: {  	s0 =	sadd.s32 $0x8F2B, s0  }
0xbc: {  	[sflag:s0] =	ssyncadd.remote.s32 $0x1  }
0xbd: {  	_ =	sfence.sel $0xFFFF  }
0xbe: {  	[dreg:$0x0] =	wrdreg $0xFFFFFFFF;
	(pc) =	sbr.abs _section_cstart, $3  }
0xbf: {  	[dreg:$0x1] =	wrdreg $0xFFFFFFFF  }
0xc0: {  	_ =	task.clear_ibuf [dreg:s6], $0x2FFFF;
	_ =	strace $0x9FFFFFFF  }
0xc1: {  	(tm) =	ssettm $0x7FFFFFFF  }
tec
execute0_lowered:
.L_overlay_start_1:
0x0: {  	(tag) =	ssettag $0x1  }
0x1: {  	s0 =	srdreg.scid;
	s1 =	stileid.u32  }
0x2: {  	s5 =	rddreg [dreg:$0x0];
	s17 =	simm.s32 $0xA00;
	s4 =	simm.s32 $0xE00  }
0x3: {  	s18 =	simm.s32 $0x1600;
	s19 =	simm.s32 $0x1A00;
	s20 =	simm.s32 $0x2200  }
0x4: {  	s21 =	simm.s32 $0x2600;
	s22 =	simm.s32 $0x2E00;
	s0 =	sand.u32 $0x1, s0  }
0x5: {  	s23 =	simm.s32 $0x3200;
	s1 =	sshll.u32 s1, $0xA;
	s2 =	sshll.u32 s0, $0x9  }
0x6: {  	s24 =	simm.s32 $0x3A00;
	s1 =	sor.u32 s2, s1;
	s2 =	simm.s32 $0x0  }
0x7: {  	s25 =	simm.s32 $0x3E00;
	s7 =	simm.s32 $0x2;
	[smem:$0x7FF] =	sst s2  }
0x8: {  	s26 =	simm.s32 $0x4600;
	_ =	strace $0x80000047;
	[dreg:$0x3] =	wrdreg s17  }
0x9: {  	s8 =	simm.s32 $0x200;
	s9 =	simm.s32 $0x4A00;
	[dreg:$0x4] =	wrdreg s4  }
0xa: {  	s10 =	simm.s32 $0x5200;
	s11 =	simm.s32 $0x5600;
	[dreg:$0x5] =	wrdreg s18  }
0xb: {  	s12 =	simm.s32 $0x5E00;
	s13 =	simm.s32 $0x6200;
	[dreg:$0x6] =	wrdreg s19  }
0xc: {  	s14 =	simm.s32 $0x6A00;
	s15 =	simm.s32 $0x6E00;
	[dreg:$0x7] =	wrdreg s20  }
0xd: {  	s16 =	simm.s32 $0x7600;
	s28 =	simm.s32 $0xB600;
	[dreg:$0x8] =	wrdreg s21  }
0xe: {  	s29 =	simm.s32 $0xBE00;
	s30 =	simm.s32 $0x1;
	[dreg:$0x9] =	wrdreg s22  }
0xf: {  	s31 =	simm.s32 $0x0;
	s0 =	ssub.s32 $0x2, s0;
	[dreg:$0xa] =	wrdreg s23  }
0x10: {  	s6 =	sshrl.u32 s0, $0x1;
	s1 =	sshrl.u32 s1, $0x3;
	[dreg:$0xb] =	wrdreg s24  }
0x11: {  	s0 =	ssub.s32 s0, s6;
	s3 =	smul.u32 $0x180, s1;
	[dreg:$0xc] =	wrdreg s25  }
0x12: {  	s1 =	sadd.s32 s1, s5;
	s0 =	smax.u32 s0, $0x1;
	[dreg:$0xd] =	wrdreg s26  }
0x13: {  	s17 =	simm.s32 $0x7A00;
	s18 =	simm.s32 $0x8200;
	s19 =	simm.s32 $0x8600  }
0x14: {  	s20 =	simm.s32 $0x8E00;
	s21 =	simm.s32 $0x9200;
	s22 =	simm.s32 $0x9A00  }
0x15: {  	s23 =	simm.s32 $0x9E00;
	s24 =	simm.s32 $0xA600;
	s25 =	simm.s32 $0xAA00  }
0x16: {  	v2 =	vlaneseq.u32;
	s1 =	sadd.s32 $0x9600, s1;
	[dreg:$0xf] =	wrdreg s0;
	s3 =	sadd.s32 s3, s5  }
0x17: {  	vm0 =	vmmov $0xffff;
	vm1 =	vmmov $0xff;
	v1 =	vshrl.u32 v2, $0x3;
	s26 =	simm.s32 $0xB200;
	[dreg:$0xe] =	wrdreg s1;
	s3 =	sadd.s32 $0x8CE00, s3  }
0x18: {  	v0 =	vand.u32 $0x7, v2;
	v2 =	vor.u32 $0x8, v2;
	v1 =	vmul.u32 $0x8, v1;
	[dreg:$0x2] =	wrdreg s3;
	s3 =	sadd.s32 $0x2CE00, s5;
	s5 =	sadd.s32 $0x2CF00, s5  }
.LBB2_1:
0x19: {  	s0 =	rddreg [dreg:$0xe]  }
0x1a: {  	[tilespmem:s2], [sflag:$0x2] =	stream.linear.gather [hbm4b:s0+s2], $0x200, $0x38;
	[tilespmem:$0xC200] =	vst v63  }
0x1b: {  	_ =	swait.ge [sflag:s7], $0x200  }
0x1c: {  	[sflag:s7] =	ssyncset.done $0x0  }
0x1d: {  	s1 =	simm.s32 $0x40;
	s0 =	simm.s32 $0x0;
	[sflag:s7] =	ssyncadd.s32 $0xFFFFFE00  }
.LBB2_2:
0x1e: {  	v3 =	vld [tilespmem:s1+$0xFFFFFFC0];
	_ =	sdelay $0x4  }
0x1f: {  	v4 =	vshrl.u32 v3, $0x3  }
0x20: {  	v4 =	vmul.u32 $0x18, v4  }
0x21: {  	v3 =	vand.u32 $0x7, v3  }
0x22: {  	v3 =	vor.u32 v3, v4  }
0x23: {  	v4 =	vperm.xlane v3, v0;
	_ =	sdelay $0x1  }
0x24: {  	v4 =	vadd.s32 v1, v4;
	_ =	sdelay $0x1  }
0x25: {  	v3 =	vperm.xlane v3, v2;
	_ =	sdelay $0x1  }
0x26: {  	v3 =	vadd.s32 v1, v3  }
0x27: {  	[tilespmem:s8], [sflag:$0x1] =	stream.indirect_vreg.gather [hbm4b:s3+s2], $0x80, v4, vm0, $0xb8;
	[tilespmem:$0xC200] =	vst v63  }
0x28: {  	s4 =	rddreg [dreg:$0x3]  }
0x29: {  	[tilespmem:s4], [sflag:$0x1] =	stream.indirect_vreg.gather [hbm4b:s5+s2], $0x80, v4, vm1, $0xb8;
	[tilespmem:$0xC200] =	vst v63  }
0x2a: {  	s6 =	rddreg [dreg:$0x4]  }
0x2b: {  	[tilespmem:s6], [sflag:$0x1] =	stream.indirect_vreg.gather [hbm4b:s3+s2], $0x80, v3, vm0, $0xb8;
	[tilespmem:$0xC200] =	vst v63  }
0x2c: {  	s4 =	rddreg [dreg:$0x5]  }
0x2d: {  	[tilespmem:s4], [sflag:$0x1] =	stream.indirect_vreg.gather [hbm4b:s5+s2], $0x80, v3, vm1, $0xb8;
	[tilespmem:$0xC200] =	vst v63  }
0x2e: {  	v3 =	vld [tilespmem:s1+$0xFFFFFFD0];
	_ =	sdelay $0x4  }
0x2f: {  	v57 =	vshrl.u32 v3, $0x3  }
0x30: {  	v4 =	vmul.u32 $0x18, v57  }
0x31: {  	v3 =	vand.u32 $0x7, v3  }
0x32: {  	v3 =	vor.u32 v3, v4  }
0x33: {  	v4 =	vperm.xlane v3, v0;
	_ =	sdelay $0x1  }
0x34: {  	v4 =	vadd.s32 v1, v4;
	_ =	sdelay $0x1  }
0x35: {  	v3 =	vperm.xlane v3, v2;
	_ =	sdelay $0x1  }
0x36: {  	s4 =	rddreg [dreg:$0x6];
	v3 =	vadd.s32 v1, v3  }
0x37: {  	[tilespmem:s4], [sflag:$0x1] =	stream.indirect_vreg.gather [hbm4b:s3+s2], $0x80, v4, vm0, $0xb8;
	[tilespmem:$0xC200] =	vst v63  }
0x38: {  	s6 =	rddreg [dreg:$0x7]  }
0x39: {  	[tilespmem:s6], [sflag:$0x1] =	stream.indirect_vreg.gather [hbm4b:s5+s2], $0x80, v4, vm1, $0xb8;
	[tilespmem:$0xC200] =	vst v63  }
0x3a: {  	s4 =	rddreg [dreg:$0x8]  }
0x3b: {  	[tilespmem:s4], [sflag:$0x1] =	stream.indirect_vreg.gather [hbm4b:s3+s2], $0x80, v3, vm0, $0xb8;
	[tilespmem:$0xC200] =	vst v63  }
0x3c: {  	s6 =	rddreg [dreg:$0x9]  }
0x3d: {  	[tilespmem:s6], [sflag:$0x1] =	stream.indirect_vreg.gather [hbm4b:s5+s2], $0x80, v3, vm1, $0xb8;
	[tilespmem:$0xC200] =	vst v63  }
0x3e: {  	v3 =	vld [tilespmem:s1+$0xFFFFFFE0];
	_ =	sdelay $0x4  }
0x3f: {  	v58 =	vshrl.u32 v3, $0x3  }
0x40: {  	v4 =	vmul.u32 $0x18, v58  }
0x41: {  	v3 =	vand.u32 $0x7, v3  }
0x42: {  	v3 =	vor.u32 v3, v4  }
0x43: {  	v4 =	vperm.xlane v3, v0;
	_ =	sdelay $0x1  }
0x44: {  	v4 =	vadd.s32 v1, v4;
	_ =	sdelay $0x1  }
0x45: {  	v3 =	vperm.xlane v3, v2;
	_ =	sdelay $0x1  }
0x46: {  	s4 =	rddreg [dreg:$0xa];
	v3 =	vadd.s32 v1, v3  }
0x47: {  	[tilespmem:s4], [sflag:$0x1] =	stream.indirect_vreg.gather [hbm4b:s3+s2], $0x80, v4, vm0, $0xb8;
	[tilespmem:$0xC200] =	vst v63  }
0x48: {  	s6 =	rddreg [dreg:$0xb]  }
0x49: {  	[tilespmem:s6], [sflag:$0x1] =	stream.indirect_vreg.gather [hbm4b:s5+s2], $0x80, v4, vm1, $0xb8;
	[tilespmem:$0xC200] =	vst v63  }
0x4a: {  	s4 =	rddreg [dreg:$0xc]  }
0x4b: {  	[tilespmem:s4], [sflag:$0x1] =	stream.indirect_vreg.gather [hbm4b:s3+s2], $0x80, v3, vm0, $0xb8;
	[tilespmem:$0xC200] =	vst v63  }
0x4c: {  	s6 =	rddreg [dreg:$0xd]  }
0x4d: {  	[tilespmem:s6], [sflag:$0x1] =	stream.indirect_vreg.gather [hbm4b:s5+s2], $0x80, v3, vm1, $0xb8;
	[tilespmem:$0xC200] =	vst v63  }
0x4e: {  	v3 =	vld [tilespmem:s1+$0xFFFFFFF0];
	_ =	sdelay $0x4  }
0x4f: {  	v59 =	vshrl.u32 v3, $0x3  }
0x50: {  	v4 =	vmul.u32 $0x18, v59  }
0x51: {  	v3 =	vand.u32 $0x7, v3  }
0x52: {  	v3 =	vor.u32 v3, v4  }
0x53: {  	v4 =	vperm.xlane v3, v0;
	_ =	sdelay $0x1  }
0x54: {  	v4 =	vadd.s32 v1, v4;
	_ =	sdelay $0x1  }
0x55: {  	v3 =	vperm.xlane v3, v2;
	_ =	sdelay $0x1  }
0x56: {  	v3 =	vadd.s32 v1, v3  }
0x57: {  	[tilespmem:s9], [sflag:$0x1] =	stream.indirect_vreg.gather [hbm4b:s3+s2], $0x80, v4, vm0, $0xb8;
	[tilespmem:$0xC200] =	vst v63  }
0x58: {  	_ = 	snop  }
0x59: {  	[tilespmem:s10], [sflag:$0x1] =	stream.indirect_vreg.gather [hbm4b:s5+s2], $0x80, v4, vm1, $0xb8;
	[tilespmem:$0xC200] =	vst v63  }
0x5a: {  	_ = 	snop  }
0x5b: {  	[tilespmem:s11], [sflag:$0x1] =	stream.indirect_vreg.gather [hbm4b:s3+s2], $0x80, v3, vm0, $0xb8;
	[tilespmem:$0xC200] =	vst v63  }
0x5c: {  	_ = 	snop  }
0x5d: {  	[tilespmem:s12], [sflag:$0x1] =	stream.indirect_vreg.gather [hbm4b:s5+s2], $0x80, v3, vm1, $0xb8;
	[tilespmem:$0xC200] =	vst v63  }
0x5e: {  	v3 =	vld [tilespmem:s1+$0x0];
	_ =	sdelay $0x4  }
0x5f: {  	v60 =	vshrl.u32 v3, $0x3  }
0x60: {  	v4 =	vmul.u32 $0x18, v60  }
0x61: {  	v3 =	vand.u32 $0x7, v3  }
0x62: {  	v3 =	vor.u32 v3, v4  }
0x63: {  	v4 =	vperm.xlane v3, v0;
	_ =	sdelay $0x1  }
0x64: {  	v4 =	vadd.s32 v1, v4;
	_ =	sdelay $0x1  }
0x65: {  	v3 =	vperm.xlane v3, v2;
	_ =	sdelay $0x1  }
0x66: {  	v3 =	vadd.s32 v1, v3  }
0x67: {  	[tilespmem:s13], [sflag:$0x1] =	stream.indirect_vreg.gather [hbm4b:s3+s2], $0x80, v4, vm0, $0xb8;
	[tilespmem:$0xC200] =	vst v63  }
0x68: {  	_ = 	snop  }
0x69: {  	[tilespmem:s14], [sflag:$0x1] =	stream.indirect_vreg.gather [hbm4b:s5+s2], $0x80, v4, vm1, $0xb8;
	[tilespmem:$0xC200] =	vst v63  }
0x6a: {  	_ = 	snop  }
0x6b: {  	[tilespmem:s15], [sflag:$0x1] =	stream.indirect_vreg.gather [hbm4b:s3+s2], $0x80, v3, vm0, $0xb8;
	[tilespmem:$0xC200] =	vst v63  }
0x6c: {  	_ = 	snop  }
0x6d: {  	[tilespmem:s16], [sflag:$0x1] =	stream.indirect_vreg.gather [hbm4b:s5+s2], $0x80, v3, vm1, $0xb8;
	[tilespmem:$0xC200] =	vst v63  }
0x6e: {  	v3 =	vld [tilespmem:s1+$0x10];
	_ =	sdelay $0x4  }
0x6f: {  	v61 =	vshrl.u32 v3, $0x3  }
0x70: {  	v4 =	vmul.u32 $0x18, v61  }
0x71: {  	v3 =	vand.u32 $0x7, v3  }
0x72: {  	v3 =	vor.u32 v3, v4  }
0x73: {  	v4 =	vperm.xlane v3, v0;
	_ =	sdelay $0x1  }
0x74: {  	v4 =	vadd.s32 v1, v4;
	_ =	sdelay $0x1  }
0x75: {  	v3 =	vperm.xlane v3, v2;
	_ =	sdelay $0x1  }
0x76: {  	v3 =	vadd.s32 v1, v3  }
0x77: {  	[tilespmem:s17], [sflag:$0x1] =	stream.indirect_vreg.gather [hbm4b:s3+s2], $0x80, v4, vm0, $0xb8;
	[tilespmem:$0xC200] =	vst v63  }
0x78: {  	_ = 	snop  }
0x79: {  	[tilespmem:s18], [sflag:$0x1] =	stream.indirect_vreg.gather [hbm4b:s5+s2], $0x80, v4, vm1, $0xb8;
	[tilespmem:$0xC200] =	vst v63  }
0x7a: {  	_ = 	snop  }
0x7b: {  	[tilespmem:s19], [sflag:$0x1] =	stream.indirect_vreg.gather [hbm4b:s3+s2], $0x80, v3, vm0, $0xb8;
	[tilespmem:$0xC200] =	vst v63  }
0x7c: {  	_ = 	snop  }
0x7d: {  	[tilespmem:s20], [sflag:$0x1] =	stream.indirect_vreg.gather [hbm4b:s5+s2], $0x80, v3, vm1, $0xb8;
	[tilespmem:$0xC200] =	vst v63  }
0x7e: {  	v3 =	vld [tilespmem:s1+$0x20];
	_ =	sdelay $0x4  }
0x7f: {  	v62 =	vshrl.u32 v3, $0x3  }
0x80: {  	v4 =	vmul.u32 $0x18, v62  }
0x81: {  	v3 =	vand.u32 $0x7, v3  }
0x82: {  	v3 =	vor.u32 v3, v4  }
0x83: {  	v4 =	vperm.xlane v3, v0;
	_ =	sdelay $0x1  }
0x84: {  	v4 =	vadd.s32 v1, v4;
	_ =	sdelay $0x1  }
0x85: {  	v3 =	vperm.xlane v3, v2;
	_ =	sdelay $0x1  }
0x86: {  	v3 =	vadd.s32 v1, v3  }
0x87: {  	[tilespmem:s21], [sflag:$0x1] =	stream.indirect_vreg.gather [hbm4b:s3+s2], $0x80, v4, vm0, $0xb8;
	[tilespmem:$0xC200] =	vst v63  }
0x88: {  	_ = 	snop  }
0x89: {  	[tilespmem:s22], [sflag:$0x1] =	stream.indirect_vreg.gather [hbm4b:s5+s2], $0x80, v4, vm1, $0xb8;
	[tilespmem:$0xC200] =	vst v63  }
0x8a: {  	_ = 	snop  }
0x8b: {  	[tilespmem:s23], [sflag:$0x1] =	stream.indirect_vreg.gather [hbm4b:s3+s2], $0x80, v3, vm0, $0xb8;
	[tilespmem:$0xC200] =	vst v63  }
0x8c: {  	_ = 	snop  }
0x8d: {  	[tilespmem:s24], [sflag:$0x1] =	stream.indirect_vreg.gather [hbm4b:s5+s2], $0x80, v3, vm1, $0xb8;
	[tilespmem:$0xC200] =	vst v63  }
0x8e: {  	v3 =	vld [tilespmem:s1+$0x30];
	_ =	sdelay $0x4  }
0x8f: {  	v63 =	vshrl.u32 v3, $0x3  }
0x90: {  	v4 =	vmul.u32 $0x18, v63  }
0x91: {  	v3 =	vand.u32 $0x7, v3  }
0x92: {  	v3 =	vor.u32 v3, v4  }
0x93: {  	v4 =	vperm.xlane v3, v0;
	_ =	sdelay $0x1  }
0x94: {  	v4 =	vadd.s32 v1, v4;
	_ =	sdelay $0x1  }
0x95: {  	v3 =	vperm.xlane v3, v2;
	_ =	sdelay $0x1  }
0x96: {  	v3 =	vadd.s32 v1, v3  }
0x97: {  	[tilespmem:s25], [sflag:$0x1] =	stream.indirect_vreg.gather [hbm4b:s3+s2], $0x80, v4, vm0, $0xb8;
	[tilespmem:$0xC200] =	vst v63  }
0x98: {  	_ = 	snop  }
0x99: {  	[tilespmem:s26], [sflag:$0x1] =	stream.indirect_vreg.gather [hbm4b:s5+s2], $0x80, v4, vm1, $0xb8;
	[tilespmem:$0xC200] =	vst v63  }
0x9a: {  	_ = 	snop  }
0x9b: {  	[tilespmem:s28], [sflag:$0x1] =	stream.indirect_vreg.gather [hbm4b:s3+s2], $0x80, v3, vm0, $0xb8;
	[tilespmem:$0xC200] =	vst v63  }
0x9c: {  	_ = 	snop  }
0x9d: {  	[tilespmem:s29], [sflag:$0x1] =	stream.indirect_vreg.gather [hbm4b:s5+s2], $0x80, v3, vm1, $0xb8;
	[tilespmem:$0xC200] =	vst v63  }
0x9e: {  	_ =	swait.ge [sflag:s30], $0xC000  }
0x9f: {  	p0 =	sne.s32 s0, $0x4800;
	s6 =	rddreg [dreg:$0x2];
	[sflag:s30] =	ssyncset.done $0x0  }
.Ltmp0:
0xa0: {  	[sflag:s30] =	ssyncadd.s32 $0xFFFF4000;
	s4 =	sadd.s32 s0, s6;
	(pc) =	sbr.rel @p0 .LBB2_2-.Ltmp0, $4  }
0xa1: {  	[hbm4b:s4+s2] =	stream.linear.scatter [tilespmem:s8], [sflag:$0x2], $0xC000, $0x38;
	[tilespmem:$0xC200] =	vst v63  }
0xa2: {  	_ =	swait.ge [sflag:s7], $0xC000  }
0xa3: {  	[sflag:s7] =	ssyncset.done $0x0  }
0xa4: {  	s1 =	sadd.s32 $0x80, s1;
	s0 =	sadd.s32 $0x1800, s0;
	[sflag:s7] =	ssyncadd.s32 $0xFFFF4000  }
0xa5: {  	s31 =	sadd.s32 $0x1, s31;
	s0 =	rddreg [dreg:$0xf]  }
0xa6: {  	p0 =	sne.s32 s31, s0  }
.Ltmp1:
0xa7: {  	_ = 	snop;
	(pc) =	sbr.rel @p0 .LBB2_1-.Ltmp1, $1  }
0xa8: {  	_ =	sdelay $0x3  }
0xa9: {  	_ =	sfence.sel $0x180000  }
0xaa: {  	[bflag:$0x0] =	sbarrier.arrive $0xFFFF  }
0xab: {  	_ =	strace $0x90000047  }
0xac: {  	s0 =	stileid.u32;
	[bflag:$0x2] =	sbarrier.arrive $0xFFFF  }
0xad: {  	p0 =	sne.s32 s0, $0x0;
	s0 =	rddreg [dreg:$0x1]  }
0xae: {  	s0 =	sadd.s32 @!p0 $0x100000, s0  }
0xaf: {  	[sflag:s0] =	ssyncadd.tile.s32 @!p0 $0x1;
	_ =	shalt  }
.Lfunc_end2:
_tile_overlayer_lowered:
.L_overlay_start_2:
0xb0: {  	(tag) =	ssettag $0x2  }
0xb1: {  	s0 =	rddreg [dreg:$0x0];
	s2 =	stileid.u32  }
0xb2: {  	s1 =	rddreg [dreg:$0x1];
	p0 =	sne.s32 s2, $0x0  }
0xb3: {  	s3 =	rddreg [dreg:$0x2];
	[bflag:$0x3] =	sbarrier.arrive $0xFFFF;
	s2 =	simm.s32 @!p0 $0x1C02  }
0xb4: {  	[timem:s3], [sflag:s2] =	dma.local @!p0 [hbm:s0], s1  }
0xb5: {  	s0 =	simm.s32 @!p0 $0x2  }
0xb6: {  	_ =	swait.ge @!p0 [sflag:s0], s1  }
0xb7: {  	s1 =	ssub.s32 @!p0 $0x0, s1;
	[sflag:s0] =	ssyncset.done @!p0 $0x0  }
0xb8: {  	[sflag:s0] =	ssyncadd.s32 @!p0 s1  }
0xb9: {  	[bflag:$0x3] =	sbarrier.arrive $0xFFFF  }
0xba: {  	_ =	shalt  }

// kernel: kernel.40.cloned.1.call-start
scs
__scs_entry_jumppad:
0x0: {  	(pc) =	sbr.rel $0x88, $3  }
0x1: {  	(tag) =	ssettag $0x0;
	lr =	simm.s32 $0x1  }
0x2: {  	[smem:$0x3F92] =	sst lr;
	_ =	strace $0xD0000000  }
0x3: {  	_ = 	snop  }
0x4: {  	_ = 	snop  }
0x5: {  	_ = 	snop  }
0x6: {  	_ = 	snop  }
0x7: {  	_ = 	snop  }
__scs_overlays_trampoline_lowered:
0x8: {  	[smem:$0x3FA1] =	sst s0  }
0x9: {  	[smem:$0x3FA2] =	sst s1  }
0xa: {  	[smem:$0x3FA3] =	sst s2  }
0xb: {  	[smem:$0x3FA4] =	sst s3  }
0xc: {  	[smem:$0x3FA5] =	sst s4  }
0xd: {  	[smem:$0x3FA6] =	sst s5  }
0xe: {  	[smem:$0x3FA7] =	sst s6  }
0xf: {  	[smem:$0x3FA8] =	sst s7  }
0x10: {  	[smem:$0x3FA9] =	sst s8  }
0x11: {  	[smem:$0x3FAA] =	sst s9;
	s0 =	simm.s32 @!p0 $0x0  }
0x12: {  	s1 =	sld [smem:$0x3F90];
	s0 =	simm.s32 @p0 $0x1  }
0x13: {  	[smem:$0x3FAB] =	sst s0;
	s0 =	simm.s32 @!p1 $0x0  }
0x14: {  	s2 =	sld [smem:$0x3F8F];
	s0 =	simm.s32 @p1 $0x1  }
0x15: {  	[smem:$0x3FAC] =	sst s0;
	s0 =	simm.s32 @!p2 $0x0  }
0x16: {  	s3 =	sld [smem:$0x3FDB];
	s0 =	simm.s32 @p2 $0x1  }
0x17: {  	s4 =	simm.s32 $0x1BF5;
	[smem:$0x3FAE] =	sst s0  }
0x18: {  	s0 =	sld [smem:$0x3F91];
	_ =	swait.ge [sflag:s4], $0x0  }
0x19: {  	s7 =	sld [smem:$0x3F92]  }
0x1a: {  	s8 =	sadd.s32 $0xFFFFE003, lr  }
0x1b: {  	s9 =	sadd.s32 $0xFFFFFEF7, lr;
	s5 =	simm.s32 $0xFFFFFFFF;
	p2 =	slt.u32 s8, $0xFFFFF086  }
0x1c: {  	p1 =	slt.u32 s9, $0xF7A;
	s5 =	simm.s32 @!p2 $0x0  }
0x1d: {  	s5 =	simm.s32 @p1 $0x1;
	p0 =	seq.s32 s7, s2  }
0x1e: {  	s7 =	smul.u32 @!p0 $0xF7A, s2;
	p2 =	seq.s32 @!p0 s5, $0x0  }
0x1f: {  	s9 =	smul.u32 $0xF7A, s1;
	s8 =	simm.s32 @!p0 $0x1BF5;
	p2 =	por !p2, p0  }
0x20: {  	[sflag:s8] =	ssyncset.s32 @!p0 $0xFFFFF086;
	s6 =	sadd.s32 @!p0 s3, s7;
	s7 =	simm.s32 @!p0 $0x108  }
0x21: {  	s3 =	sadd.s32 s3, s9;
	s6 =	sadd.s32 @!p0 $0x88, s6;
	s7 =	simm.s32 @p2 $0x1082  }
0x22: {  	[simem:s7], [sflag:s8] =	dma.local @!p0 [hbm:s6], $0xF7A  }
0x23: {  	s9 =	sor.u32 $0xD0000000, s2;
	s6 =	simm.s32 $0x108;
	_ =	swait.ge @!p0 [sflag:s8], $0x0  }
0x24: {  	s3 =	sadd.s32 $0x88, s3;
	s6 =	simm.s32 @!p1 $0x1082;
	[sflag:s4] =	ssyncset.s32 $0xFFFFF086  }
0x25: {  	[simem:s6], [sflag:s4] =	dma.local [hbm:s3], $0xF7A  }
0x26: {  	[smem:$0x3F92] =	sst s1;
	(tag) =	ssettag s2;
	_ =	strace s9  }
0x27: {  	s1 =	sld [smem:$0x3FA2]  }
0x28: {  	s2 =	sld [smem:$0x3FA3]  }
0x29: {  	s4 =	sld [smem:$0x3FA5]  }
0x2a: {  	p0 =	seq.s32 s5, $0x0;
	s5 =	sld [smem:$0x3FA6]  }
0x2b: {  	s6 =	sld [smem:$0x3FA7]  }
0x2c: {  	s7 =	sld [smem:$0x3FA8]  }
0x2d: {  	s3 =	simm.s32 $0x108;
	s8 =	sld [smem:$0x3FA9]  }
0x2e: {  	s3 =	simm.s32 @!p0 $0x1082;
	s9 =	sld [smem:$0x3FAA]  }
0x2f: {  	lr =	sadd.s32 s0, s3;
	s0 =	sld [smem:$0x3FA1]  }
0x30: {  	s3 =	sld [smem:$0x3FA4]  }
0x31: {  	[smem:$0x3FAD] =	sst s10  }
0x32: {  	s10 =	sld [smem:$0x3FAB];
	_ =	sdelay $0x3  }
0x33: {  	p0 =	seq.s32 s10, $0x1;
	s10 =	sld [smem:$0x3FAD];
	_ =	sdelay $0x3  }
0x34: {  	[smem:$0x3FAD] =	sst s10  }
0x35: {  	s10 =	sld [smem:$0x3FAC];
	_ =	sdelay $0x3  }
0x36: {  	p1 =	seq.s32 s10, $0x1;
	s10 =	sld [smem:$0x3FAD];
	_ =	sdelay $0x3  }
0x37: {  	[smem:$0x3FAD] =	sst s10  }
0x38: {  	s10 =	sld [smem:$0x3FAE]  }
0x39: {  	_ = 	snop;
	(pc) =	sbr.ind lr, $3  }
0x3a: {  	_ = 	snop  }
0x3b: {  	_ = 	snop  }
0x3c: {  	p2 =	seq.s32 s10, $0x1;
	s10 =	sld [smem:$0x3FAD]  }
0x3d: {  	_ =	shalt  }
0x3e: {  	_ =	shalt  }
0x3f: {  	_ =	shalt  }
0x40: {  	_ =	shalt  }
0x41: {  	_ =	shalt  }
0x42: {  	_ =	shalt  }
0x43: {  	_ =	shalt  }
0x44: {  	_ =	shalt  }
0x45: {  	_ =	shalt  }
0x46: {  	_ =	shalt  }
0x47: {  	_ =	shalt  }
0x48: {  	_ =	shalt  }
0x49: {  	_ =	shalt  }
0x4a: {  	_ =	shalt  }
0x4b: {  	_ =	shalt  }
0x4c: {  	_ =	shalt  }
0x4d: {  	_ =	shalt  }
0x4e: {  	_ =	shalt  }
0x4f: {  	_ =	shalt  }
0x50: {  	_ =	shalt  }
0x51: {  	_ =	shalt  }
0x52: {  	_ =	shalt  }
0x53: {  	_ =	shalt  }
0x54: {  	_ =	shalt  }
0x55: {  	_ =	shalt  }
0x56: {  	_ =	shalt  }
0x57: {  	_ =	shalt  }
0x58: {  	_ =	shalt  }
0x59: {  	_ =	shalt  }
0x5a: {  	_ =	shalt  }
0x5b: {  	_ =	shalt  }
0x5c: {  	_ =	shalt  }
0x5d: {  	_ =	shalt  }
0x5e: {  	_ =	shalt  }
0x5f: {  	_ =	shalt  }
0x60: {  	_ =	shalt  }
0x61: {  	_ =	shalt  }
0x62: {  	_ =	shalt  }
0x63: {  	_ =	shalt  }
0x64: {  	_ =	shalt  }
0x65: {  	_ =	shalt  }
0x66: {  	_ =	shalt  }
0x67: {  	_ =	shalt  }
0x68: {  	_ =	shalt  }
0x69: {  	_ =	shalt  }
0x6a: {  	_ =	shalt  }
0x6b: {  	_ =	shalt  }
0x6c: {  	_ =	shalt  }
0x6d: {  	_ =	shalt  }
0x6e: {  	_ =	shalt  }
0x6f: {  	_ =	shalt  }
0x70: {  	_ =	shalt  }
0x71: {  	_ =	shalt  }
0x72: {  	_ =	shalt  }
0x73: {  	_ =	shalt  }
0x74: {  	_ =	shalt  }
0x75: {  	_ =	shalt  }
0x76: {  	_ =	shalt  }
0x77: {  	_ =	shalt  }
0x78: {  	_ =	shalt  }
0x79: {  	_ =	shalt  }
0x7a: {  	_ =	shalt  }
0x7b: {  	_ =	shalt  }
0x7c: {  	_ =	shalt  }
0x7d: {  	_ =	shalt  }
0x7e: {  	_ =	shalt  }
0x7f: {  	_ =	shalt  }
0x80: {  	_ =	shalt  }
0x81: {  	_ =	shalt  }
0x82: {  	_ =	shalt  }
0x83: {  	_ =	shalt  }
0x84: {  	_ =	shalt  }
0x85: {  	_ =	shalt  }
0x86: {  	_ =	shalt  }
0x87: {  	_ =	shalt  }
.Lfunc_end0:
.L_simem_size_0:
called_computation.7_lowered:
.L_overlay_start_0:
0x88: {  	s2 =	sld [smem:$0x3FD9]  }
0x89: {  	s3 =	sld [smem:$0x3FFE];
	_ =	sdelay $0x1  }
0x8a: {  	s1 =	srdreg.scid  }
0x8b: {  	s0 =	sand.u32 $0x1, s1  }
0x8c: {  	s17 =	sshll.u32 s0, $0xA;
	s2 =	sadd.s32 s3, s2  }
0x8d: {  	s2 =	sadd.s32 s2, s17  }
0x8e: {  	[smem:$0x3FB9] =	sst s2  }
0x8f: {  	_ = 	snop  }
0x90: {  	(tm) =	ssettm $0x1  }
0x91: {  	s18 =	sld [smem:$0x3FFB];
	_ =	sdelay $0x3  }
0x92: {  	_ =	strace s18  }
0x93: {  	s2 =	sld [smem:$0x3FFC];
	_ =	sdelay $0x3  }
0x94: {  	_ =	strace s2  }
0x95: {  	s2 =	sld [smem:$0x3FFD];
	_ =	sdelay $0x3  }
0x96: {  	_ =	strace s2  }
0x97: {  	_ =	strace $0x8FFFFFFF  }
0x98: {  	s19 =	sld [smem:$0x3FDB];
	_ =	sdelay $0x1  }
0x99: {  	s20 =	simm.s32 $_scs_section_size  }
0x9a: {  	s4 =	simm.s32 $_size__tile_overlayer_lowered;
	s5 =	simm.s32 $_tile_overlayer_lowered  }
0x9b: {  	s6 =	simm.s32 $0x1BFF;
	s21 =	sshll.u32 s5, $0x1;
	s3 =	sadd.s32 s20, s19  }
0x9c: {  	s22 =	simm.s32 $0x0;
	s4 =	sshll.u32 s4, $0x1;
	s5 =	sadd.s32 s21, s3  }
0x9d: {  	[timem:s22], [sflag:s6] =	dma.local [hbm:s5], s4  }
0x9e: {  	_ =	swait.ge [sflag:s6], s4  }
0x9f: {  	s4 =	ssub.s32 $0x0, s4;
	[sflag:s6] =	ssyncset.done $0x0  }
0xa0: {  	[sflag:s6] =	ssyncadd.s32 s4;
	_ =	sdelay $0x1  }
0xa1: {  	s23 =	simm.s32 $0x1B8B  }
0xa2: {  	_ =	swait.ge [sflag:s23], $0x1  }
0xa3: {  	[sflag:s23] =	ssyncset.done $0x0  }
0xa4: {  	[sflag:s23] =	ssyncadd.s32 $0xFFFFFFFF  }
0xa5: {  	s4 =	sld [smem:$0x0]  }
0xa6: {  	s5 =	sand.u32 $0xFFFFFFFE, s1  }
0xa7: {  	p0 =	sne.s32 s1, s5  }
0xa8: {  	s5 =	sshll.u32 @p0 s5, $0xE  }
0xa9: {  	s5 =	sadd.s32 @p0 $0x11B8D, s5;
	s6 =	sshll.u32 @p0 s4, $0x11  }
0xaa: {  	s5 =	sor.u32 @p0 s6, s5  }
0xab: {  	[sflag:s5] =	ssyncadd.remote.s32 @p0 $0x1;
	_ =	sdelay $0x1  }
0xac: {  	s5 =	simm.s32 @p0 $0x1B8D  }
0xad: {  	_ =	swait.eq @p0 [sflag:s5], $0x1  }
0xae: {  	[sflag:s5] =	ssyncadd.s32 @p0 $0xFFFFFFFF  }
0xaf: {  	s6 =	sshll.u32 @!p0 s1, $0xE  }
0xb0: {  	s6 =	sor.u32 @!p0 $0x4000, s6;
	s5 =	simm.s32 @!p0 $0x1B8D  }
0xb1: {  	s4 =	sshll.u32 @!p0 s4, $0x11;
	s6 =	sadd.s32 @!p0 $0x11B8D, s6;
	_ =	swait.eq @!p0 [sflag:s5], $0x1  }
0xb2: {  	s4 =	sor.u32 @!p0 s4, s6;
	[sflag:s5] =	ssyncadd.s32 @!p0 $0xFFFFFFFF  }
0xb3: {  	s25 =	simm.s32 $0x1B8E;
	s24 =	sld [smem:$0x3FFE];
	[sflag:s4] =	ssyncadd.remote.s32 @!p0 $0x1  }
0xb4: {  	s26 =	simm.s32 $execute0_lowered;
	[smem:$0x3FD2] =	sst s25  }
0xb5: {  	s5 =	sshll.u32 s26, $0x1;
	_ =	strace $0x8000005B;
	[dreg:$0x1] =	wrdreg $0xFFFFFFFF  }
0xb6: {  	s28 =	simm.s32 $_size_execute0_lowered;
	s3 =	sadd.s32 s3, s5;
	[dreg:$0x0] =	wrdreg $0x0  }
0xb7: {  	s5 =	sshll.u32 s28, $0x1;
	[dreg:$0x2] =	wrdreg s3  }
0xb8: {  	[dreg:$0x3] =	wrdreg s5  }
0xb9: {  	[dreg:$0x4] =	wrdreg $0xC0  }
0xba: {  	_ =	task [dreg:s22], $0x5FFFF  }
0xbb: {  	[dreg:$0x1] =	wrdreg $0xFFFFFFFF  }
0xbc: {  	[dreg:$0x0] =	wrdreg $0x60  }
0xbd: {  	[dreg:$0x2] =	wrdreg s24  }
0xbe: {  	[dreg:$0x3] =	wrdreg $0x10  }
0xbf: {  	_ =	task.clear_ibuf [dreg:s22], $0x4FFFF;
	_ =	strace $0x9000005B  }
0xc0: {  	s29 =	simm.s32 $0x10;
	_ =	strace $0x8000005D  }
0xc1: {  	_ =	swait.ge [sflag:s29], $0x1  }
0xc2: {  	[sflag:s29] =	ssyncadd.s32 $0xFFFFFFFF  }
0xc3: {  	_ =	strace $0x9000005D  }
0xc4: {  	_ =	sfence  }
0xc5: {  	s30 =	sld [smem:$0x0];
	_ =	sdelay $0x2  }
0xc6: {  	s31 =	sshll.u32 s1, $0xD;
	s1 =	sshrl.u32 s1, $0x2  }
0xc7: {  	s4 =	sand.u32 $0x4000, s31;
	s1 =	sadd.s32 s1, s30  }
0xc8: {  	s0 =	sor.u32 s4, s0;
	s1 =	sshll.u32 s1, $0x11  }
0xc9: {  	s0 =	sor.u32 s1, s0  }
0xca: {  	s0 =	sadd.s32 $0x8F2B, s0  }
0xcb: {  	[sflag:s0] =	ssyncadd.remote.s32 $0x1  }
0xcc: {  	_ =	sfence.sel $0xFFFF  }
0xcd: {  	[dreg:$0x0] =	wrdreg $0xFFFFFFFF;
	(pc) =	sbr.abs _section_cstart, $3  }
0xce: {  	[dreg:$0x1] =	wrdreg $0xFFFFFFFF  }
0xcf: {  	_ =	task.clear_ibuf [dreg:s22], $0x2FFFF;
	_ =	strace $0x9FFFFFFF  }
0xd0: {  	(tm) =	ssettm $0x7FFFFFFF  }
0xd1: {  	_ =	shalt  }
tec
execute0_lowered:
.L_overlay_start_1:
0x0: {  	(tag) =	ssettag $0x1  }
0x1: {  	s0 =	srdreg.scid;
	s1 =	stileid.u32  }
0x2: {  	s5 =	rddreg [dreg:$0x0];
	s17 =	simm.s32 $0xA00;
	s4 =	simm.s32 $0xE00  }
0x3: {  	s18 =	simm.s32 $0x1600;
	s19 =	simm.s32 $0x1A00;
	s20 =	simm.s32 $0x2200  }
0x4: {  	s21 =	simm.s32 $0x2600;
	s22 =	simm.s32 $0x2E00;
	s0 =	sand.u32 $0x1, s0  }
0x5: {  	s23 =	simm.s32 $0x3200;
	s1 =	sshll.u32 s1, $0xA;
	s2 =	sshll.u32 s0, $0x9  }
0x6: {  	s24 =	simm.s32 $0x3A00;
	s1 =	sor.u32 s2, s1;
	s2 =	simm.s32 $0x0  }
0x7: {  	s25 =	simm.s32 $0x3E00;
	s7 =	simm.s32 $0x2;
	[smem:$0x7FF] =	sst s2  }
0x8: {  	s26 =	simm.s32 $0x4600;
	_ =	strace $0x8000005C;
	[dreg:$0x3] =	wrdreg s17  }
0x9: {  	s8 =	simm.s32 $0x200;
	s9 =	simm.s32 $0x4A00;
	[dreg:$0x4] =	wrdreg s4  }
0xa: {  	s10 =	simm.s32 $0x5200;
	s11 =	simm.s32 $0x5600;
	[dreg:$0x5] =	wrdreg s18  }
0xb: {  	s12 =	simm.s32 $0x5E00;
	s13 =	simm.s32 $0x6200;
	[dreg:$0x6] =	wrdreg s19  }
0xc: {  	s14 =	simm.s32 $0x6A00;
	s15 =	simm.s32 $0x6E00;
	[dreg:$0x7] =	wrdreg s20  }
0xd: {  	s16 =	simm.s32 $0x7600;
	s28 =	simm.s32 $0xB600;
	[dreg:$0x8] =	wrdreg s21  }
0xe: {  	s29 =	simm.s32 $0xBE00;
	s30 =	simm.s32 $0x1;
	[dreg:$0x9] =	wrdreg s22  }
0xf: {  	s31 =	simm.s32 $0x0;
	s0 =	ssub.s32 $0x2, s0;
	[dreg:$0xa] =	wrdreg s23  }
0x10: {  	s6 =	sshrl.u32 s0, $0x1;
	s1 =	sshrl.u32 s1, $0x3;
	[dreg:$0xb] =	wrdreg s24  }
0x11: {  	s0 =	ssub.s32 s0, s6;
	s3 =	smul.u32 $0x180, s1;
	[dreg:$0xc] =	wrdreg s25  }
0x12: {  	s1 =	sadd.s32 s1, s5;
	s0 =	smax.u32 s0, $0x1;
	[dreg:$0xd] =	wrdreg s26  }
0x13: {  	s17 =	simm.s32 $0x7A00;
	s18 =	simm.s32 $0x8200;
	s19 =	simm.s32 $0x8600  }
0x14: {  	s20 =	simm.s32 $0x8E00;
	s21 =	simm.s32 $0x9200;
	s22 =	simm.s32 $0x9A00  }
0x15: {  	s23 =	simm.s32 $0x9E00;
	s24 =	simm.s32 $0xA600;
	s25 =	simm.s32 $0xAA00  }
0x16: {  	v2 =	vlaneseq.u32;
	s1 =	sadd.s32 $0xC600, s1;
	[dreg:$0xf] =	wrdreg s0;
	s3 =	sadd.s32 s3, s5  }
0x17: {  	vm0 =	vmmov $0xffff;
	vm1 =	vmmov $0xff;
	v1 =	vshrl.u32 v2, $0x3;
	s26 =	simm.s32 $0xB200;
	[dreg:$0xe] =	wrdreg s1;
	s3 =	sadd.s32 $0x5CCE00, s3  }
0x18: {  	v0 =	vand.u32 $0x7, v2;
	v2 =	vor.u32 $0x8, v2;
	v1 =	vmul.u32 $0x8, v1;
	[dreg:$0x2] =	wrdreg s3;
	s3 =	sadd.s32 $0x2CE00, s5;
	s5 =	sadd.s32 $0x2CF00, s5  }
.LBB2_1:
0x19: {  	s0 =	rddreg [dreg:$0xe]  }
0x1a: {  	[tilespmem:s2], [sflag:$0x2] =	stream.linear.gather [hbm4b:s0+s2], $0x200, $0x38;
	[tilespmem:$0xC200] =	vst v63  }
0x1b: {  	_ =	swait.ge [sflag:s7], $0x200  }
0x1c: {  	[sflag:s7] =	ssyncset.done $0x0  }
0x1d: {  	s1 =	simm.s32 $0x40;
	s0 =	simm.s32 $0x0;
	[sflag:s7] =	ssyncadd.s32 $0xFFFFFE00  }
.LBB2_2:
0x1e: {  	v3 =	vld [tilespmem:s1+$0xFFFFFFC0];
	_ =	sdelay $0x4  }
0x1f: {  	v4 =	vshrl.u32 v3, $0x3  }
0x20: {  	v4 =	vmul.u32 $0x18, v4  }
0x21: {  	v3 =	vand.u32 $0x7, v3  }
0x22: {  	v3 =	vor.u32 v3, v4  }
0x23: {  	v4 =	vperm.xlane v3, v0;
	_ =	sdelay $0x1  }
0x24: {  	v4 =	vadd.s32 v1, v4;
	_ =	sdelay $0x1  }
0x25: {  	v3 =	vperm.xlane v3, v2;
	_ =	sdelay $0x1  }
0x26: {  	v3 =	vadd.s32 v1, v3  }
0x27: {  	[tilespmem:s8], [sflag:$0x1] =	stream.indirect_vreg.gather [hbm4b:s3+s2], $0x80, v4, vm0, $0xb8;
	[tilespmem:$0xC200] =	vst v63  }
0x28: {  	s4 =	rddreg [dreg:$0x3]  }
0x29: {  	[tilespmem:s4], [sflag:$0x1] =	stream.indirect_vreg.gather [hbm4b:s5+s2], $0x80, v4, vm1, $0xb8;
	[tilespmem:$0xC200] =	vst v63  }
0x2a: {  	s6 =	rddreg [dreg:$0x4]  }
0x2b: {  	[tilespmem:s6], [sflag:$0x1] =	stream.indirect_vreg.gather [hbm4b:s3+s2], $0x80, v3, vm0, $0xb8;
	[tilespmem:$0xC200] =	vst v63  }
0x2c: {  	s4 =	rddreg [dreg:$0x5]  }
0x2d: {  	[tilespmem:s4], [sflag:$0x1] =	stream.indirect_vreg.gather [hbm4b:s5+s2], $0x80, v3, vm1, $0xb8;
	[tilespmem:$0xC200] =	vst v63  }
0x2e: {  	v3 =	vld [tilespmem:s1+$0xFFFFFFD0];
	_ =	sdelay $0x4  }
0x2f: {  	v57 =	vshrl.u32 v3, $0x3  }
0x30: {  	v4 =	vmul.u32 $0x18, v57  }
0x31: {  	v3 =	vand.u32 $0x7, v3  }
0x32: {  	v3 =	vor.u32 v3, v4  }
0x33: {  	v4 =	vperm.xlane v3, v0;
	_ =	sdelay $0x1  }
0x34: {  	v4 =	vadd.s32 v1, v4;
	_ =	sdelay $0x1  }
0x35: {  	v3 =	vperm.xlane v3, v2;
	_ =	sdelay $0x1  }
0x36: {  	s4 =	rddreg [dreg:$0x6];
	v3 =	vadd.s32 v1, v3  }
0x37: {  	[tilespmem:s4], [sflag:$0x1] =	stream.indirect_vreg.gather [hbm4b:s3+s2], $0x80, v4, vm0, $0xb8;
	[tilespmem:$0xC200] =	vst v63  }
0x38: {  	s6 =	rddreg [dreg:$0x7]  }
0x39: {  	[tilespmem:s6], [sflag:$0x1] =	stream.indirect_vreg.gather [hbm4b:s5+s2], $0x80, v4, vm1, $0xb8;
	[tilespmem:$0xC200] =	vst v63  }
0x3a: {  	s4 =	rddreg [dreg:$0x8]  }
0x3b: {  	[tilespmem:s4], [sflag:$0x1] =	stream.indirect_vreg.gather [hbm4b:s3+s2], $0x80, v3, vm0, $0xb8;
	[tilespmem:$0xC200] =	vst v63  }
0x3c: {  	s6 =	rddreg [dreg:$0x9]  }
0x3d: {  	[tilespmem:s6], [sflag:$0x1] =	stream.indirect_vreg.gather [hbm4b:s5+s2], $0x80, v3, vm1, $0xb8;
	[tilespmem:$0xC200] =	vst v63  }
0x3e: {  	v3 =	vld [tilespmem:s1+$0xFFFFFFE0];
	_ =	sdelay $0x4  }
0x3f: {  	v58 =	vshrl.u32 v3, $0x3  }
0x40: {  	v4 =	vmul.u32 $0x18, v58  }
0x41: {  	v3 =	vand.u32 $0x7, v3  }
0x42: {  	v3 =	vor.u32 v3, v4  }
0x43: {  	v4 =	vperm.xlane v3, v0;
	_ =	sdelay $0x1  }
0x44: {  	v4 =	vadd.s32 v1, v4;
	_ =	sdelay $0x1  }
0x45: {  	v3 =	vperm.xlane v3, v2;
	_ =	sdelay $0x1  }
0x46: {  	s4 =	rddreg [dreg:$0xa];
	v3 =	vadd.s32 v1, v3  }
0x47: {  	[tilespmem:s4], [sflag:$0x1] =	stream.indirect_vreg.gather [hbm4b:s3+s2], $0x80, v4, vm0, $0xb8;
	[tilespmem:$0xC200] =	vst v63  }
0x48: {  	s6 =	rddreg [dreg:$0xb]  }
0x49: {  	[tilespmem:s6], [sflag:$0x1] =	stream.indirect_vreg.gather [hbm4b:s5+s2], $0x80, v4, vm1, $0xb8;
	[tilespmem:$0xC200] =	vst v63  }
0x4a: {  	s4 =	rddreg [dreg:$0xc]  }
0x4b: {  	[tilespmem:s4], [sflag:$0x1] =	stream.indirect_vreg.gather [hbm4b:s3+s2], $0x80, v3, vm0, $0xb8;
	[tilespmem:$0xC200] =	vst v63  }
0x4c: {  	s6 =	rddreg [dreg:$0xd]  }
0x4d: {  	[tilespmem:s6], [sflag:$0x1] =	stream.indirect_vreg.gather [hbm4b:s5+s2], $0x80, v3, vm1, $0xb8;
	[tilespmem:$0xC200] =	vst v63  }
0x4e: {  	v3 =	vld [tilespmem:s1+$0xFFFFFFF0];
	_ =	sdelay $0x4  }
0x4f: {  	v59 =	vshrl.u32 v3, $0x3  }
0x50: {  	v4 =	vmul.u32 $0x18, v59  }
0x51: {  	v3 =	vand.u32 $0x7, v3  }
0x52: {  	v3 =	vor.u32 v3, v4  }
0x53: {  	v4 =	vperm.xlane v3, v0;
	_ =	sdelay $0x1  }
0x54: {  	v4 =	vadd.s32 v1, v4;
	_ =	sdelay $0x1  }
0x55: {  	v3 =	vperm.xlane v3, v2;
	_ =	sdelay $0x1  }
0x56: {  	v3 =	vadd.s32 v1, v3  }
0x57: {  	[tilespmem:s9], [sflag:$0x1] =	stream.indirect_vreg.gather [hbm4b:s3+s2], $0x80, v4, vm0, $0xb8;
	[tilespmem:$0xC200] =	vst v63  }
0x58: {  	_ = 	snop  }
0x59: {  	[tilespmem:s10], [sflag:$0x1] =	stream.indirect_vreg.gather [hbm4b:s5+s2], $0x80, v4, vm1, $0xb8;
	[tilespmem:$0xC200] =	vst v63  }
0x5a: {  	_ = 	snop  }
0x5b: {  	[tilespmem:s11], [sflag:$0x1] =	stream.indirect_vreg.gather [hbm4b:s3+s2], $0x80, v3, vm0, $0xb8;
	[tilespmem:$0xC200] =	vst v63  }
0x5c: {  	_ = 	snop  }
0x5d: {  	[tilespmem:s12], [sflag:$0x1] =	stream.indirect_vreg.gather [hbm4b:s5+s2], $0x80, v3, vm1, $0xb8;
	[tilespmem:$0xC200] =	vst v63  }
0x5e: {  	v3 =	vld [tilespmem:s1+$0x0];
	_ =	sdelay $0x4  }
0x5f: {  	v60 =	vshrl.u32 v3, $0x3  }
0x60: {  	v4 =	vmul.u32 $0x18, v60  }
0x61: {  	v3 =	vand.u32 $0x7, v3  }
0x62: {  	v3 =	vor.u32 v3, v4  }
0x63: {  	v4 =	vperm.xlane v3, v0;
	_ =	sdelay $0x1  }
0x64: {  	v4 =	vadd.s32 v1, v4;
	_ =	sdelay $0x1  }
0x65: {  	v3 =	vperm.xlane v3, v2;
	_ =	sdelay $0x1  }
0x66: {  	v3 =	vadd.s32 v1, v3  }
0x67: {  	[tilespmem:s13], [sflag:$0x1] =	stream.indirect_vreg.gather [hbm4b:s3+s2], $0x80, v4, vm0, $0xb8;
	[tilespmem:$0xC200] =	vst v63  }
0x68: {  	_ = 	snop  }
0x69: {  	[tilespmem:s14], [sflag:$0x1] =	stream.indirect_vreg.gather [hbm4b:s5+s2], $0x80, v4, vm1, $0xb8;
	[tilespmem:$0xC200] =	vst v63  }
0x6a: {  	_ = 	snop  }
0x6b: {  	[tilespmem:s15], [sflag:$0x1] =	stream.indirect_vreg.gather [hbm4b:s3+s2], $0x80, v3, vm0, $0xb8;
	[tilespmem:$0xC200] =	vst v63  }
0x6c: {  	_ = 	snop  }
0x6d: {  	[tilespmem:s16], [sflag:$0x1] =	stream.indirect_vreg.gather [hbm4b:s5+s2], $0x80, v3, vm1, $0xb8;
	[tilespmem:$0xC200] =	vst v63  }
0x6e: {  	v3 =	vld [tilespmem:s1+$0x10];
	_ =	sdelay $0x4  }
0x6f: {  	v61 =	vshrl.u32 v3, $0x3  }
0x70: {  	v4 =	vmul.u32 $0x18, v61  }
0x71: {  	v3 =	vand.u32 $0x7, v3  }
0x72: {  	v3 =	vor.u32 v3, v4  }
0x73: {  	v4 =	vperm.xlane v3, v0;
	_ =	sdelay $0x1  }
0x74: {  	v4 =	vadd.s32 v1, v4;
	_ =	sdelay $0x1  }
0x75: {  	v3 =	vperm.xlane v3, v2;
	_ =	sdelay $0x1  }
0x76: {  	v3 =	vadd.s32 v1, v3  }
0x77: {  	[tilespmem:s17], [sflag:$0x1] =	stream.indirect_vreg.gather [hbm4b:s3+s2], $0x80, v4, vm0, $0xb8;
	[tilespmem:$0xC200] =	vst v63  }
0x78: {  	_ = 	snop  }
0x79: {  	[tilespmem:s18], [sflag:$0x1] =	stream.indirect_vreg.gather [hbm4b:s5+s2], $0x80, v4, vm1, $0xb8;
	[tilespmem:$0xC200] =	vst v63  }
0x7a: {  	_ = 	snop  }
0x7b: {  	[tilespmem:s19], [sflag:$0x1] =	stream.indirect_vreg.gather [hbm4b:s3+s2], $0x80, v3, vm0, $0xb8;
	[tilespmem:$0xC200] =	vst v63  }
0x7c: {  	_ = 	snop  }
0x7d: {  	[tilespmem:s20], [sflag:$0x1] =	stream.indirect_vreg.gather [hbm4b:s5+s2], $0x80, v3, vm1, $0xb8;
	[tilespmem:$0xC200] =	vst v63  }
0x7e: {  	v3 =	vld [tilespmem:s1+$0x20];
	_ =	sdelay $0x4  }
0x7f: {  	v62 =	vshrl.u32 v3, $0x3  }
0x80: {  	v4 =	vmul.u32 $0x18, v62  }
0x81: {  	v3 =	vand.u32 $0x7, v3  }
0x82: {  	v3 =	vor.u32 v3, v4  }
0x83: {  	v4 =	vperm.xlane v3, v0;
	_ =	sdelay $0x1  }
0x84: {  	v4 =	vadd.s32 v1, v4;
	_ =	sdelay $0x1  }
0x85: {  	v3 =	vperm.xlane v3, v2;
	_ =	sdelay $0x1  }
0x86: {  	v3 =	vadd.s32 v1, v3  }
0x87: {  	[tilespmem:s21], [sflag:$0x1] =	stream.indirect_vreg.gather [hbm4b:s3+s2], $0x80, v4, vm0, $0xb8;
	[tilespmem:$0xC200] =	vst v63  }
0x88: {  	_ = 	snop  }
0x89: {  	[tilespmem:s22], [sflag:$0x1] =	stream.indirect_vreg.gather [hbm4b:s5+s2], $0x80, v4, vm1, $0xb8;
	[tilespmem:$0xC200] =	vst v63  }
0x8a: {  	_ = 	snop  }
0x8b: {  	[tilespmem:s23], [sflag:$0x1] =	stream.indirect_vreg.gather [hbm4b:s3+s2], $0x80, v3, vm0, $0xb8;
	[tilespmem:$0xC200] =	vst v63  }
0x8c: {  	_ = 	snop  }
0x8d: {  	[tilespmem:s24], [sflag:$0x1] =	stream.indirect_vreg.gather [hbm4b:s5+s2], $0x80, v3, vm1, $0xb8;
	[tilespmem:$0xC200] =	vst v63  }
0x8e: {  	v3 =	vld [tilespmem:s1+$0x30];
	_ =	sdelay $0x4  }
0x8f: {  	v63 =	vshrl.u32 v3, $0x3  }
0x90: {  	v4 =	vmul.u32 $0x18, v63  }
0x91: {  	v3 =	vand.u32 $0x7, v3  }
0x92: {  	v3 =	vor.u32 v3, v4  }
0x93: {  	v4 =	vperm.xlane v3, v0;
	_ =	sdelay $0x1  }
0x94: {  	v4 =	vadd.s32 v1, v4;
	_ =	sdelay $0x1  }
0x95: {  	v3 =	vperm.xlane v3, v2;
	_ =	sdelay $0x1  }
0x96: {  	v3 =	vadd.s32 v1, v3  }
0x97: {  	[tilespmem:s25], [sflag:$0x1] =	stream.indirect_vreg.gather [hbm4b:s3+s2], $0x80, v4, vm0, $0xb8;
	[tilespmem:$0xC200] =	vst v63  }
0x98: {  	_ = 	snop  }
0x99: {  	[tilespmem:s26], [sflag:$0x1] =	stream.indirect_vreg.gather [hbm4b:s5+s2], $0x80, v4, vm1, $0xb8;
	[tilespmem:$0xC200] =	vst v63  }
0x9a: {  	_ = 	snop  }
0x9b: {  	[tilespmem:s28], [sflag:$0x1] =	stream.indirect_vreg.gather [hbm4b:s3+s2], $0x80, v3, vm0, $0xb8;
	[tilespmem:$0xC200] =	vst v63  }
0x9c: {  	_ = 	snop  }
0x9d: {  	[tilespmem:s29], [sflag:$0x1] =	stream.indirect_vreg.gather [hbm4b:s5+s2], $0x80, v3, vm1, $0xb8;
	[tilespmem:$0xC200] =	vst v63  }
0x9e: {  	_ =	swait.ge [sflag:s30], $0xC000  }
0x9f: {  	p0 =	sne.s32 s0, $0x4800;
	s6 =	rddreg [dreg:$0x2];
	[sflag:s30] =	ssyncset.done $0x0  }
.Ltmp0:
0xa0: {  	[sflag:s30] =	ssyncadd.s32 $0xFFFF4000;
	s4 =	sadd.s32 s0, s6;
	(pc) =	sbr.rel @p0 .LBB2_2-.Ltmp0, $4  }
0xa1: {  	[hbm4b:s4+s2] =	stream.linear.scatter [tilespmem:s8], [sflag:$0x2], $0xC000, $0x38;
	[tilespmem:$0xC200] =	vst v63  }
0xa2: {  	_ =	swait.ge [sflag:s7], $0xC000  }
0xa3: {  	[sflag:s7] =	ssyncset.done $0x0  }
0xa4: {  	s1 =	sadd.s32 $0x80, s1;
	s0 =	sadd.s32 $0x1800, s0;
	[sflag:s7] =	ssyncadd.s32 $0xFFFF4000  }
0xa5: {  	s31 =	sadd.s32 $0x1, s31;
	s0 =	rddreg [dreg:$0xf]  }
0xa6: {  	p0 =	sne.s32 s31, s0  }
.Ltmp1:
0xa7: {  	_ = 	snop;
	(pc) =	sbr.rel @p0 .LBB2_1-.Ltmp1, $1  }
0xa8: {  	_ =	sdelay $0x3  }
0xa9: {  	_ =	sfence.sel $0x180000  }
0xaa: {  	[bflag:$0x0] =	sbarrier.arrive $0xFFFF  }
0xab: {  	_ =	strace $0x9000005C  }
0xac: {  	s0 =	stileid.u32;
	[bflag:$0x2] =	sbarrier.arrive $0xFFFF  }
0xad: {  	p0 =	sne.s32 s0, $0x0;
	s0 =	rddreg [dreg:$0x1]  }
0xae: {  	s0 =	sadd.s32 @!p0 $0x100000, s0  }
0xaf: {  	[sflag:s0] =	ssyncadd.tile.s32 @!p0 $0x1;
	_ =	shalt  }
.Lfunc_end2:
_tile_overlayer_lowered:
.L_overlay_start_2:
0xb0: {  	(tag) =	ssettag $0x2  }
0xb1: {  	s0 =	rddreg [dreg:$0x0];
	s2 =	stileid.u32  }
0xb2: {  	s1 =	rddreg [dreg:$0x1];
	p0 =	sne.s32 s2, $0x0  }
0xb3: {  	s3 =	rddreg [dreg:$0x2];
	[bflag:$0x3] =	sbarrier.arrive $0xFFFF;
	s2 =	simm.s32 @!p0 $0x1C02  }
0xb4: {  	[timem:s3], [sflag:s2] =	dma.local @!p0 [hbm:s0], s1  }
0xb5: {  	s0 =	simm.s32 @!p0 $0x2  }
0xb6: {  	_ =	swait.ge @!p0 [sflag:s0], s1  }
0xb7: {  	s1 =	ssub.s32 @!p0 $0x0, s1;
	[sflag:s0] =	ssyncset.done @!p0 $0x0  }
0xb8: {  	[sflag:s0] =	ssyncadd.s32 @!p0 s1  }
0xb9: {  	[bflag:$0x3] =	sbarrier.arrive $0xFFFF  }
0xba: {  	_ =	shalt  }

</sc_bundles>
